<compile_context>
chip_gen: v7x
topology: tpu7x:2x2x1
jax: 0.10.2.dev20260603
libtpu: 0.0.44.dev20260713+nightly
codegen_flags: <defaults>
</compile_context>

<pallas_src>
import functools

import jax
import jax.numpy as jnp
from jax import lax
from jax.experimental import pallas as pl
from jax.experimental.pallas import tpu as pltpu
from jax.experimental.pallas import tpu_sc as plsc

N = 10000
E = 320000
D = 128

NC = 2
NS = 16
L = 16
NW = NC * NS
N_PAD = 10240
EW = E // NW
EPT = E // NS
K = 64
EWP = 10240
NCH = EWP // K
NB = 4
NGRP = NCH // NB
SL = N_PAD // NS
ZR = 32

_mesh = plsc.VectorSubcoreMesh(core_axis_name="c", subcore_axis_name="s")


@functools.partial(
    pl.kernel,
    out_type=(
        jax.ShapeDtypeStruct((N_PAD,), jnp.float32),
        jax.ShapeDtypeStruct((NW, N_PAD), jnp.float32),
    ),
    mesh=_mesh,
    compiler_params=pltpu.CompilerParams(needs_layout_passes=False),
    scratch_types=[
        pltpu.VMEM((EPT,), jnp.int32),
        pltpu.VMEM((N_PAD,), jnp.float32),
        pltpu.VMEM((NS, SL), jnp.float32),
        pltpu.VMEM((SL,), jnp.float32),
        pltpu.VMEM((N_PAD,), jnp.float32),
        pltpu.VMEM((EW,), jnp.int32),
        pltpu.VMEM((EW,), jnp.int32),
        pltpu.VMEM((N_PAD,), jnp.float32),
        pltpu.VMEM_SHARED((NS, N_PAD), jnp.float32),
        pltpu.VMEM_SHARED((N_PAD,), jnp.float32),
        [pltpu.SemaphoreType.DMA] * 3,
    ],
)
def _sc_deg_cs(src_hbm, dst_hbm, dinv_hbm, cs_hbm,
               dstbuf, degbuf, redbuf, dslice, dinvbuf,
               srcb, dstb, csbuf, deg_stage, dinv_sh, sems):
    c = lax.axis_index("c")
    s = lax.axis_index("s")
    wid = s * NC + c
    zeros = jnp.zeros((L,), jnp.float32)
    ones = jnp.ones((L,), jnp.float32)

    pltpu.async_copy(dst_hbm.at[pl.ds(s * EPT, EPT)], dstbuf, sems[0])
    pltpu.async_copy(src_hbm.at[pl.ds(wid * EW, EW)], srcb, sems[1])
    pltpu.async_copy(dst_hbm.at[pl.ds(wid * EW, EW)], dstb, sems[2])

    @pl.loop(0, N_PAD // L)
    def _(i):
        degbuf[pl.ds(i * L, L)] = zeros
        csbuf[pl.ds(i * L, L)] = zeros

    pltpu.make_async_copy(dst_hbm.at[pl.ds(s * EPT, EPT)], dstbuf,
                          sems[0]).wait()

    @pl.loop(0, EPT // L, unroll=8)
    def _(i):
        dv = dstbuf[pl.ds(i * L, L)]
        plsc.addupdate_scatter(degbuf, [dv], ones)

    pltpu.sync_copy(degbuf, deg_stage.at[s])
    plsc.subcore_barrier()

    pltpu.sync_copy(deg_stage.at[:, pl.ds(s * SL, SL)], redbuf)

    @pl.loop(0, SL // L)
    def _(j):
        v = redbuf[0, pl.ds(j * L, L)]
        for r in range(1, NS):
            v = v + redbuf[r, pl.ds(j * L, L)]
        dg = v + 1.0
        bits = plsc.bitcast(dg, jnp.int32)
        bits = jnp.int32(0x5F3759DF) - (bits >> 1)
        y = plsc.bitcast(bits, jnp.float32)
        for _ in range(3):
            y = y * (1.5 - 0.5 * dg * y * y)
        gidx = s * SL + j * L + lax.iota(jnp.int32, L)
        y = jnp.where(gidx < N, y, 0.0)
        dslice[pl.ds(j * L, L)] = y

    pltpu.sync_copy(dslice, dinv_sh.at[pl.ds(s * SL, SL)])

    @pl.when(c == 0)
    def _():
        pltpu.sync_copy(dslice, dinv_hbm.at[pl.ds(s * SL, SL)])

    plsc.subcore_barrier()
    pltpu.sync_copy(dinv_sh, dinvbuf)

    pltpu.make_async_copy(src_hbm.at[pl.ds(wid * EW, EW)], srcb,
                          sems[1]).wait()
    pltpu.make_async_copy(dst_hbm.at[pl.ds(wid * EW, EW)], dstb,
                          sems[2]).wait()

    @pl.loop(0, EW // L, unroll=8)
    def _(i):
        sv = srcb[pl.ds(i * L, L)]
        dv = dstb[pl.ds(i * L, L)]
        g = plsc.load_gather(dinvbuf, [dv])
        plsc.addupdate_scatter(csbuf, [sv], g)

    pltpu.sync_copy(csbuf, cs_hbm.at[wid])


@functools.partial(
    pl.kernel,
    out_type=jax.ShapeDtypeStruct((NC, N_PAD, D), jnp.float32),
    mesh=_mesh,
    compiler_params=pltpu.CompilerParams(needs_layout_passes=False),
    scratch_types=[
        pltpu.VMEM((NB, K), jnp.int32),
        pltpu.VMEM((NB, K), jnp.int32),
        pltpu.VMEM((NB, K, D), jnp.float32),
        pltpu.VMEM((ZR, D), jnp.float32),
        pltpu.VMEM_SHARED((N_PAD, D), jnp.float32),
        [pltpu.SemaphoreType.DMA] * NB,
        [pltpu.SemaphoreType.DMA] * NB,
        [pltpu.SemaphoreType.DMA] * NB,
        [pltpu.SemaphoreType.DMA] * NB,
        pltpu.SemaphoreType.DMA,
    ],
)
def _sc_edge_pass(g_hbm, src3_hbm, dst3_hbm, acc_hbm,
                  srcidx, dstidx, rowsbuf, zbuf, acc_sh,
                  semrow, semadd, semsrc, semdst, semz):
    c = lax.axis_index("c")
    s = lax.axis_index("s")
    wid = s * NC + c
    zeros = jnp.zeros((L,), jnp.float32)
    rows = tuple(rowsbuf.at[b] for b in range(NB))

    for b in range(NB):
        pltpu.sync_copy(src3_hbm.at[wid, b], srcidx.at[b])
        pltpu.sync_copy(dst3_hbm.at[wid, b], dstidx.at[b])
    for b in range(NB):
        pltpu.async_copy(g_hbm.at[srcidx.at[b]], rows[b], semrow[b])

    @pl.loop(0, ZR)
    def _(i):
        for j in range(D // L):
            zbuf[i, pl.ds(j * L, L)] = zeros

    for k in range(SL // ZR):
        pltpu.async_copy(zbuf, acc_sh.at[pl.ds(s * SL + k * ZR, ZR)], semz)
    for k in range(SL // ZR):
        pltpu.make_async_copy(zbuf, acc_sh.at[pl.ds(s * SL, ZR)], semz).wait()
    plsc.subcore_barrier()

    def _service_prev(grp, b):
        pb = (b - 1) % NB
        pnxt = grp * NB + b - 1 + NB
        pltpu.make_async_copy(rows[pb], acc_sh.at[dstidx.at[pb]],
                              semadd[pb]).wait()

        @pl.when(pnxt < NCH)
        def _():
            pltpu.async_copy(dst3_hbm.at[wid, pnxt], dstidx.at[pb],
                             semdst[pb])
            pltpu.make_async_copy(src3_hbm.at[wid, pnxt], srcidx.at[pb],
                                  semsrc[pb]).wait()
            pltpu.async_copy(g_hbm.at[srcidx.at[pb]], rows[pb], semrow[pb])

    @pl.loop(0, NGRP)
    def _(grp):
        for b in range(NB):
            gch = grp * NB + b
            pltpu.make_async_copy(g_hbm.at[srcidx.at[b]], rows[b],
                                  semrow[b]).wait()

            @pl.when(grp > 0)
            def _():
                pltpu.make_async_copy(dst3_hbm.at[wid, gch], dstidx.at[b],
                                      semdst[b]).wait()

            if b == 0:
                @pl.when(grp > 0)
                def _():
                    _service_prev(grp, b)
            else:
                _service_prev(grp, b)

            pltpu.async_copy(rows[b], acc_sh.at[dstidx.at[b]], semadd[b],
                             add=True)

            @pl.when(gch + NB < NCH)
            def _():
                pltpu.async_copy(src3_hbm.at[wid, gch + NB], srcidx.at[b],
                                 semsrc[b])

    pltpu.make_async_copy(rows[NB - 1], acc_sh.at[dstidx.at[NB - 1]],
                          semadd[NB - 1]).wait()

    plsc.subcore_barrier()
    pltpu.sync_copy(acc_sh.at[pl.ds(s * SL, SL)], acc_hbm.at[c, pl.ds(s * SL, SL)])


_BN = 640
_GRID = N_PAD // _BN


def _tc_matmul(x_ref, w_ref, h_ref):
    h_ref[...] = jnp.dot(x_ref[...], w_ref[...],
                         preferred_element_type=jnp.float32)


def _tc_scale(h_ref, dinv_ref, g_ref):
    g_ref[...] = h_ref[...] * dinv_ref[...]


def _tc_finish(acc0_ref, acc1_ref, g_ref, dinv_ref, cs_ref, b1_ref,
               w2_ref, b2_ref, out_ref, p_acc):
    i = pl.program_id(0)

    @pl.when(i == 0)
    def _():
        p_acc[...] = jnp.zeros_like(p_acc)

    dinv = dinv_ref[...]
    out1 = dinv * (acc0_ref[...] + acc1_ref[...] + g_ref[...]) + b1_ref[...]
    r = jnp.maximum(out1, 0.0)
    csum = jnp.sum(cs_ref[...], axis=0)
    cvec = dinv[:, 0] * csum + dinv[:, 0] * dinv[:, 0]
    p_acc[...] += jnp.dot(cvec[None, :], r, preferred_element_type=jnp.float32)

    @pl.when(i == _GRID - 1)
    def _():
        out_ref[...] = (jnp.dot(p_acc[...], w2_ref[...],
                                preferred_element_type=jnp.float32)
                        * (1.0 / N) + b2_ref[...])


def kernel(x, edge_index, batch, W1, b1, W2, b2):
    del batch
    src = edge_index[0]
    dst = edge_index[1]
    src3 = jnp.pad(src.reshape(NW, EW), ((0, 0), (0, EWP - EW))).reshape(NW, NCH, K)
    dst3 = jnp.pad(dst.reshape(NW, EW), ((0, 0), (0, EWP - EW)),
                   constant_values=N).reshape(NW, NCH, K)

    x_pad = jnp.pad(x, ((0, N_PAD - N), (0, 0)))
    h1 = pl.pallas_call(
        _tc_matmul,
        grid=(_GRID,),
        in_specs=[
            pl.BlockSpec((_BN, D), lambda i: (i, 0)),
            pl.BlockSpec((D, D), lambda i: (0, 0)),
        ],
        out_specs=pl.BlockSpec((_BN, D), lambda i: (i, 0)),
        out_shape=jax.ShapeDtypeStruct((N_PAD, D), jnp.float32),
    )(x_pad, W1)

    dinv_pad, cs = _sc_deg_cs(src, dst)
    dinv2d = dinv_pad.reshape(N_PAD, 1)

    g = pl.pallas_call(
        _tc_scale,
        grid=(_GRID,),
        in_specs=[
            pl.BlockSpec((_BN, D), lambda i: (i, 0)),
            pl.BlockSpec((_BN, 1), lambda i: (i, 0)),
        ],
        out_specs=pl.BlockSpec((_BN, D), lambda i: (i, 0)),
        out_shape=jax.ShapeDtypeStruct((N_PAD, D), jnp.float32),
    )(h1, dinv2d)

    acc = _sc_edge_pass(g, src3, dst3)

    out = pl.pallas_call(
        _tc_finish,
        grid=(_GRID,),
        in_specs=[
            pl.BlockSpec((_BN, D), lambda i: (i, 0)),
            pl.BlockSpec((_BN, D), lambda i: (i, 0)),
            pl.BlockSpec((_BN, D), lambda i: (i, 0)),
            pl.BlockSpec((_BN, 1), lambda i: (i, 0)),
            pl.BlockSpec((NW, _BN), lambda i: (0, i)),
            pl.BlockSpec((1, D), lambda i: (0, 0)),
            pl.BlockSpec((D, D), lambda i: (0, 0)),
            pl.BlockSpec((1, D), lambda i: (0, 0)),
        ],
        out_specs=pl.BlockSpec((1, D), lambda i: (0, 0)),
        out_shape=jax.ShapeDtypeStruct((1, D), jnp.float32),
        scratch_shapes=[pltpu.VMEM((1, D), jnp.float32)],
    )(acc[0], acc[1], g, dinv2d, cs,
      b1.reshape(1, D), W2, b2.reshape(1, D))
    return out

# --- scband reference (transcript-rebuilt; emitter-appended) ---
"""Pipeline reference for scband-pose-gnn-16896401342873 (READ-ONLY COPY).

The authoritative reference and input builder live on the scoring server;
editing this copy changes nothing except your own understanding.
"""

import jax, jax.numpy as jnp
import numpy as np

N = 10000
E = 320000
D_IN = 128
D_H = 128
D_OUT = 128


def setup_inputs(seed: int = 0) -> dict:
    key = jax.random.key(seed)
    ks = jax.random.split(key, 8)
    x = jax.random.normal(ks[0], (N, D_IN), dtype=jnp.float32)
    edge_index = jax.random.randint(ks[1], (2, E), 0, N, dtype=jnp.int32)
    batch = jnp.zeros((N,), dtype=jnp.int32)
    # GCNConv parameters (glorot-ish scale)
    W1 = jax.random.normal(ks[2], (D_IN, D_H), dtype=jnp.float32) * (1.0 / np.sqrt(D_IN))
    b1 = jnp.zeros((D_H,), dtype=jnp.float32)
    W2 = jax.random.normal(ks[3], (D_H, D_OUT), dtype=jnp.float32) * (1.0 / np.sqrt(D_H))
    b2 = jnp.zeros((D_OUT,), dtype=jnp.float32)
    return {"x": x, "edge_index": edge_index, "batch": batch,
            "W1": W1, "b1": b1, "W2": W2, "b2": b2}


def gcn_conv(x, edge_index, W, b):
    # Faithful GCNConv: add self-loops, symmetric normalization, linear transform,
    # gather messages from src, scatter-add to dst, add bias.
    n = x.shape[0]
    src = edge_index[0]
    dst = edge_index[1]
    loop = jnp.arange(n, dtype=src.dtype)
    src = jnp.concatenate([src, loop])
    dst = jnp.concatenate([dst, loop])
    deg = jax.ops.segment_sum(jnp.ones(src.shape[0], dtype=x.dtype), dst, num_segments=n)
    dinv = jnp.where(deg > 0, jax.lax.rsqrt(deg), 0.0)
    norm = dinv[src] * dinv[dst]
    h = x @ W
    msg = h[src] * norm[:, None]
    out = jax.ops.segment_sum(msg, dst, num_segments=n)
    return out + b


def reference(x, edge_index, batch, W1, b1, W2, b2):
    h = jax.nn.relu(gcn_conv(x, edge_index, W1, b1))
    h = gcn_conv(h, edge_index, W2, b2)
    # global_mean_pool over batch ids (single graph -> num_graphs=1)
    num_graphs = 1
    sums = jax.ops.segment_sum(h, batch, num_segments=num_graphs)
    counts = jax.ops.segment_sum(jnp.ones((h.shape[0],), dtype=h.dtype), batch, num_segments=num_graphs)
    return sums / jnp.clip(counts, 1.0)[:, None]

if __name__ == "__main__":
    import jax
    _d = setup_inputs()
    print(jax.jit(kernel)(*tuple(_d.values())))

</pallas_src>

<mosaic_0001>
#map = affine_map<(d0, d1) -> (0)>
#map1 = affine_map<(d0, d1) -> (0, 0)>
module attributes {stable_mosaic.version = 14 : i64} {
  func.func @_sc_deg_cs(%arg0: i32, %arg1: i32, %arg2: memref<320000xi32, #tpu.memory_space<hbm>>, %arg3: memref<320000xi32, #tpu.memory_space<hbm>>, %arg4: memref<10240xf32, #tpu.memory_space<hbm>>, %arg5: memref<32x10240xf32, #tpu.memory_space<hbm>>, %arg6: memref<20000xi32, #tpu.memory_space<vmem>>, %arg7: memref<10240xf32, #tpu.memory_space<vmem>>, %arg8: memref<16x640xf32, #tpu.memory_space<vmem>>, %arg9: memref<640xf32, #tpu.memory_space<vmem>>, %arg10: memref<10240xf32, #tpu.memory_space<vmem>>, %arg11: memref<10000xi32, #tpu.memory_space<vmem>>, %arg12: memref<10000xi32, #tpu.memory_space<vmem>>, %arg13: memref<10240xf32, #tpu.memory_space<vmem>>, %arg14: memref<16x10240xf32, #tpu.memory_space<vmem_shared>>, %arg15: memref<10240xf32, #tpu.memory_space<vmem_shared>>, %arg16: memref<!tpu.dma_semaphore, #tpu.memory_space<semaphore_mem>>, %arg17: memref<!tpu.dma_semaphore, #tpu.memory_space<semaphore_mem>>, %arg18: memref<!tpu.dma_semaphore, #tpu.memory_space<semaphore_mem>>) attributes {dimension_semantics = [#tpu.dimension_semantics<core_parallel>, #tpu.dimension_semantics<subcore_parallel>], iteration_bounds = array<i64: 2, 16>, scalar_prefetch = 0 : i64, scratch_operands = 13 : i64, tpu.core_type = #tpu.core_type<sc_vector_subcore>, window_params = [{transform_indices = #map}, {transform_indices = #map}, {transform_indices = #map}, {transform_indices = #map1}]} {
    %mul3A = arith.constant 2 : i32
    %mul3A_0 = arith.muli %arg1, %mul3A : i32
    %add3A = arith.addi %mul3A_0, %arg0 : i32
    %broadcast_in_dim3A = arith.constant 0.000000e+00 : f32
    %broadcast_in_dim3A_1 = vector.broadcast %broadcast_in_dim3A : f32 to vector<16xf32>
    %broadcast_in_dim3A_2 = arith.constant 1.000000e+00 : f32
    %broadcast_in_dim3A_3 = vector.broadcast %broadcast_in_dim3A_2 : f32 to vector<16xf32>
    %mul3A_4 = arith.constant 20000 : i32
    %mul3A_5 = arith.muli %arg1, %mul3A_4 : i32
    %dma_start3A = tpu.memref_slice %arg3[%mul3A_5] : memref<320000xi32, #tpu.memory_space<hbm>> -> memref<20000xi32, #tpu.memory_space<hbm>>
    %dma_start3A_6 = tpu.memref_slice %arg3[%mul3A_5] : memref<320000xi32, #tpu.memory_space<hbm>> -> memref<20000xi32, #tpu.memory_space<hbm>>
    tpu.enqueue_dma source(%dma_start3A_6 : memref<20000xi32, #tpu.memory_space<hbm>>) target(%arg6 : memref<20000xi32, #tpu.memory_space<vmem>>) target_semaphore(%arg16 : memref<!tpu.dma_semaphore, #tpu.memory_space<semaphore_mem>>)
    %mul3A_7 = arith.constant 10000 : i32
    %mul3A_8 = arith.muli %add3A, %mul3A_7 : i32
    %dma_start3A_9 = tpu.memref_slice %arg2[%mul3A_8] : memref<320000xi32, #tpu.memory_space<hbm>> -> memref<10000xi32, #tpu.memory_space<hbm>>
    %dma_start3A_10 = tpu.memref_slice %arg2[%mul3A_8] : memref<320000xi32, #tpu.memory_space<hbm>> -> memref<10000xi32, #tpu.memory_space<hbm>>
    tpu.enqueue_dma source(%dma_start3A_10 : memref<10000xi32, #tpu.memory_space<hbm>>) target(%arg11 : memref<10000xi32, #tpu.memory_space<vmem>>) target_semaphore(%arg17 : memref<!tpu.dma_semaphore, #tpu.memory_space<semaphore_mem>>)
    %mul3A_11 = arith.constant 10000 : i32
    %mul3A_12 = arith.muli %add3A, %mul3A_11 : i32
    %dma_start3A_13 = tpu.memref_slice %arg3[%mul3A_12] : memref<320000xi32, #tpu.memory_space<hbm>> -> memref<10000xi32, #tpu.memory_space<hbm>>
    %dma_start3A_14 = tpu.memref_slice %arg3[%mul3A_12] : memref<320000xi32, #tpu.memory_space<hbm>> -> memref<10000xi32, #tpu.memory_space<hbm>>
    tpu.enqueue_dma source(%dma_start3A_14 : memref<10000xi32, #tpu.memory_space<hbm>>) target(%arg12 : memref<10000xi32, #tpu.memory_space<vmem>>) target_semaphore(%arg18 : memref<!tpu.dma_semaphore, #tpu.memory_space<semaphore_mem>>)
    %scan3A = arith.constant 0 : i32
    %scan3A_15 = arith.constant 640 : i32
    %scan3A_16 = arith.addi %scan3A, %scan3A_15 : i32
    %scan3A_17 = arith.constant 1 : i32
    scf.for %scan3A_85 = %scan3A to %scan3A_16 step %scan3A_17  : i32 {
      %mul3A_86 = arith.constant 1 : i32
      %mul3A_87 = arith.muli %scan3A_85, %mul3A_86 : i32
      %add3A_88 = arith.constant 0 : i32
      %add3A_89 = arith.addi %add3A_88, %mul3A_87 : i32
      %mul3A_90 = arith.constant 16 : i32
      %mul3A_91 = arith.muli %add3A_89, %mul3A_90 : i32
      %swap3A = arith.index_cast %mul3A_91 : i32 to index
      %swap3A_92 = tpu.vector_load %arg7[%swap3A] {strides = array<i32>} : memref<10240xf32, #tpu.memory_space<vmem>>, vector<16xf32>,
      tpu.vector_store %arg7[%swap3A], %broadcast_in_dim3A_1 {strides = array<i32>} : memref<10240xf32, #tpu.memory_space<vmem>>, vector<16xf32>,
      %mul3A_93 = arith.constant 16 : i32
      %mul3A_94 = arith.muli %add3A_89, %mul3A_93 : i32
      %swap3A_95 = arith.index_cast %mul3A_94 : i32 to index
      %swap3A_96 = tpu.vector_load %arg13[%swap3A_95] {strides = array<i32>} : memref<10240xf32, #tpu.memory_space<vmem>>, vector<16xf32>,
      tpu.vector_store %arg13[%swap3A_95], %broadcast_in_dim3A_1 {strides = array<i32>} : memref<10240xf32, #tpu.memory_space<vmem>>, vector<16xf32>,
    }
    %scan3A_18 = arith.constant 640 : i32
    %mul3A_19 = arith.constant 20000 : i32
    %mul3A_20 = arith.muli %arg1, %mul3A_19 : i32
    %dma_wait3A = tpu.memref_slice %arg3[%mul3A_20] : memref<320000xi32, #tpu.memory_space<hbm>> -> memref<20000xi32, #tpu.memory_space<hbm>>
    %dma_wait3A_21 = tpu.memref_slice %arg3[%mul3A_20] : memref<320000xi32, #tpu.memory_space<hbm>> -> memref<20000xi32, #tpu.memory_space<hbm>>
    tpu.wait_dma2 semaphore(%arg16 : memref<!tpu.dma_semaphore, #tpu.memory_space<semaphore_mem>>) src(%dma_wait3A_21 : memref<20000xi32, #tpu.memory_space<hbm>>) dst(%arg6 : memref<20000xi32, #tpu.memory_space<vmem>>)
    %scan3A_22 = arith.constant 0 : i32
    %scan3A_23 = arith.constant 1248 : i32
    %scan3A_24 = arith.addi %scan3A_22, %scan3A_23 : i32
    %scan3A_25 = arith.constant 8 : i32
    scf.for %scan3A_85 = %scan3A_22 to %scan3A_24 step %scan3A_25  : i32 {
      %mul3A_86 = arith.constant 1 : i32
      %mul3A_87 = arith.muli %scan3A_85, %mul3A_86 : i32
      %add3A_88 = arith.constant 0 : i32
      %add3A_89 = arith.addi %add3A_88, %mul3A_87 : i32
      %mul3A_90 = arith.constant 16 : i32
      %mul3A_91 = arith.muli %add3A_89, %mul3A_90 : i32
      %get3A_92 = arith.index_cast %mul3A_91 : i32 to index
      %get3A_93 = tpu.vector_load %arg6[%get3A_92] {strides = array<i32>} : memref<20000xi32, #tpu.memory_space<vmem>>, vector<16xi32>,
      tpu.vector_store_idx %arg7[%get3A_93], %broadcast_in_dim3A_3 {add = true} : memref<10240xf32, #tpu.memory_space<vmem>>[vector<16xi32>], vector<16xf32>,
      %scan3A_94 = arith.constant 1 : i32
      %scan3A_95 = arith.addi %scan3A_85, %scan3A_94 : i32
      %mul3A_96 = arith.constant 1 : i32
      %mul3A_97 = arith.muli %scan3A_95, %mul3A_96 : i32
      %add3A_98 = arith.constant 0 : i32
      %add3A_99 = arith.addi %add3A_98, %mul3A_97 : i32
      %mul3A_100 = arith.constant 16 : i32
      %mul3A_101 = arith.muli %add3A_99, %mul3A_100 : i32
      %get3A_102 = arith.index_cast %mul3A_101 : i32 to index
      %get3A_103 = tpu.vector_load %arg6[%get3A_102] {strides = array<i32>} : memref<20000xi32, #tpu.memory_space<vmem>>, vector<16xi32>,
      tpu.vector_store_idx %arg7[%get3A_103], %broadcast_in_dim3A_3 {add = true} : memref<10240xf32, #tpu.memory_space<vmem>>[vector<16xi32>], vector<16xf32>,
      %scan3A_104 = arith.constant 2 : i32
      %scan3A_105 = arith.addi %scan3A_85, %scan3A_104 : i32
      %mul3A_106 = arith.constant 1 : i32
      %mul3A_107 = arith.muli %scan3A_105, %mul3A_106 : i32
      %add3A_108 = arith.constant 0 : i32
      %add3A_109 = arith.addi %add3A_108, %mul3A_107 : i32
      %mul3A_110 = arith.constant 16 : i32
      %mul3A_111 = arith.muli %add3A_109, %mul3A_110 : i32
      %get3A_112 = arith.index_cast %mul3A_111 : i32 to index
      %get3A_113 = tpu.vector_load %arg6[%get3A_112] {strides = array<i32>} : memref<20000xi32, #tpu.memory_space<vmem>>, vector<16xi32>,
      tpu.vector_store_idx %arg7[%get3A_113], %broadcast_in_dim3A_3 {add = true} : memref<10240xf32, #tpu.memory_space<vmem>>[vector<16xi32>], vector<16xf32>,
      %scan3A_114 = arith.constant 3 : i32
      %scan3A_115 = arith.addi %scan3A_85, %scan3A_114 : i32
      %mul3A_116 = arith.constant 1 : i32
      %mul3A_117 = arith.muli %scan3A_115, %mul3A_116 : i32
      %add3A_118 = arith.constant 0 : i32
      %add3A_119 = arith.addi %add3A_118, %mul3A_117 : i32
      %mul3A_120 = arith.constant 16 : i32
      %mul3A_121 = arith.muli %add3A_119, %mul3A_120 : i32
      %get3A_122 = arith.index_cast %mul3A_121 : i32 to index
      %get3A_123 = tpu.vector_load %arg6[%get3A_122] {strides = array<i32>} : memref<20000xi32, #tpu.memory_space<vmem>>, vector<16xi32>,
      tpu.vector_store_idx %arg7[%get3A_123], %broadcast_in_dim3A_3 {add = true} : memref<10240xf32, #tpu.memory_space<vmem>>[vector<16xi32>], vector<16xf32>,
      %scan3A_124 = arith.constant 4 : i32
      %scan3A_125 = arith.addi %scan3A_85, %scan3A_124 : i32
      %mul3A_126 = arith.constant 1 : i32
      %mul3A_127 = arith.muli %scan3A_125, %mul3A_126 : i32
      %add3A_128 = arith.constant 0 : i32
      %add3A_129 = arith.addi %add3A_128, %mul3A_127 : i32
      %mul3A_130 = arith.constant 16 : i32
      %mul3A_131 = arith.muli %add3A_129, %mul3A_130 : i32
      %get3A_132 = arith.index_cast %mul3A_131 : i32 to index
      %get3A_133 = tpu.vector_load %arg6[%get3A_132] {strides = array<i32>} : memref<20000xi32, #tpu.memory_space<vmem>>, vector<16xi32>,
      tpu.vector_store_idx %arg7[%get3A_133], %broadcast_in_dim3A_3 {add = true} : memref<10240xf32, #tpu.memory_space<vmem>>[vector<16xi32>], vector<16xf32>,
      %scan3A_134 = arith.constant 5 : i32
      %scan3A_135 = arith.addi %scan3A_85, %scan3A_134 : i32
      %mul3A_136 = arith.constant 1 : i32
      %mul3A_137 = arith.muli %scan3A_135, %mul3A_136 : i32
      %add3A_138 = arith.constant 0 : i32
      %add3A_139 = arith.addi %add3A_138, %mul3A_137 : i32
      %mul3A_140 = arith.constant 16 : i32
      %mul3A_141 = arith.muli %add3A_139, %mul3A_140 : i32
      %get3A_142 = arith.index_cast %mul3A_141 : i32 to index
      %get3A_143 = tpu.vector_load %arg6[%get3A_142] {strides = array<i32>} : memref<20000xi32, #tpu.memory_space<vmem>>, vector<16xi32>,
      tpu.vector_store_idx %arg7[%get3A_143], %broadcast_in_dim3A_3 {add = true} : memref<10240xf32, #tpu.memory_space<vmem>>[vector<16xi32>], vector<16xf32>,
      %scan3A_144 = arith.constant 6 : i32
      %scan3A_145 = arith.addi %scan3A_85, %scan3A_144 : i32
      %mul3A_146 = arith.constant 1 : i32
      %mul3A_147 = arith.muli %scan3A_145, %mul3A_146 : i32
      %add3A_148 = arith.constant 0 : i32
      %add3A_149 = arith.addi %add3A_148, %mul3A_147 : i32
      %mul3A_150 = arith.constant 16 : i32
      %mul3A_151 = arith.muli %add3A_149, %mul3A_150 : i32
      %get3A_152 = arith.index_cast %mul3A_151 : i32 to index
      %get3A_153 = tpu.vector_load %arg6[%get3A_152] {strides = array<i32>} : memref<20000xi32, #tpu.memory_space<vmem>>, vector<16xi32>,
      tpu.vector_store_idx %arg7[%get3A_153], %broadcast_in_dim3A_3 {add = true} : memref<10240xf32, #tpu.memory_space<vmem>>[vector<16xi32>], vector<16xf32>,
      %scan3A_154 = arith.constant 7 : i32
      %scan3A_155 = arith.addi %scan3A_85, %scan3A_154 : i32
      %mul3A_156 = arith.constant 1 : i32
      %mul3A_157 = arith.muli %scan3A_155, %mul3A_156 : i32
      %add3A_158 = arith.constant 0 : i32
      %add3A_159 = arith.addi %add3A_158, %mul3A_157 : i32
      %mul3A_160 = arith.constant 16 : i32
      %mul3A_161 = arith.muli %add3A_159, %mul3A_160 : i32
      %get3A_162 = arith.index_cast %mul3A_161 : i32 to index
      %get3A_163 = tpu.vector_load %arg6[%get3A_162] {strides = array<i32>} : memref<20000xi32, #tpu.memory_space<vmem>>, vector<16xi32>,
      tpu.vector_store_idx %arg7[%get3A_163], %broadcast_in_dim3A_3 {add = true} : memref<10240xf32, #tpu.memory_space<vmem>>[vector<16xi32>], vector<16xf32>,
    }
    %scan3A_26 = arith.constant 1248 : i32
    %scan3A_27 = arith.addi %scan3A_22, %scan3A_26 : i32
    %mul3A_28 = arith.constant 1 : i32
    %mul3A_29 = arith.muli %scan3A_27, %mul3A_28 : i32
    %add3A_30 = arith.constant 0 : i32
    %add3A_31 = arith.addi %add3A_30, %mul3A_29 : i32
    %mul3A_32 = arith.constant 16 : i32
    %mul3A_33 = arith.muli %add3A_31, %mul3A_32 : i32
    %get3A = arith.index_cast %mul3A_33 : i32 to index
    %get3A_34 = tpu.vector_load %arg6[%get3A] {strides = array<i32>} : memref<20000xi32, #tpu.memory_space<vmem>>, vector<16xi32>,
    tpu.vector_store_idx %arg7[%get3A_34], %broadcast_in_dim3A_3 {add = true} : memref<10240xf32, #tpu.memory_space<vmem>>[vector<16xi32>], vector<16xf32>,
    %scan3A_35 = arith.constant 1249 : i32
    %scan3A_36 = arith.addi %scan3A_22, %scan3A_35 : i32
    %mul3A_37 = arith.constant 1 : i32
    %mul3A_38 = arith.muli %scan3A_36, %mul3A_37 : i32
    %add3A_39 = arith.constant 0 : i32
    %add3A_40 = arith.addi %add3A_39, %mul3A_38 : i32
    %mul3A_41 = arith.constant 16 : i32
    %mul3A_42 = arith.muli %add3A_40, %mul3A_41 : i32
    %get3A_43 = arith.index_cast %mul3A_42 : i32 to index
    %get3A_44 = tpu.vector_load %arg6[%get3A_43] {strides = array<i32>} : memref<20000xi32, #tpu.memory_space<vmem>>, vector<16xi32>,
    tpu.vector_store_idx %arg7[%get3A_44], %broadcast_in_dim3A_3 {add = true} : memref<10240xf32, #tpu.memory_space<vmem>>[vector<16xi32>], vector<16xf32>,
    %scan3A_45 = arith.constant 1250 : i32
    "tpu.region"() ({
      %run_scoped3A = tpu.sem_alloc : memref<!tpu.dma_semaphore, #tpu.memory_space<semaphore_mem>>
      %dma_start3A_85 = arith.constant 0 : i32
      %dma_start3A_86 = tpu.memref_slice %arg14[%arg1, %dma_start3A_85] : memref<16x10240xf32, #tpu.memory_space<vmem_shared>> -> memref<1x10240xf32, #tpu.memory_space<vmem_shared>>
      %dma_start3A_87 = tpu.memref_squeeze %dma_start3A_86 : memref<1x10240xf32, #tpu.memory_space<vmem_shared>> -> memref<10240xf32, #tpu.memory_space<vmem_shared>>
      %dma_start3A_88 = arith.constant 0 : i32
      %dma_start3A_89 = tpu.memref_slice %arg14[%arg1, %dma_start3A_88] : memref<16x10240xf32, #tpu.memory_space<vmem_shared>> -> memref<1x10240xf32, #tpu.memory_space<vmem_shared>>
      %dma_start3A_90 = tpu.memref_squeeze %dma_start3A_89 : memref<1x10240xf32, #tpu.memory_space<vmem_shared>> -> memref<10240xf32, #tpu.memory_space<vmem_shared>>
      tpu.enqueue_dma source(%arg7 : memref<10240xf32, #tpu.memory_space<vmem>>) target(%dma_start3A_90 : memref<10240xf32, #tpu.memory_space<vmem_shared>>) target_semaphore(%run_scoped3A : memref<!tpu.dma_semaphore, #tpu.memory_space<semaphore_mem>>)
      %dma_wait3A_91 = arith.constant 0 : i32
      %dma_wait3A_92 = tpu.memref_slice %arg14[%arg1, %dma_wait3A_91] : memref<16x10240xf32, #tpu.memory_space<vmem_shared>> -> memref<1x10240xf32, #tpu.memory_space<vmem_shared>>
      %dma_wait3A_93 = tpu.memref_squeeze %dma_wait3A_92 : memref<1x10240xf32, #tpu.memory_space<vmem_shared>> -> memref<10240xf32, #tpu.memory_space<vmem_shared>>
      %dma_wait3A_94 = arith.constant 0 : i32
      %dma_wait3A_95 = tpu.memref_slice %arg14[%arg1, %dma_wait3A_94] : memref<16x10240xf32, #tpu.memory_space<vmem_shared>> -> memref<1x10240xf32, #tpu.memory_space<vmem_shared>>
      %dma_wait3A_96 = tpu.memref_squeeze %dma_wait3A_95 : memref<1x10240xf32, #tpu.memory_space<vmem_shared>> -> memref<10240xf32, #tpu.memory_space<vmem_shared>>
      tpu.wait_dma2 semaphore(%run_scoped3A : memref<!tpu.dma_semaphore, #tpu.memory_space<semaphore_mem>>) src(%arg7 : memref<10240xf32, #tpu.memory_space<vmem>>) dst(%dma_wait3A_96 : memref<10240xf32, #tpu.memory_space<vmem_shared>>)
      tpu.yield
    }) : () -> ()
    %barrier3A = arith.constant 0 : index
    tpu.barrier barrier_id(%barrier3A)
    %mul3A_46 = arith.constant 640 : i32
    %mul3A_47 = arith.muli %arg1, %mul3A_46 : i32
    "tpu.region"() ({
      %run_scoped3A = tpu.sem_alloc : memref<!tpu.dma_semaphore, #tpu.memory_space<semaphore_mem>>
      %dma_start3A_85 = arith.constant 0 : i32
      %dma_start3A_86 = tpu.memref_slice %arg14[%dma_start3A_85, %mul3A_47] : memref<16x10240xf32, #tpu.memory_space<vmem_shared>> -> memref<16x640xf32, #tpu.memory_space<vmem_shared>>
      %dma_start3A_87 = arith.constant 0 : i32
      %dma_start3A_88 = tpu.memref_slice %arg14[%dma_start3A_87, %mul3A_47] : memref<16x10240xf32, #tpu.memory_space<vmem_shared>> -> memref<16x640xf32, #tpu.memory_space<vmem_shared>>
      tpu.enqueue_dma source(%dma_start3A_88 : memref<16x640xf32, #tpu.memory_space<vmem_shared>>) target(%arg8 : memref<16x640xf32, #tpu.memory_space<vmem>>) target_semaphore(%run_scoped3A : memref<!tpu.dma_semaphore, #tpu.memory_space<semaphore_mem>>)
      %dma_wait3A_89 = arith.constant 0 : i32
      %dma_wait3A_90 = tpu.memref_slice %arg14[%dma_wait3A_89, %mul3A_47] : memref<16x10240xf32, #tpu.memory_space<vmem_shared>> -> memref<16x640xf32, #tpu.memory_space<vmem_shared>>
      %dma_wait3A_91 = arith.constant 0 : i32
      %dma_wait3A_92 = tpu.memref_slice %arg14[%dma_wait3A_91, %mul3A_47] : memref<16x10240xf32, #tpu.memory_space<vmem_shared>> -> memref<16x640xf32, #tpu.memory_space<vmem_shared>>
      tpu.wait_dma2 semaphore(%run_scoped3A : memref<!tpu.dma_semaphore, #tpu.memory_space<semaphore_mem>>) src(%dma_wait3A_92 : memref<16x640xf32, #tpu.memory_space<vmem_shared>>) dst(%arg8 : memref<16x640xf32, #tpu.memory_space<vmem>>)
      tpu.yield
    }) : () -> ()
    %scan3A_48 = arith.constant 0 : i32
    %scan3A_49 = arith.constant 40 : i32
    %scan3A_50 = arith.addi %scan3A_48, %scan3A_49 : i32
    %scan3A_51 = arith.constant 1 : i32
    scf.for %scan3A_85 = %scan3A_48 to %scan3A_50 step %scan3A_51  : i32 {
      %mul3A_86 = arith.constant 1 : i32
      %mul3A_87 = arith.muli %scan3A_85, %mul3A_86 : i32
      %add3A_88 = arith.constant 0 : i32
      %add3A_89 = arith.addi %add3A_88, %mul3A_87 : i32
      %mul3A_90 = arith.constant 16 : i32
      %mul3A_91 = arith.muli %add3A_89, %mul3A_90 : i32
      %get3A_92 = arith.constant 0 : i32
      %get3A_93 = arith.index_cast %get3A_92 : i32 to index
      %get3A_94 = arith.index_cast %mul3A_91 : i32 to index
      %get3A_95 = tpu.vector_load %arg8[%get3A_93, %get3A_94] {strides = array<i32>} : memref<16x640xf32, #tpu.memory_space<vmem>>, vector<16xf32>,
      %mul3A_96 = arith.constant 16 : i32
      %mul3A_97 = arith.muli %add3A_89, %mul3A_96 : i32
      %get3A_98 = arith.constant 1 : i32
      %get3A_99 = arith.index_cast %get3A_98 : i32 to index
      %get3A_100 = arith.index_cast %mul3A_97 : i32 to index
      %get3A_101 = tpu.vector_load %arg8[%get3A_99, %get3A_100] {strides = array<i32>} : memref<16x640xf32, #tpu.memory_space<vmem>>, vector<16xf32>,
      %add3A_102 = arith.addf %get3A_95, %get3A_101 : vector<16xf32>
      %mul3A_103 = arith.constant 16 : i32
      %mul3A_104 = arith.muli %add3A_89, %mul3A_103 : i32
      %get3A_105 = arith.constant 2 : i32
      %get3A_106 = arith.index_cast %get3A_105 : i32 to index
      %get3A_107 = arith.index_cast %mul3A_104 : i32 to index
      %get3A_108 = tpu.vector_load %arg8[%get3A_106, %get3A_107] {strides = array<i32>} : memref<16x640xf32, #tpu.memory_space<vmem>>, vector<16xf32>,
      %add3A_109 = arith.addf %add3A_102, %get3A_108 : vector<16xf32>
      %mul3A_110 = arith.constant 16 : i32
      %mul3A_111 = arith.muli %add3A_89, %mul3A_110 : i32
      %get3A_112 = arith.constant 3 : i32
      %get3A_113 = arith.index_cast %get3A_112 : i32 to index
      %get3A_114 = arith.index_cast %mul3A_111 : i32 to index
      %get3A_115 = tpu.vector_load %arg8[%get3A_113, %get3A_114] {strides = array<i32>} : memref<16x640xf32, #tpu.memory_space<vmem>>, vector<16xf32>,
      %add3A_116 = arith.addf %add3A_109, %get3A_115 : vector<16xf32>
      %mul3A_117 = arith.constant 16 : i32
      %mul3A_118 = arith.muli %add3A_89, %mul3A_117 : i32
      %get3A_119 = arith.constant 4 : i32
      %get3A_120 = arith.index_cast %get3A_119 : i32 to index
      %get3A_121 = arith.index_cast %mul3A_118 : i32 to index
      %get3A_122 = tpu.vector_load %arg8[%get3A_120, %get3A_121] {strides = array<i32>} : memref<16x640xf32, #tpu.memory_space<vmem>>, vector<16xf32>,
      %add3A_123 = arith.addf %add3A_116, %get3A_122 : vector<16xf32>
      %mul3A_124 = arith.constant 16 : i32
      %mul3A_125 = arith.muli %add3A_89, %mul3A_124 : i32
      %get3A_126 = arith.constant 5 : i32
      %get3A_127 = arith.index_cast %get3A_126 : i32 to index
      %get3A_128 = arith.index_cast %mul3A_125 : i32 to index
      %get3A_129 = tpu.vector_load %arg8[%get3A_127, %get3A_128] {strides = array<i32>} : memref<16x640xf32, #tpu.memory_space<vmem>>, vector<16xf32>,
      %add3A_130 = arith.addf %add3A_123, %get3A_129 : vector<16xf32>
      %mul3A_131 = arith.constant 16 : i32
      %mul3A_132 = arith.muli %add3A_89, %mul3A_131 : i32
      %get3A_133 = arith.constant 6 : i32
      %get3A_134 = arith.index_cast %get3A_133 : i32 to index
      %get3A_135 = arith.index_cast %mul3A_132 : i32 to index
      %get3A_136 = tpu.vector_load %arg8[%get3A_134, %get3A_135] {strides = array<i32>} : memref<16x640xf32, #tpu.memory_space<vmem>>, vector<16xf32>,
      %add3A_137 = arith.addf %add3A_130, %get3A_136 : vector<16xf32>
      %mul3A_138 = arith.constant 16 : i32
      %mul3A_139 = arith.muli %add3A_89, %mul3A_138 : i32
      %get3A_140 = arith.constant 7 : i32
      %get3A_141 = arith.index_cast %get3A_140 : i32 to index
      %get3A_142 = arith.index_cast %mul3A_139 : i32 to index
      %get3A_143 = tpu.vector_load %arg8[%get3A_141, %get3A_142] {strides = array<i32>} : memref<16x640xf32, #tpu.memory_space<vmem>>, vector<16xf32>,
      %add3A_144 = arith.addf %add3A_137, %get3A_143 : vector<16xf32>
      %mul3A_145 = arith.constant 16 : i32
      %mul3A_146 = arith.muli %add3A_89, %mul3A_145 : i32
      %get3A_147 = arith.constant 8 : i32
      %get3A_148 = arith.index_cast %get3A_147 : i32 to index
      %get3A_149 = arith.index_cast %mul3A_146 : i32 to index
      %get3A_150 = tpu.vector_load %arg8[%get3A_148, %get3A_149] {strides = array<i32>} : memref<16x640xf32, #tpu.memory_space<vmem>>, vector<16xf32>,
      %add3A_151 = arith.addf %add3A_144, %get3A_150 : vector<16xf32>
      %mul3A_152 = arith.constant 16 : i32
      %mul3A_153 = arith.muli %add3A_89, %mul3A_152 : i32
      %get3A_154 = arith.constant 9 : i32
      %get3A_155 = arith.index_cast %get3A_154 : i32 to index
      %get3A_156 = arith.index_cast %mul3A_153 : i32 to index
      %get3A_157 = tpu.vector_load %arg8[%get3A_155, %get3A_156] {strides = array<i32>} : memref<16x640xf32, #tpu.memory_space<vmem>>, vector<16xf32>,
      %add3A_158 = arith.addf %add3A_151, %get3A_157 : vector<16xf32>
      %mul3A_159 = arith.constant 16 : i32
      %mul3A_160 = arith.muli %add3A_89, %mul3A_159 : i32
      %get3A_161 = arith.constant 10 : i32
      %get3A_162 = arith.index_cast %get3A_161 : i32 to index
      %get3A_163 = arith.index_cast %mul3A_160 : i32 to index
      %get3A_164 = tpu.vector_load %arg8[%get3A_162, %get3A_163] {strides = array<i32>} : memref<16x640xf32, #tpu.memory_space<vmem>>, vector<16xf32>,
      %add3A_165 = arith.addf %add3A_158, %get3A_164 : vector<16xf32>
      %mul3A_166 = arith.constant 16 : i32
      %mul3A_167 = arith.muli %add3A_89, %mul3A_166 : i32
      %get3A_168 = arith.constant 11 : i32
      %get3A_169 = arith.index_cast %get3A_168 : i32 to index
      %get3A_170 = arith.index_cast %mul3A_167 : i32 to index
      %get3A_171 = tpu.vector_load %arg8[%get3A_169, %get3A_170] {strides = array<i32>} : memref<16x640xf32, #tpu.memory_space<vmem>>, vector<16xf32>,
      %add3A_172 = arith.addf %add3A_165, %get3A_171 : vector<16xf32>
      %mul3A_173 = arith.constant 16 : i32
      %mul3A_174 = arith.muli %add3A_89, %mul3A_173 : i32
      %get3A_175 = arith.constant 12 : i32
      %get3A_176 = arith.index_cast %get3A_175 : i32 to index
      %get3A_177 = arith.index_cast %mul3A_174 : i32 to index
      %get3A_178 = tpu.vector_load %arg8[%get3A_176, %get3A_177] {strides = array<i32>} : memref<16x640xf32, #tpu.memory_space<vmem>>, vector<16xf32>,
      %add3A_179 = arith.addf %add3A_172, %get3A_178 : vector<16xf32>
      %mul3A_180 = arith.constant 16 : i32
      %mul3A_181 = arith.muli %add3A_89, %mul3A_180 : i32
      %get3A_182 = arith.constant 13 : i32
      %get3A_183 = arith.index_cast %get3A_182 : i32 to index
      %get3A_184 = arith.index_cast %mul3A_181 : i32 to index
      %get3A_185 = tpu.vector_load %arg8[%get3A_183, %get3A_184] {strides = array<i32>} : memref<16x640xf32, #tpu.memory_space<vmem>>, vector<16xf32>,
      %add3A_186 = arith.addf %add3A_179, %get3A_185 : vector<16xf32>
      %mul3A_187 = arith.constant 16 : i32
      %mul3A_188 = arith.muli %add3A_89, %mul3A_187 : i32
      %get3A_189 = arith.constant 14 : i32
      %get3A_190 = arith.index_cast %get3A_189 : i32 to index
      %get3A_191 = arith.index_cast %mul3A_188 : i32 to index
      %get3A_192 = tpu.vector_load %arg8[%get3A_190, %get3A_191] {strides = array<i32>} : memref<16x640xf32, #tpu.memory_space<vmem>>, vector<16xf32>,
      %add3A_193 = arith.addf %add3A_186, %get3A_192 : vector<16xf32>
      %mul3A_194 = arith.constant 16 : i32
      %mul3A_195 = arith.muli %add3A_89, %mul3A_194 : i32
      %get3A_196 = arith.constant 15 : i32
      %get3A_197 = arith.index_cast %get3A_196 : i32 to index
      %get3A_198 = arith.index_cast %mul3A_195 : i32 to index
      %get3A_199 = tpu.vector_load %arg8[%get3A_197, %get3A_198] {strides = array<i32>} : memref<16x640xf32, #tpu.memory_space<vmem>>, vector<16xf32>,
      %add3A_200 = arith.addf %add3A_193, %get3A_199 : vector<16xf32>
      %add3A_201 = arith.constant 1.000000e+00 : f32
      %add3A_202 = vector.broadcast %add3A_201 : f32 to vector<16xf32>
      %add3A_203 = arith.addf %add3A_200, %add3A_202 : vector<16xf32>
      %bitcast3A = vector.bitcast %add3A_203 : vector<16xf32> to vector<16xi32>
      %shift_right_arithmetic3A = arith.constant 1 : i32
      %shift_right_arithmetic3A_204 = vector.broadcast %shift_right_arithmetic3A : i32 to vector<16xi32>
      %shift_right_arithmetic3A_205 = arith.shrsi %bitcast3A, %shift_right_arithmetic3A_204 : vector<16xi32>
      %sub3A = arith.constant 1597463007 : i32
      %sub3A_206 = vector.broadcast %sub3A : i32 to vector<16xi32>
      %sub3A_207 = arith.subi %sub3A_206, %shift_right_arithmetic3A_205 : vector<16xi32>
      %bitcast3A_208 = vector.bitcast %sub3A_207 : vector<16xi32> to vector<16xf32>
      %mul3A_209 = arith.constant 5.000000e-01 : f32
      %mul3A_210 = vector.broadcast %mul3A_209 : f32 to vector<16xf32>
      %mul3A_211 = arith.mulf %mul3A_210, %add3A_203 : vector<16xf32>
      %mul3A_212 = arith.mulf %mul3A_211, %bitcast3A_208 : vector<16xf32>
      %mul3A_213 = arith.mulf %mul3A_212, %bitcast3A_208 : vector<16xf32>
      %sub3A_214 = arith.constant 1.500000e+00 : f32
      %sub3A_215 = vector.broadcast %sub3A_214 : f32 to vector<16xf32>
      %sub3A_216 = arith.subf %sub3A_215, %mul3A_213 : vector<16xf32>
      %mul3A_217 = arith.mulf %bitcast3A_208, %sub3A_216 : vector<16xf32>
      %mul3A_218 = arith.constant 5.000000e-01 : f32
      %mul3A_219 = vector.broadcast %mul3A_218 : f32 to vector<16xf32>
      %mul3A_220 = arith.mulf %mul3A_219, %add3A_203 : vector<16xf32>
      %mul3A_221 = arith.mulf %mul3A_220, %mul3A_217 : vector<16xf32>
      %mul3A_222 = arith.mulf %mul3A_221, %mul3A_217 : vector<16xf32>
      %sub3A_223 = arith.constant 1.500000e+00 : f32
      %sub3A_224 = vector.broadcast %sub3A_223 : f32 to vector<16xf32>
      %sub3A_225 = arith.subf %sub3A_224, %mul3A_222 : vector<16xf32>
      %mul3A_226 = arith.mulf %mul3A_217, %sub3A_225 : vector<16xf32>
      %mul3A_227 = arith.constant 5.000000e-01 : f32
      %mul3A_228 = vector.broadcast %mul3A_227 : f32 to vector<16xf32>
      %mul3A_229 = arith.mulf %mul3A_228, %add3A_203 : vector<16xf32>
      %mul3A_230 = arith.mulf %mul3A_229, %mul3A_226 : vector<16xf32>
      %mul3A_231 = arith.mulf %mul3A_230, %mul3A_226 : vector<16xf32>
      %sub3A_232 = arith.constant 1.500000e+00 : f32
      %sub3A_233 = vector.broadcast %sub3A_232 : f32 to vector<16xf32>
      %sub3A_234 = arith.subf %sub3A_233, %mul3A_231 : vector<16xf32>
      %mul3A_235 = arith.mulf %mul3A_226, %sub3A_234 : vector<16xf32>
      %mul3A_236 = arith.constant 640 : i32
      %mul3A_237 = arith.muli %arg1, %mul3A_236 : i32
      %mul3A_238 = arith.constant 16 : i32
      %mul3A_239 = arith.muli %add3A_89, %mul3A_238 : i32
      %add3A_240 = arith.addi %mul3A_237, %mul3A_239 : i32
      %iota3A = tpu.iota {dimensions = array<i32: 0>} : vector<16xi32>
      %add3A_241 = vector.broadcast %add3A_240 : i32 to vector<16xi32>
      %add3A_242 = arith.addi %add3A_241, %iota3A : vector<16xi32>
      %lt3A = arith.constant 10000 : i32
      %lt3A_243 = vector.broadcast %lt3A : i32 to vector<16xi32>
      %lt3A_244 = arith.cmpi slt, %add3A_242, %lt3A_243 : vector<16xi32>
      %jit3A = arith.constant 0.000000e+00 : f32
      %broadcast_in_dim3A_245 = vector.broadcast %jit3A : f32 to vector<16xf32>
      %select_n3A = arith.select %lt3A_244, %mul3A_235, %broadcast_in_dim3A_245 : vector<16xi1>, vector<16xf32>
      %mul3A_246 = arith.constant 16 : i32
      %mul3A_247 = arith.muli %add3A_89, %mul3A_246 : i32
      %swap3A = arith.index_cast %mul3A_247 : i32 to index
      %swap3A_248 = tpu.vector_load %arg9[%swap3A] {strides = array<i32>} : memref<640xf32, #tpu.memory_space<vmem>>, vector<16xf32>,
      tpu.vector_store %arg9[%swap3A], %select_n3A {strides = array<i32>} : memref<640xf32, #tpu.memory_space<vmem>>, vector<16xf32>,
    }
    %scan3A_52 = arith.constant 40 : i32
    %mul3A_53 = arith.constant 640 : i32
    %mul3A_54 = arith.muli %arg1, %mul3A_53 : i32
    "tpu.region"() ({
      %run_scoped3A = tpu.sem_alloc : memref<!tpu.dma_semaphore, #tpu.memory_space<semaphore_mem>>
      %dma_start3A_85 = tpu.memref_slice %arg15[%mul3A_54] : memref<10240xf32, #tpu.memory_space<vmem_shared>> -> memref<640xf32, #tpu.memory_space<vmem_shared>>
      %dma_start3A_86 = tpu.memref_slice %arg15[%mul3A_54] : memref<10240xf32, #tpu.memory_space<vmem_shared>> -> memref<640xf32, #tpu.memory_space<vmem_shared>>
      tpu.enqueue_dma source(%arg9 : memref<640xf32, #tpu.memory_space<vmem>>) target(%dma_start3A_86 : memref<640xf32, #tpu.memory_space<vmem_shared>>) target_semaphore(%run_scoped3A : memref<!tpu.dma_semaphore, #tpu.memory_space<semaphore_mem>>)
      %dma_wait3A_87 = tpu.memref_slice %arg15[%mul3A_54] : memref<10240xf32, #tpu.memory_space<vmem_shared>> -> memref<640xf32, #tpu.memory_space<vmem_shared>>
      %dma_wait3A_88 = tpu.memref_slice %arg15[%mul3A_54] : memref<10240xf32, #tpu.memory_space<vmem_shared>> -> memref<640xf32, #tpu.memory_space<vmem_shared>>
      tpu.wait_dma2 semaphore(%run_scoped3A : memref<!tpu.dma_semaphore, #tpu.memory_space<semaphore_mem>>) src(%arg9 : memref<640xf32, #tpu.memory_space<vmem>>) dst(%dma_wait3A_88 : memref<640xf32, #tpu.memory_space<vmem_shared>>)
      tpu.yield
    }) : () -> ()
    %eq3A = arith.constant 0 : i32
    %eq3A_55 = arith.cmpi eq, %arg0, %eq3A : i32
    %convert_element_type3A = arith.extui %eq3A_55 : i1 to i32
    %cond3A = arith.constant 0 : i32
    %cond3A_56 = arith.cmpi ne, %convert_element_type3A, %cond3A : i32
    scf.if %cond3A_56 {
      %mul3A_85 = arith.constant 640 : i32
      %mul3A_86 = arith.muli %arg1, %mul3A_85 : i32
      "tpu.region"() ({
        %run_scoped3A = tpu.sem_alloc : memref<!tpu.dma_semaphore, #tpu.memory_space<semaphore_mem>>
        %dma_start3A_87 = tpu.memref_slice %arg4[%mul3A_86] : memref<10240xf32, #tpu.memory_space<hbm>> -> memref<640xf32, #tpu.memory_space<hbm>>
        %dma_start3A_88 = tpu.memref_slice %arg4[%mul3A_86] : memref<10240xf32, #tpu.memory_space<hbm>> -> memref<640xf32, #tpu.memory_space<hbm>>
        tpu.enqueue_dma source(%arg9 : memref<640xf32, #tpu.memory_space<vmem>>) target(%dma_start3A_88 : memref<640xf32, #tpu.memory_space<hbm>>) target_semaphore(%run_scoped3A : memref<!tpu.dma_semaphore, #tpu.memory_space<semaphore_mem>>)
        %dma_wait3A_89 = tpu.memref_slice %arg4[%mul3A_86] : memref<10240xf32, #tpu.memory_space<hbm>> -> memref<640xf32, #tpu.memory_space<hbm>>
        %dma_wait3A_90 = tpu.memref_slice %arg4[%mul3A_86] : memref<10240xf32, #tpu.memory_space<hbm>> -> memref<640xf32, #tpu.memory_space<hbm>>
        tpu.wait_dma2 semaphore(%run_scoped3A : memref<!tpu.dma_semaphore, #tpu.memory_space<semaphore_mem>>) src(%arg9 : memref<640xf32, #tpu.memory_space<vmem>>) dst(%dma_wait3A_90 : memref<640xf32, #tpu.memory_space<hbm>>)
        tpu.yield
      }) : () -> ()
    } else {
    }
    %barrier3A_57 = arith.constant 0 : index
    tpu.barrier barrier_id(%barrier3A_57)
    "tpu.region"() ({
      %run_scoped3A = tpu.sem_alloc : memref<!tpu.dma_semaphore, #tpu.memory_space<semaphore_mem>>
      tpu.enqueue_dma source(%arg15 : memref<10240xf32, #tpu.memory_space<vmem_shared>>) target(%arg10 : memref<10240xf32, #tpu.memory_space<vmem>>) target_semaphore(%run_scoped3A : memref<!tpu.dma_semaphore, #tpu.memory_space<semaphore_mem>>)
      tpu.wait_dma2 semaphore(%run_scoped3A : memref<!tpu.dma_semaphore, #tpu.memory_space<semaphore_mem>>) src(%arg15 : memref<10240xf32, #tpu.memory_space<vmem_shared>>) dst(%arg10 : memref<10240xf32, #tpu.memory_space<vmem>>)
      tpu.yield
    }) : () -> ()
    %mul3A_58 = arith.constant 10000 : i32
    %mul3A_59 = arith.muli %add3A, %mul3A_58 : i32
    %dma_wait3A_60 = tpu.memref_slice %arg2[%mul3A_59] : memref<320000xi32, #tpu.memory_space<hbm>> -> memref<10000xi32, #tpu.memory_space<hbm>>
    %dma_wait3A_61 = tpu.memref_slice %arg2[%mul3A_59] : memref<320000xi32, #tpu.memory_space<hbm>> -> memref<10000xi32, #tpu.memory_space<hbm>>
    tpu.wait_dma2 semaphore(%arg17 : memref<!tpu.dma_semaphore, #tpu.memory_space<semaphore_mem>>) src(%dma_wait3A_61 : memref<10000xi32, #tpu.memory_space<hbm>>) dst(%arg11 : memref<10000xi32, #tpu.memory_space<vmem>>)
    %mul3A_62 = arith.constant 10000 : i32
    %mul3A_63 = arith.muli %add3A, %mul3A_62 : i32
    %dma_wait3A_64 = tpu.memref_slice %arg3[%mul3A_63] : memref<320000xi32, #tpu.memory_space<hbm>> -> memref<10000xi32, #tpu.memory_space<hbm>>
    %dma_wait3A_65 = tpu.memref_slice %arg3[%mul3A_63] : memref<320000xi32, #tpu.memory_space<hbm>> -> memref<10000xi32, #tpu.memory_space<hbm>>
    tpu.wait_dma2 semaphore(%arg18 : memref<!tpu.dma_semaphore, #tpu.memory_space<semaphore_mem>>) src(%dma_wait3A_65 : memref<10000xi32, #tpu.memory_space<hbm>>) dst(%arg12 : memref<10000xi32, #tpu.memory_space<vmem>>)
    %scan3A_66 = arith.constant 0 : i32
    %scan3A_67 = arith.constant 624 : i32
    %scan3A_68 = arith.addi %scan3A_66, %scan3A_67 : i32
    %scan3A_69 = arith.constant 8 : i32
    scf.for %scan3A_85 = %scan3A_66 to %scan3A_68 step %scan3A_69  : i32 {
      %mul3A_86 = arith.constant 1 : i32
      %mul3A_87 = arith.muli %scan3A_85, %mul3A_86 : i32
      %add3A_88 = arith.constant 0 : i32
      %add3A_89 = arith.addi %add3A_88, %mul3A_87 : i32
      %mul3A_90 = arith.constant 16 : i32
      %mul3A_91 = arith.muli %add3A_89, %mul3A_90 : i32
      %get3A_92 = arith.index_cast %mul3A_91 : i32 to index
      %get3A_93 = tpu.vector_load %arg11[%get3A_92] {strides = array<i32>} : memref<10000xi32, #tpu.memory_space<vmem>>, vector<16xi32>,
      %mul3A_94 = arith.constant 16 : i32
      %mul3A_95 = arith.muli %add3A_89, %mul3A_94 : i32
      %get3A_96 = arith.index_cast %mul3A_95 : i32 to index
      %get3A_97 = tpu.vector_load %arg12[%get3A_96] {strides = array<i32>} : memref<10000xi32, #tpu.memory_space<vmem>>, vector<16xi32>,
      %gather3A_98 = tpu.vector_load_idx %arg10[%get3A_97] : memref<10240xf32, #tpu.memory_space<vmem>>[vector<16xi32>], vector<16xf32>,
      tpu.vector_store_idx %arg13[%get3A_93], %gather3A_98 {add = true} : memref<10240xf32, #tpu.memory_space<vmem>>[vector<16xi32>], vector<16xf32>,
      %scan3A_99 = arith.constant 1 : i32
      %scan3A_100 = arith.addi %scan3A_85, %scan3A_99 : i32
      %mul3A_101 = arith.constant 1 : i32
      %mul3A_102 = arith.muli %scan3A_100, %mul3A_101 : i32
      %add3A_103 = arith.constant 0 : i32
      %add3A_104 = arith.addi %add3A_103, %mul3A_102 : i32
      %mul3A_105 = arith.constant 16 : i32
      %mul3A_106 = arith.muli %add3A_104, %mul3A_105 : i32
      %get3A_107 = arith.index_cast %mul3A_106 : i32 to index
      %get3A_108 = tpu.vector_load %arg11[%get3A_107] {strides = array<i32>} : memref<10000xi32, #tpu.memory_space<vmem>>, vector<16xi32>,
      %mul3A_109 = arith.constant 16 : i32
      %mul3A_110 = arith.muli %add3A_104, %mul3A_109 : i32
      %get3A_111 = arith.index_cast %mul3A_110 : i32 to index
      %get3A_112 = tpu.vector_load %arg12[%get3A_111] {strides = array<i32>} : memref<10000xi32, #tpu.memory_space<vmem>>, vector<16xi32>,
      %gather3A_113 = tpu.vector_load_idx %arg10[%get3A_112] : memref<10240xf32, #tpu.memory_space<vmem>>[vector<16xi32>], vector<16xf32>,
      tpu.vector_store_idx %arg13[%get3A_108], %gather3A_113 {add = true} : memref<10240xf32, #tpu.memory_space<vmem>>[vector<16xi32>], vector<16xf32>,
      %scan3A_114 = arith.constant 2 : i32
      %scan3A_115 = arith.addi %scan3A_85, %scan3A_114 : i32
      %mul3A_116 = arith.constant 1 : i32
      %mul3A_117 = arith.muli %scan3A_115, %mul3A_116 : i32
      %add3A_118 = arith.constant 0 : i32
      %add3A_119 = arith.addi %add3A_118, %mul3A_117 : i32
      %mul3A_120 = arith.constant 16 : i32
      %mul3A_121 = arith.muli %add3A_119, %mul3A_120 : i32
      %get3A_122 = arith.index_cast %mul3A_121 : i32 to index
      %get3A_123 = tpu.vector_load %arg11[%get3A_122] {strides = array<i32>} : memref<10000xi32, #tpu.memory_space<vmem>>, vector<16xi32>,
      %mul3A_124 = arith.constant 16 : i32
      %mul3A_125 = arith.muli %add3A_119, %mul3A_124 : i32
      %get3A_126 = arith.index_cast %mul3A_125 : i32 to index
      %get3A_127 = tpu.vector_load %arg12[%get3A_126] {strides = array<i32>} : memref<10000xi32, #tpu.memory_space<vmem>>, vector<16xi32>,
      %gather3A_128 = tpu.vector_load_idx %arg10[%get3A_127] : memref<10240xf32, #tpu.memory_space<vmem>>[vector<16xi32>], vector<16xf32>,
      tpu.vector_store_idx %arg13[%get3A_123], %gather3A_128 {add = true} : memref<10240xf32, #tpu.memory_space<vmem>>[vector<16xi32>], vector<16xf32>,
      %scan3A_129 = arith.constant 3 : i32
      %scan3A_130 = arith.addi %scan3A_85, %scan3A_129 : i32
      %mul3A_131 = arith.constant 1 : i32
      %mul3A_132 = arith.muli %scan3A_130, %mul3A_131 : i32
      %add3A_133 = arith.constant 0 : i32
      %add3A_134 = arith.addi %add3A_133, %mul3A_132 : i32
      %mul3A_135 = arith.constant 16 : i32
      %mul3A_136 = arith.muli %add3A_134, %mul3A_135 : i32
      %get3A_137 = arith.index_cast %mul3A_136 : i32 to index
      %get3A_138 = tpu.vector_load %arg11[%get3A_137] {strides = array<i32>} : memref<10000xi32, #tpu.memory_space<vmem>>, vector<16xi32>,
      %mul3A_139 = arith.constant 16 : i32
      %mul3A_140 = arith.muli %add3A_134, %mul3A_139 : i32
      %get3A_141 = arith.index_cast %mul3A_140 : i32 to index
      %get3A_142 = tpu.vector_load %arg12[%get3A_141] {strides = array<i32>} : memref<10000xi32, #tpu.memory_space<vmem>>, vector<16xi32>,
      %gather3A_143 = tpu.vector_load_idx %arg10[%get3A_142] : memref<10240xf32, #tpu.memory_space<vmem>>[vector<16xi32>], vector<16xf32>,
      tpu.vector_store_idx %arg13[%get3A_138], %gather3A_143 {add = true} : memref<10240xf32, #tpu.memory_space<vmem>>[vector<16xi32>], vector<16xf32>,
      %scan3A_144 = arith.constant 4 : i32
      %scan3A_145 = arith.addi %scan3A_85, %scan3A_144 : i32
      %mul3A_146 = arith.constant 1 : i32
      %mul3A_147 = arith.muli %scan3A_145, %mul3A_146 : i32
      %add3A_148 = arith.constant 0 : i32
      %add3A_149 = arith.addi %add3A_148, %mul3A_147 : i32
      %mul3A_150 = arith.constant 16 : i32
      %mul3A_151 = arith.muli %add3A_149, %mul3A_150 : i32
      %get3A_152 = arith.index_cast %mul3A_151 : i32 to index
      %get3A_153 = tpu.vector_load %arg11[%get3A_152] {strides = array<i32>} : memref<10000xi32, #tpu.memory_space<vmem>>, vector<16xi32>,
      %mul3A_154 = arith.constant 16 : i32
      %mul3A_155 = arith.muli %add3A_149, %mul3A_154 : i32
      %get3A_156 = arith.index_cast %mul3A_155 : i32 to index
      %get3A_157 = tpu.vector_load %arg12[%get3A_156] {strides = array<i32>} : memref<10000xi32, #tpu.memory_space<vmem>>, vector<16xi32>,
      %gather3A_158 = tpu.vector_load_idx %arg10[%get3A_157] : memref<10240xf32, #tpu.memory_space<vmem>>[vector<16xi32>], vector<16xf32>,
      tpu.vector_store_idx %arg13[%get3A_153], %gather3A_158 {add = true} : memref<10240xf32, #tpu.memory_space<vmem>>[vector<16xi32>], vector<16xf32>,
      %scan3A_159 = arith.constant 5 : i32
      %scan3A_160 = arith.addi %scan3A_85, %scan3A_159 : i32
      %mul3A_161 = arith.constant 1 : i32
      %mul3A_162 = arith.muli %scan3A_160, %mul3A_161 : i32
      %add3A_163 = arith.constant 0 : i32
      %add3A_164 = arith.addi %add3A_163, %mul3A_162 : i32
      %mul3A_165 = arith.constant 16 : i32
      %mul3A_166 = arith.muli %add3A_164, %mul3A_165 : i32
      %get3A_167 = arith.index_cast %mul3A_166 : i32 to index
      %get3A_168 = tpu.vector_load %arg11[%get3A_167] {strides = array<i32>} : memref<10000xi32, #tpu.memory_space<vmem>>, vector<16xi32>,
      %mul3A_169 = arith.constant 16 : i32
      %mul3A_170 = arith.muli %add3A_164, %mul3A_169 : i32
      %get3A_171 = arith.index_cast %mul3A_170 : i32 to index
      %get3A_172 = tpu.vector_load %arg12[%get3A_171] {strides = array<i32>} : memref<10000xi32, #tpu.memory_space<vmem>>, vector<16xi32>,
      %gather3A_173 = tpu.vector_load_idx %arg10[%get3A_172] : memref<10240xf32, #tpu.memory_space<vmem>>[vector<16xi32>], vector<16xf32>,
      tpu.vector_store_idx %arg13[%get3A_168], %gather3A_173 {add = true} : memref<10240xf32, #tpu.memory_space<vmem>>[vector<16xi32>], vector<16xf32>,
      %scan3A_174 = arith.constant 6 : i32
      %scan3A_175 = arith.addi %scan3A_85, %scan3A_174 : i32
      %mul3A_176 = arith.constant 1 : i32
      %mul3A_177 = arith.muli %scan3A_175, %mul3A_176 : i32
      %add3A_178 = arith.constant 0 : i32
      %add3A_179 = arith.addi %add3A_178, %mul3A_177 : i32
      %mul3A_180 = arith.constant 16 : i32
      %mul3A_181 = arith.muli %add3A_179, %mul3A_180 : i32
      %get3A_182 = arith.index_cast %mul3A_181 : i32 to index
      %get3A_183 = tpu.vector_load %arg11[%get3A_182] {strides = array<i32>} : memref<10000xi32, #tpu.memory_space<vmem>>, vector<16xi32>,
      %mul3A_184 = arith.constant 16 : i32
      %mul3A_185 = arith.muli %add3A_179, %mul3A_184 : i32
      %get3A_186 = arith.index_cast %mul3A_185 : i32 to index
      %get3A_187 = tpu.vector_load %arg12[%get3A_186] {strides = array<i32>} : memref<10000xi32, #tpu.memory_space<vmem>>, vector<16xi32>,
      %gather3A_188 = tpu.vector_load_idx %arg10[%get3A_187] : memref<10240xf32, #tpu.memory_space<vmem>>[vector<16xi32>], vector<16xf32>,
      tpu.vector_store_idx %arg13[%get3A_183], %gather3A_188 {add = true} : memref<10240xf32, #tpu.memory_space<vmem>>[vector<16xi32>], vector<16xf32>,
      %scan3A_189 = arith.constant 7 : i32
      %scan3A_190 = arith.addi %scan3A_85, %scan3A_189 : i32
      %mul3A_191 = arith.constant 1 : i32
      %mul3A_192 = arith.muli %scan3A_190, %mul3A_191 : i32
      %add3A_193 = arith.constant 0 : i32
      %add3A_194 = arith.addi %add3A_193, %mul3A_192 : i32
      %mul3A_195 = arith.constant 16 : i32
      %mul3A_196 = arith.muli %add3A_194, %mul3A_195 : i32
      %get3A_197 = arith.index_cast %mul3A_196 : i32 to index
      %get3A_198 = tpu.vector_load %arg11[%get3A_197] {strides = array<i32>} : memref<10000xi32, #tpu.memory_space<vmem>>, vector<16xi32>,
      %mul3A_199 = arith.constant 16 : i32
      %mul3A_200 = arith.muli %add3A_194, %mul3A_199 : i32
      %get3A_201 = arith.index_cast %mul3A_200 : i32 to index
      %get3A_202 = tpu.vector_load %arg12[%get3A_201] {strides = array<i32>} : memref<10000xi32, #tpu.memory_space<vmem>>, vector<16xi32>,
      %gather3A_203 = tpu.vector_load_idx %arg10[%get3A_202] : memref<10240xf32, #tpu.memory_space<vmem>>[vector<16xi32>], vector<16xf32>,
      tpu.vector_store_idx %arg13[%get3A_198], %gather3A_203 {add = true} : memref<10240xf32, #tpu.memory_space<vmem>>[vector<16xi32>], vector<16xf32>,
    }
    %scan3A_70 = arith.constant 624 : i32
    %scan3A_71 = arith.addi %scan3A_66, %scan3A_70 : i32
    %mul3A_72 = arith.constant 1 : i32
    %mul3A_73 = arith.muli %scan3A_71, %mul3A_72 : i32
    %add3A_74 = arith.constant 0 : i32
    %add3A_75 = arith.addi %add3A_74, %mul3A_73 : i32
    %mul3A_76 = arith.constant 16 : i32
    %mul3A_77 = arith.muli %add3A_75, %mul3A_76 : i32
    %get3A_78 = arith.index_cast %mul3A_77 : i32 to index
    %get3A_79 = tpu.vector_load %arg11[%get3A_78] {strides = array<i32>} : memref<10000xi32, #tpu.memory_space<vmem>>, vector<16xi32>,
    %mul3A_80 = arith.constant 16 : i32
    %mul3A_81 = arith.muli %add3A_75, %mul3A_80 : i32
    %get3A_82 = arith.index_cast %mul3A_81 : i32 to index
    %get3A_83 = tpu.vector_load %arg12[%get3A_82] {strides = array<i32>} : memref<10000xi32, #tpu.memory_space<vmem>>, vector<16xi32>,
    %gather3A = tpu.vector_load_idx %arg10[%get3A_83] : memref<10240xf32, #tpu.memory_space<vmem>>[vector<16xi32>], vector<16xf32>,
    tpu.vector_store_idx %arg13[%get3A_79], %gather3A {add = true} : memref<10240xf32, #tpu.memory_space<vmem>>[vector<16xi32>], vector<16xf32>,
    %scan3A_84 = arith.constant 625 : i32
    "tpu.region"() ({
      %run_scoped3A = tpu.sem_alloc : memref<!tpu.dma_semaphore, #tpu.memory_space<semaphore_mem>>
      %dma_start3A_85 = arith.constant 0 : i32
      %dma_start3A_86 = tpu.memref_slice %arg5[%add3A, %dma_start3A_85] : memref<32x10240xf32, #tpu.memory_space<hbm>> -> memref<1x10240xf32, #tpu.memory_space<hbm>>
      %dma_start3A_87 = tpu.memref_squeeze %dma_start3A_86 : memref<1x10240xf32, #tpu.memory_space<hbm>> -> memref<10240xf32, #tpu.memory_space<hbm>>
      %dma_start3A_88 = arith.constant 0 : i32
      %dma_start3A_89 = tpu.memref_slice %arg5[%add3A, %dma_start3A_88] : memref<32x10240xf32, #tpu.memory_space<hbm>> -> memref<1x10240xf32, #tpu.memory_space<hbm>>
      %dma_start3A_90 = tpu.memref_squeeze %dma_start3A_89 : memref<1x10240xf32, #tpu.memory_space<hbm>> -> memref<10240xf32, #tpu.memory_space<hbm>>
      tpu.enqueue_dma source(%arg13 : memref<10240xf32, #tpu.memory_space<vmem>>) target(%dma_start3A_90 : memref<10240xf32, #tpu.memory_space<hbm>>) target_semaphore(%run_scoped3A : memref<!tpu.dma_semaphore, #tpu.memory_space<semaphore_mem>>)
      %dma_wait3A_91 = arith.constant 0 : i32
      %dma_wait3A_92 = tpu.memref_slice %arg5[%add3A, %dma_wait3A_91] : memref<32x10240xf32, #tpu.memory_space<hbm>> -> memref<1x10240xf32, #tpu.memory_space<hbm>>
      %dma_wait3A_93 = tpu.memref_squeeze %dma_wait3A_92 : memref<1x10240xf32, #tpu.memory_space<hbm>> -> memref<10240xf32, #tpu.memory_space<hbm>>
      %dma_wait3A_94 = arith.constant 0 : i32
      %dma_wait3A_95 = tpu.memref_slice %arg5[%add3A, %dma_wait3A_94] : memref<32x10240xf32, #tpu.memory_space<hbm>> -> memref<1x10240xf32, #tpu.memory_space<hbm>>
      %dma_wait3A_96 = tpu.memref_squeeze %dma_wait3A_95 : memref<1x10240xf32, #tpu.memory_space<hbm>> -> memref<10240xf32, #tpu.memory_space<hbm>>
      tpu.wait_dma2 semaphore(%run_scoped3A : memref<!tpu.dma_semaphore, #tpu.memory_space<semaphore_mem>>) src(%arg13 : memref<10240xf32, #tpu.memory_space<vmem>>) dst(%dma_wait3A_96 : memref<10240xf32, #tpu.memory_space<hbm>>)
      tpu.yield
    }) : () -> ()
    return
  }
}

#map = affine_map<(d0, d1) -> (0, 0)>
#map1 = affine_map<(d0, d1) -> (0, 0, 0)>
module attributes {stable_mosaic.version = 14 : i64} {
  func.func @_sc_edge_pass(%arg0: i32, %arg1: i32, %arg2: memref<10240x128xf32, #tpu.memory_space<hbm>>, %arg3: memref<32x160x64xi32, #tpu.memory_space<hbm>>, %arg4: memref<32x160x64xi32, #tpu.memory_space<hbm>>, %arg5: memref<2x10240x128xf32, #tpu.memory_space<hbm>>, %arg6: memref<4x64xi32, #tpu.memory_space<vmem>>, %arg7: memref<4x64xi32, #tpu.memory_space<vmem>>, %arg8: memref<4x64x128xf32, #tpu.memory_space<vmem>>, %arg9: memref<32x128xf32, #tpu.memory_space<vmem>>, %arg10: memref<10240x128xf32, #tpu.memory_space<vmem_shared>>, %arg11: memref<!tpu.dma_semaphore, #tpu.memory_space<semaphore_mem>>, %arg12: memref<!tpu.dma_semaphore, #tpu.memory_space<semaphore_mem>>, %arg13: memref<!tpu.dma_semaphore, #tpu.memory_space<semaphore_mem>>, %arg14: memref<!tpu.dma_semaphore, #tpu.memory_space<semaphore_mem>>, %arg15: memref<!tpu.dma_semaphore, #tpu.memory_space<semaphore_mem>>, %arg16: memref<!tpu.dma_semaphore, #tpu.memory_space<semaphore_mem>>, %arg17: memref<!tpu.dma_semaphore, #tpu.memory_space<semaphore_mem>>, %arg18: memref<!tpu.dma_semaphore, #tpu.memory_space<semaphore_mem>>, %arg19: memref<!tpu.dma_semaphore, #tpu.memory_space<semaphore_mem>>, %arg20: memref<!tpu.dma_semaphore, #tpu.memory_space<semaphore_mem>>, %arg21: memref<!tpu.dma_semaphore, #tpu.memory_space<semaphore_mem>>, %arg22: memref<!tpu.dma_semaphore, #tpu.memory_space<semaphore_mem>>, %arg23: memref<!tpu.dma_semaphore, #tpu.memory_space<semaphore_mem>>, %arg24: memref<!tpu.dma_semaphore, #tpu.memory_space<semaphore_mem>>, %arg25: memref<!tpu.dma_semaphore, #tpu.memory_space<semaphore_mem>>, %arg26: memref<!tpu.dma_semaphore, #tpu.memory_space<semaphore_mem>>, %arg27: memref<!tpu.dma_semaphore, #tpu.memory_space<semaphore_mem>>) attributes {dimension_semantics = [#tpu.dimension_semantics<core_parallel>, #tpu.dimension_semantics<subcore_parallel>], iteration_bounds = array<i64: 2, 16>, scalar_prefetch = 0 : i64, scratch_operands = 22 : i64, tpu.core_type = #tpu.core_type<sc_vector_subcore>, window_params = [{transform_indices = #map}, {transform_indices = #map1}, {transform_indices = #map1}, {transform_indices = #map1}]} {
    %mul3A = arith.constant 2 : i32
    %mul3A_0 = arith.muli %arg1, %mul3A : i32
    %add3A = arith.addi %mul3A_0, %arg0 : i32
    %broadcast_in_dim3A = arith.constant 0.000000e+00 : f32
    %broadcast_in_dim3A_1 = vector.broadcast %broadcast_in_dim3A : f32 to vector<16xf32>
    %run_scoped3A = arith.constant 0 : i32
    %run_scoped3A_2 = arith.constant 0 : i32
    "tpu.region"() ({
      %run_scoped3A_373 = tpu.sem_alloc : memref<!tpu.dma_semaphore, #tpu.memory_space<semaphore_mem>>
      %dma_start3A_374 = arith.constant 0 : i32
      %dma_start3A_375 = tpu.memref_slice %arg6[%run_scoped3A_2, %dma_start3A_374] : memref<4x64xi32, #tpu.memory_space<vmem>> -> memref<1x64xi32, #tpu.memory_space<vmem>>
      %dma_start3A_376 = tpu.memref_squeeze %dma_start3A_375 : memref<1x64xi32, #tpu.memory_space<vmem>> -> memref<64xi32, #tpu.memory_space<vmem>>
      %dma_start3A_377 = arith.constant 0 : i32
      %dma_start3A_378 = tpu.memref_slice %arg3[%add3A, %run_scoped3A, %dma_start3A_377] : memref<32x160x64xi32, #tpu.memory_space<hbm>> -> memref<1x1x64xi32, #tpu.memory_space<hbm>>
      %dma_start3A_379 = tpu.memref_squeeze %dma_start3A_378 : memref<1x1x64xi32, #tpu.memory_space<hbm>> -> memref<64xi32, #tpu.memory_space<hbm>>
      %dma_start3A_380 = arith.constant 0 : i32
      %dma_start3A_381 = tpu.memref_slice %arg6[%run_scoped3A_2, %dma_start3A_380] : memref<4x64xi32, #tpu.memory_space<vmem>> -> memref<1x64xi32, #tpu.memory_space<vmem>>
      %dma_start3A_382 = tpu.memref_squeeze %dma_start3A_381 : memref<1x64xi32, #tpu.memory_space<vmem>> -> memref<64xi32, #tpu.memory_space<vmem>>
      %dma_start3A_383 = arith.constant 0 : i32
      %dma_start3A_384 = tpu.memref_slice %arg3[%add3A, %run_scoped3A, %dma_start3A_383] : memref<32x160x64xi32, #tpu.memory_space<hbm>> -> memref<1x1x64xi32, #tpu.memory_space<hbm>>
      %dma_start3A_385 = tpu.memref_squeeze %dma_start3A_384 : memref<1x1x64xi32, #tpu.memory_space<hbm>> -> memref<64xi32, #tpu.memory_space<hbm>>
      tpu.enqueue_dma source(%dma_start3A_385 : memref<64xi32, #tpu.memory_space<hbm>>) target(%dma_start3A_382 : memref<64xi32, #tpu.memory_space<vmem>>) target_semaphore(%run_scoped3A_373 : memref<!tpu.dma_semaphore, #tpu.memory_space<semaphore_mem>>)
      %dma_wait3A_386 = arith.constant 0 : i32
      %dma_wait3A_387 = tpu.memref_slice %arg6[%run_scoped3A_2, %dma_wait3A_386] : memref<4x64xi32, #tpu.memory_space<vmem>> -> memref<1x64xi32, #tpu.memory_space<vmem>>
      %dma_wait3A_388 = tpu.memref_squeeze %dma_wait3A_387 : memref<1x64xi32, #tpu.memory_space<vmem>> -> memref<64xi32, #tpu.memory_space<vmem>>
      %dma_wait3A_389 = arith.constant 0 : i32
      %dma_wait3A_390 = tpu.memref_slice %arg3[%add3A, %run_scoped3A, %dma_wait3A_389] : memref<32x160x64xi32, #tpu.memory_space<hbm>> -> memref<1x1x64xi32, #tpu.memory_space<hbm>>
      %dma_wait3A_391 = tpu.memref_squeeze %dma_wait3A_390 : memref<1x1x64xi32, #tpu.memory_space<hbm>> -> memref<64xi32, #tpu.memory_space<hbm>>
      %dma_wait3A_392 = arith.constant 0 : i32
      %dma_wait3A_393 = tpu.memref_slice %arg6[%run_scoped3A_2, %dma_wait3A_392] : memref<4x64xi32, #tpu.memory_space<vmem>> -> memref<1x64xi32, #tpu.memory_space<vmem>>
      %dma_wait3A_394 = tpu.memref_squeeze %dma_wait3A_393 : memref<1x64xi32, #tpu.memory_space<vmem>> -> memref<64xi32, #tpu.memory_space<vmem>>
      %dma_wait3A_395 = arith.constant 0 : i32
      %dma_wait3A_396 = tpu.memref_slice %arg3[%add3A, %run_scoped3A, %dma_wait3A_395] : memref<32x160x64xi32, #tpu.memory_space<hbm>> -> memref<1x1x64xi32, #tpu.memory_space<hbm>>
      %dma_wait3A_397 = tpu.memref_squeeze %dma_wait3A_396 : memref<1x1x64xi32, #tpu.memory_space<hbm>> -> memref<64xi32, #tpu.memory_space<hbm>>
      tpu.wait_dma2 semaphore(%run_scoped3A_373 : memref<!tpu.dma_semaphore, #tpu.memory_space<semaphore_mem>>) src(%dma_wait3A_397 : memref<64xi32, #tpu.memory_space<hbm>>) dst(%dma_wait3A_394 : memref<64xi32, #tpu.memory_space<vmem>>)
      tpu.yield
    }) : () -> ()
    %run_scoped3A_3 = arith.constant 0 : i32
    %run_scoped3A_4 = arith.constant 0 : i32
    "tpu.region"() ({
      %run_scoped3A_373 = tpu.sem_alloc : memref<!tpu.dma_semaphore, #tpu.memory_space<semaphore_mem>>
      %dma_start3A_374 = arith.constant 0 : i32
      %dma_start3A_375 = tpu.memref_slice %arg7[%run_scoped3A_4, %dma_start3A_374] : memref<4x64xi32, #tpu.memory_space<vmem>> -> memref<1x64xi32, #tpu.memory_space<vmem>>
      %dma_start3A_376 = tpu.memref_squeeze %dma_start3A_375 : memref<1x64xi32, #tpu.memory_space<vmem>> -> memref<64xi32, #tpu.memory_space<vmem>>
      %dma_start3A_377 = arith.constant 0 : i32
      %dma_start3A_378 = tpu.memref_slice %arg4[%add3A, %run_scoped3A_3, %dma_start3A_377] : memref<32x160x64xi32, #tpu.memory_space<hbm>> -> memref<1x1x64xi32, #tpu.memory_space<hbm>>
      %dma_start3A_379 = tpu.memref_squeeze %dma_start3A_378 : memref<1x1x64xi32, #tpu.memory_space<hbm>> -> memref<64xi32, #tpu.memory_space<hbm>>
      %dma_start3A_380 = arith.constant 0 : i32
      %dma_start3A_381 = tpu.memref_slice %arg7[%run_scoped3A_4, %dma_start3A_380] : memref<4x64xi32, #tpu.memory_space<vmem>> -> memref<1x64xi32, #tpu.memory_space<vmem>>
      %dma_start3A_382 = tpu.memref_squeeze %dma_start3A_381 : memref<1x64xi32, #tpu.memory_space<vmem>> -> memref<64xi32, #tpu.memory_space<vmem>>
      %dma_start3A_383 = arith.constant 0 : i32
      %dma_start3A_384 = tpu.memref_slice %arg4[%add3A, %run_scoped3A_3, %dma_start3A_383] : memref<32x160x64xi32, #tpu.memory_space<hbm>> -> memref<1x1x64xi32, #tpu.memory_space<hbm>>
      %dma_start3A_385 = tpu.memref_squeeze %dma_start3A_384 : memref<1x1x64xi32, #tpu.memory_space<hbm>> -> memref<64xi32, #tpu.memory_space<hbm>>
      tpu.enqueue_dma source(%dma_start3A_385 : memref<64xi32, #tpu.memory_space<hbm>>) target(%dma_start3A_382 : memref<64xi32, #tpu.memory_space<vmem>>) target_semaphore(%run_scoped3A_373 : memref<!tpu.dma_semaphore, #tpu.memory_space<semaphore_mem>>)
      %dma_wait3A_386 = arith.constant 0 : i32
      %dma_wait3A_387 = tpu.memref_slice %arg7[%run_scoped3A_4, %dma_wait3A_386] : memref<4x64xi32, #tpu.memory_space<vmem>> -> memref<1x64xi32, #tpu.memory_space<vmem>>
      %dma_wait3A_388 = tpu.memref_squeeze %dma_wait3A_387 : memref<1x64xi32, #tpu.memory_space<vmem>> -> memref<64xi32, #tpu.memory_space<vmem>>
      %dma_wait3A_389 = arith.constant 0 : i32
      %dma_wait3A_390 = tpu.memref_slice %arg4[%add3A, %run_scoped3A_3, %dma_wait3A_389] : memref<32x160x64xi32, #tpu.memory_space<hbm>> -> memref<1x1x64xi32, #tpu.memory_space<hbm>>
      %dma_wait3A_391 = tpu.memref_squeeze %dma_wait3A_390 : memref<1x1x64xi32, #tpu.memory_space<hbm>> -> memref<64xi32, #tpu.memory_space<hbm>>
      %dma_wait3A_392 = arith.constant 0 : i32
      %dma_wait3A_393 = tpu.memref_slice %arg7[%run_scoped3A_4, %dma_wait3A_392] : memref<4x64xi32, #tpu.memory_space<vmem>> -> memref<1x64xi32, #tpu.memory_space<vmem>>
      %dma_wait3A_394 = tpu.memref_squeeze %dma_wait3A_393 : memref<1x64xi32, #tpu.memory_space<vmem>> -> memref<64xi32, #tpu.memory_space<vmem>>
      %dma_wait3A_395 = arith.constant 0 : i32
      %dma_wait3A_396 = tpu.memref_slice %arg4[%add3A, %run_scoped3A_3, %dma_wait3A_395] : memref<32x160x64xi32, #tpu.memory_space<hbm>> -> memref<1x1x64xi32, #tpu.memory_space<hbm>>
      %dma_wait3A_397 = tpu.memref_squeeze %dma_wait3A_396 : memref<1x1x64xi32, #tpu.memory_space<hbm>> -> memref<64xi32, #tpu.memory_space<hbm>>
      tpu.wait_dma2 semaphore(%run_scoped3A_373 : memref<!tpu.dma_semaphore, #tpu.memory_space<semaphore_mem>>) src(%dma_wait3A_397 : memref<64xi32, #tpu.memory_space<hbm>>) dst(%dma_wait3A_394 : memref<64xi32, #tpu.memory_space<vmem>>)
      tpu.yield
    }) : () -> ()
    %run_scoped3A_5 = arith.constant 1 : i32
    %run_scoped3A_6 = arith.constant 1 : i32
    "tpu.region"() ({
      %run_scoped3A_373 = tpu.sem_alloc : memref<!tpu.dma_semaphore, #tpu.memory_space<semaphore_mem>>
      %dma_start3A_374 = arith.constant 0 : i32
      %dma_start3A_375 = tpu.memref_slice %arg6[%run_scoped3A_6, %dma_start3A_374] : memref<4x64xi32, #tpu.memory_space<vmem>> -> memref<1x64xi32, #tpu.memory_space<vmem>>
      %dma_start3A_376 = tpu.memref_squeeze %dma_start3A_375 : memref<1x64xi32, #tpu.memory_space<vmem>> -> memref<64xi32, #tpu.memory_space<vmem>>
      %dma_start3A_377 = arith.constant 0 : i32
      %dma_start3A_378 = tpu.memref_slice %arg3[%add3A, %run_scoped3A_5, %dma_start3A_377] : memref<32x160x64xi32, #tpu.memory_space<hbm>> -> memref<1x1x64xi32, #tpu.memory_space<hbm>>
      %dma_start3A_379 = tpu.memref_squeeze %dma_start3A_378 : memref<1x1x64xi32, #tpu.memory_space<hbm>> -> memref<64xi32, #tpu.memory_space<hbm>>
      %dma_start3A_380 = arith.constant 0 : i32
      %dma_start3A_381 = tpu.memref_slice %arg6[%run_scoped3A_6, %dma_start3A_380] : memref<4x64xi32, #tpu.memory_space<vmem>> -> memref<1x64xi32, #tpu.memory_space<vmem>>
      %dma_start3A_382 = tpu.memref_squeeze %dma_start3A_381 : memref<1x64xi32, #tpu.memory_space<vmem>> -> memref<64xi32, #tpu.memory_space<vmem>>
      %dma_start3A_383 = arith.constant 0 : i32
      %dma_start3A_384 = tpu.memref_slice %arg3[%add3A, %run_scoped3A_5, %dma_start3A_383] : memref<32x160x64xi32, #tpu.memory_space<hbm>> -> memref<1x1x64xi32, #tpu.memory_space<hbm>>
      %dma_start3A_385 = tpu.memref_squeeze %dma_start3A_384 : memref<1x1x64xi32, #tpu.memory_space<hbm>> -> memref<64xi32, #tpu.memory_space<hbm>>
      tpu.enqueue_dma source(%dma_start3A_385 : memref<64xi32, #tpu.memory_space<hbm>>) target(%dma_start3A_382 : memref<64xi32, #tpu.memory_space<vmem>>) target_semaphore(%run_scoped3A_373 : memref<!tpu.dma_semaphore, #tpu.memory_space<semaphore_mem>>)
      %dma_wait3A_386 = arith.constant 0 : i32
      %dma_wait3A_387 = tpu.memref_slice %arg6[%run_scoped3A_6, %dma_wait3A_386] : memref<4x64xi32, #tpu.memory_space<vmem>> -> memref<1x64xi32, #tpu.memory_space<vmem>>
      %dma_wait3A_388 = tpu.memref_squeeze %dma_wait3A_387 : memref<1x64xi32, #tpu.memory_space<vmem>> -> memref<64xi32, #tpu.memory_space<vmem>>
      %dma_wait3A_389 = arith.constant 0 : i32
      %dma_wait3A_390 = tpu.memref_slice %arg3[%add3A, %run_scoped3A_5, %dma_wait3A_389] : memref<32x160x64xi32, #tpu.memory_space<hbm>> -> memref<1x1x64xi32, #tpu.memory_space<hbm>>
      %dma_wait3A_391 = tpu.memref_squeeze %dma_wait3A_390 : memref<1x1x64xi32, #tpu.memory_space<hbm>> -> memref<64xi32, #tpu.memory_space<hbm>>
      %dma_wait3A_392 = arith.constant 0 : i32
      %dma_wait3A_393 = tpu.memref_slice %arg6[%run_scoped3A_6, %dma_wait3A_392] : memref<4x64xi32, #tpu.memory_space<vmem>> -> memref<1x64xi32, #tpu.memory_space<vmem>>
      %dma_wait3A_394 = tpu.memref_squeeze %dma_wait3A_393 : memref<1x64xi32, #tpu.memory_space<vmem>> -> memref<64xi32, #tpu.memory_space<vmem>>
      %dma_wait3A_395 = arith.constant 0 : i32
      %dma_wait3A_396 = tpu.memref_slice %arg3[%add3A, %run_scoped3A_5, %dma_wait3A_395] : memref<32x160x64xi32, #tpu.memory_space<hbm>> -> memref<1x1x64xi32, #tpu.memory_space<hbm>>
      %dma_wait3A_397 = tpu.memref_squeeze %dma_wait3A_396 : memref<1x1x64xi32, #tpu.memory_space<hbm>> -> memref<64xi32, #tpu.memory_space<hbm>>
      tpu.wait_dma2 semaphore(%run_scoped3A_373 : memref<!tpu.dma_semaphore, #tpu.memory_space<semaphore_mem>>) src(%dma_wait3A_397 : memref<64xi32, #tpu.memory_space<hbm>>) dst(%dma_wait3A_394 : memref<64xi32, #tpu.memory_space<vmem>>)
      tpu.yield
    }) : () -> ()
    %run_scoped3A_7 = arith.constant 1 : i32
    %run_scoped3A_8 = arith.constant 1 : i32
    "tpu.region"() ({
      %run_scoped3A_373 = tpu.sem_alloc : memref<!tpu.dma_semaphore, #tpu.memory_space<semaphore_mem>>
      %dma_start3A_374 = arith.constant 0 : i32
      %dma_start3A_375 = tpu.memref_slice %arg7[%run_scoped3A_8, %dma_start3A_374] : memref<4x64xi32, #tpu.memory_space<vmem>> -> memref<1x64xi32, #tpu.memory_space<vmem>>
      %dma_start3A_376 = tpu.memref_squeeze %dma_start3A_375 : memref<1x64xi32, #tpu.memory_space<vmem>> -> memref<64xi32, #tpu.memory_space<vmem>>
      %dma_start3A_377 = arith.constant 0 : i32
      %dma_start3A_378 = tpu.memref_slice %arg4[%add3A, %run_scoped3A_7, %dma_start3A_377] : memref<32x160x64xi32, #tpu.memory_space<hbm>> -> memref<1x1x64xi32, #tpu.memory_space<hbm>>
      %dma_start3A_379 = tpu.memref_squeeze %dma_start3A_378 : memref<1x1x64xi32, #tpu.memory_space<hbm>> -> memref<64xi32, #tpu.memory_space<hbm>>
      %dma_start3A_380 = arith.constant 0 : i32
      %dma_start3A_381 = tpu.memref_slice %arg7[%run_scoped3A_8, %dma_start3A_380] : memref<4x64xi32, #tpu.memory_space<vmem>> -> memref<1x64xi32, #tpu.memory_space<vmem>>
      %dma_start3A_382 = tpu.memref_squeeze %dma_start3A_381 : memref<1x64xi32, #tpu.memory_space<vmem>> -> memref<64xi32, #tpu.memory_space<vmem>>
      %dma_start3A_383 = arith.constant 0 : i32
      %dma_start3A_384 = tpu.memref_slice %arg4[%add3A, %run_scoped3A_7, %dma_start3A_383] : memref<32x160x64xi32, #tpu.memory_space<hbm>> -> memref<1x1x64xi32, #tpu.memory_space<hbm>>
      %dma_start3A_385 = tpu.memref_squeeze %dma_start3A_384 : memref<1x1x64xi32, #tpu.memory_space<hbm>> -> memref<64xi32, #tpu.memory_space<hbm>>
      tpu.enqueue_dma source(%dma_start3A_385 : memref<64xi32, #tpu.memory_space<hbm>>) target(%dma_start3A_382 : memref<64xi32, #tpu.memory_space<vmem>>) target_semaphore(%run_scoped3A_373 : memref<!tpu.dma_semaphore, #tpu.memory_space<semaphore_mem>>)
      %dma_wait3A_386 = arith.constant 0 : i32
      %dma_wait3A_387 = tpu.memref_slice %arg7[%run_scoped3A_8, %dma_wait3A_386] : memref<4x64xi32, #tpu.memory_space<vmem>> -> memref<1x64xi32, #tpu.memory_space<vmem>>
      %dma_wait3A_388 = tpu.memref_squeeze %dma_wait3A_387 : memref<1x64xi32, #tpu.memory_space<vmem>> -> memref<64xi32, #tpu.memory_space<vmem>>
      %dma_wait3A_389 = arith.constant 0 : i32
      %dma_wait3A_390 = tpu.memref_slice %arg4[%add3A, %run_scoped3A_7, %dma_wait3A_389] : memref<32x160x64xi32, #tpu.memory_space<hbm>> -> memref<1x1x64xi32, #tpu.memory_space<hbm>>
      %dma_wait3A_391 = tpu.memref_squeeze %dma_wait3A_390 : memref<1x1x64xi32, #tpu.memory_space<hbm>> -> memref<64xi32, #tpu.memory_space<hbm>>
      %dma_wait3A_392 = arith.constant 0 : i32
      %dma_wait3A_393 = tpu.memref_slice %arg7[%run_scoped3A_8, %dma_wait3A_392] : memref<4x64xi32, #tpu.memory_space<vmem>> -> memref<1x64xi32, #tpu.memory_space<vmem>>
      %dma_wait3A_394 = tpu.memref_squeeze %dma_wait3A_393 : memref<1x64xi32, #tpu.memory_space<vmem>> -> memref<64xi32, #tpu.memory_space<vmem>>
      %dma_wait3A_395 = arith.constant 0 : i32
      %dma_wait3A_396 = tpu.memref_slice %arg4[%add3A, %run_scoped3A_7, %dma_wait3A_395] : memref<32x160x64xi32, #tpu.memory_space<hbm>> -> memref<1x1x64xi32, #tpu.memory_space<hbm>>
      %dma_wait3A_397 = tpu.memref_squeeze %dma_wait3A_396 : memref<1x1x64xi32, #tpu.memory_space<hbm>> -> memref<64xi32, #tpu.memory_space<hbm>>
      tpu.wait_dma2 semaphore(%run_scoped3A_373 : memref<!tpu.dma_semaphore, #tpu.memory_space<semaphore_mem>>) src(%dma_wait3A_397 : memref<64xi32, #tpu.memory_space<hbm>>) dst(%dma_wait3A_394 : memref<64xi32, #tpu.memory_space<vmem>>)
      tpu.yield
    }) : () -> ()
    %run_scoped3A_9 = arith.constant 2 : i32
    %run_scoped3A_10 = arith.constant 2 : i32
    "tpu.region"() ({
      %run_scoped3A_373 = tpu.sem_alloc : memref<!tpu.dma_semaphore, #tpu.memory_space<semaphore_mem>>
      %dma_start3A_374 = arith.constant 0 : i32
      %dma_start3A_375 = tpu.memref_slice %arg6[%run_scoped3A_10, %dma_start3A_374] : memref<4x64xi32, #tpu.memory_space<vmem>> -> memref<1x64xi32, #tpu.memory_space<vmem>>
      %dma_start3A_376 = tpu.memref_squeeze %dma_start3A_375 : memref<1x64xi32, #tpu.memory_space<vmem>> -> memref<64xi32, #tpu.memory_space<vmem>>
      %dma_start3A_377 = arith.constant 0 : i32
      %dma_start3A_378 = tpu.memref_slice %arg3[%add3A, %run_scoped3A_9, %dma_start3A_377] : memref<32x160x64xi32, #tpu.memory_space<hbm>> -> memref<1x1x64xi32, #tpu.memory_space<hbm>>
      %dma_start3A_379 = tpu.memref_squeeze %dma_start3A_378 : memref<1x1x64xi32, #tpu.memory_space<hbm>> -> memref<64xi32, #tpu.memory_space<hbm>>
      %dma_start3A_380 = arith.constant 0 : i32
      %dma_start3A_381 = tpu.memref_slice %arg6[%run_scoped3A_10, %dma_start3A_380] : memref<4x64xi32, #tpu.memory_space<vmem>> -> memref<1x64xi32, #tpu.memory_space<vmem>>
      %dma_start3A_382 = tpu.memref_squeeze %dma_start3A_381 : memref<1x64xi32, #tpu.memory_space<vmem>> -> memref<64xi32, #tpu.memory_space<vmem>>
      %dma_start3A_383 = arith.constant 0 : i32
      %dma_start3A_384 = tpu.memref_slice %arg3[%add3A, %run_scoped3A_9, %dma_start3A_383] : memref<32x160x64xi32, #tpu.memory_space<hbm>> -> memref<1x1x64xi32, #tpu.memory_space<hbm>>
      %dma_start3A_385 = tpu.memref_squeeze %dma_start3A_384 : memref<1x1x64xi32, #tpu.memory_space<hbm>> -> memref<64xi32, #tpu.memory_space<hbm>>
      tpu.enqueue_dma source(%dma_start3A_385 : memref<64xi32, #tpu.memory_space<hbm>>) target(%dma_start3A_382 : memref<64xi32, #tpu.memory_space<vmem>>) target_semaphore(%run_scoped3A_373 : memref<!tpu.dma_semaphore, #tpu.memory_space<semaphore_mem>>)
      %dma_wait3A_386 = arith.constant 0 : i32
      %dma_wait3A_387 = tpu.memref_slice %arg6[%run_scoped3A_10, %dma_wait3A_386] : memref<4x64xi32, #tpu.memory_space<vmem>> -> memref<1x64xi32, #tpu.memory_space<vmem>>
      %dma_wait3A_388 = tpu.memref_squeeze %dma_wait3A_387 : memref<1x64xi32, #tpu.memory_space<vmem>> -> memref<64xi32, #tpu.memory_space<vmem>>
      %dma_wait3A_389 = arith.constant 0 : i32
      %dma_wait3A_390 = tpu.memref_slice %arg3[%add3A, %run_scoped3A_9, %dma_wait3A_389] : memref<32x160x64xi32, #tpu.memory_space<hbm>> -> memref<1x1x64xi32, #tpu.memory_space<hbm>>
      %dma_wait3A_391 = tpu.memref_squeeze %dma_wait3A_390 : memref<1x1x64xi32, #tpu.memory_space<hbm>> -> memref<64xi32, #tpu.memory_space<hbm>>
      %dma_wait3A_392 = arith.constant 0 : i32
      %dma_wait3A_393 = tpu.memref_slice %arg6[%run_scoped3A_10, %dma_wait3A_392] : memref<4x64xi32, #tpu.memory_space<vmem>> -> memref<1x64xi32, #tpu.memory_space<vmem>>
      %dma_wait3A_394 = tpu.memref_squeeze %dma_wait3A_393 : memref<1x64xi32, #tpu.memory_space<vmem>> -> memref<64xi32, #tpu.memory_space<vmem>>
      %dma_wait3A_395 = arith.constant 0 : i32
      %dma_wait3A_396 = tpu.memref_slice %arg3[%add3A, %run_scoped3A_9, %dma_wait3A_395] : memref<32x160x64xi32, #tpu.memory_space<hbm>> -> memref<1x1x64xi32, #tpu.memory_space<hbm>>
      %dma_wait3A_397 = tpu.memref_squeeze %dma_wait3A_396 : memref<1x1x64xi32, #tpu.memory_space<hbm>> -> memref<64xi32, #tpu.memory_space<hbm>>
      tpu.wait_dma2 semaphore(%run_scoped3A_373 : memref<!tpu.dma_semaphore, #tpu.memory_space<semaphore_mem>>) src(%dma_wait3A_397 : memref<64xi32, #tpu.memory_space<hbm>>) dst(%dma_wait3A_394 : memref<64xi32, #tpu.memory_space<vmem>>)
      tpu.yield
    }) : () -> ()
    %run_scoped3A_11 = arith.constant 2 : i32
    %run_scoped3A_12 = arith.constant 2 : i32
    "tpu.region"() ({
      %run_scoped3A_373 = tpu.sem_alloc : memref<!tpu.dma_semaphore, #tpu.memory_space<semaphore_mem>>
      %dma_start3A_374 = arith.constant 0 : i32
      %dma_start3A_375 = tpu.memref_slice %arg7[%run_scoped3A_12, %dma_start3A_374] : memref<4x64xi32, #tpu.memory_space<vmem>> -> memref<1x64xi32, #tpu.memory_space<vmem>>
      %dma_start3A_376 = tpu.memref_squeeze %dma_start3A_375 : memref<1x64xi32, #tpu.memory_space<vmem>> -> memref<64xi32, #tpu.memory_space<vmem>>
      %dma_start3A_377 = arith.constant 0 : i32
      %dma_start3A_378 = tpu.memref_slice %arg4[%add3A, %run_scoped3A_11, %dma_start3A_377] : memref<32x160x64xi32, #tpu.memory_space<hbm>> -> memref<1x1x64xi32, #tpu.memory_space<hbm>>
      %dma_start3A_379 = tpu.memref_squeeze %dma_start3A_378 : memref<1x1x64xi32, #tpu.memory_space<hbm>> -> memref<64xi32, #tpu.memory_space<hbm>>
      %dma_start3A_380 = arith.constant 0 : i32
      %dma_start3A_381 = tpu.memref_slice %arg7[%run_scoped3A_12, %dma_start3A_380] : memref<4x64xi32, #tpu.memory_space<vmem>> -> memref<1x64xi32, #tpu.memory_space<vmem>>
      %dma_start3A_382 = tpu.memref_squeeze %dma_start3A_381 : memref<1x64xi32, #tpu.memory_space<vmem>> -> memref<64xi32, #tpu.memory_space<vmem>>
      %dma_start3A_383 = arith.constant 0 : i32
      %dma_start3A_384 = tpu.memref_slice %arg4[%add3A, %run_scoped3A_11, %dma_start3A_383] : memref<32x160x64xi32, #tpu.memory_space<hbm>> -> memref<1x1x64xi32, #tpu.memory_space<hbm>>
      %dma_start3A_385 = tpu.memref_squeeze %dma_start3A_384 : memref<1x1x64xi32, #tpu.memory_space<hbm>> -> memref<64xi32, #tpu.memory_space<hbm>>
      tpu.enqueue_dma source(%dma_start3A_385 : memref<64xi32, #tpu.memory_space<hbm>>) target(%dma_start3A_382 : memref<64xi32, #tpu.memory_space<vmem>>) target_semaphore(%run_scoped3A_373 : memref<!tpu.dma_semaphore, #tpu.memory_space<semaphore_mem>>)
      %dma_wait3A_386 = arith.constant 0 : i32
      %dma_wait3A_387 = tpu.memref_slice %arg7[%run_scoped3A_12, %dma_wait3A_386] : memref<4x64xi32, #tpu.memory_space<vmem>> -> memref<1x64xi32, #tpu.memory_space<vmem>>
      %dma_wait3A_388 = tpu.memref_squeeze %dma_wait3A_387 : memref<1x64xi32, #tpu.memory_space<vmem>> -> memref<64xi32, #tpu.memory_space<vmem>>
      %dma_wait3A_389 = arith.constant 0 : i32
      %dma_wait3A_390 = tpu.memref_slice %arg4[%add3A, %run_scoped3A_11, %dma_wait3A_389] : memref<32x160x64xi32, #tpu.memory_space<hbm>> -> memref<1x1x64xi32, #tpu.memory_space<hbm>>
      %dma_wait3A_391 = tpu.memref_squeeze %dma_wait3A_390 : memref<1x1x64xi32, #tpu.memory_space<hbm>> -> memref<64xi32, #tpu.memory_space<hbm>>
      %dma_wait3A_392 = arith.constant 0 : i32
      %dma_wait3A_393 = tpu.memref_slice %arg7[%run_scoped3A_12, %dma_wait3A_392] : memref<4x64xi32, #tpu.memory_space<vmem>> -> memref<1x64xi32, #tpu.memory_space<vmem>>
      %dma_wait3A_394 = tpu.memref_squeeze %dma_wait3A_393 : memref<1x64xi32, #tpu.memory_space<vmem>> -> memref<64xi32, #tpu.memory_space<vmem>>
      %dma_wait3A_395 = arith.constant 0 : i32
      %dma_wait3A_396 = tpu.memref_slice %arg4[%add3A, %run_scoped3A_11, %dma_wait3A_395] : memref<32x160x64xi32, #tpu.memory_space<hbm>> -> memref<1x1x64xi32, #tpu.memory_space<hbm>>
      %dma_wait3A_397 = tpu.memref_squeeze %dma_wait3A_396 : memref<1x1x64xi32, #tpu.memory_space<hbm>> -> memref<64xi32, #tpu.memory_space<hbm>>
      tpu.wait_dma2 semaphore(%run_scoped3A_373 : memref<!tpu.dma_semaphore, #tpu.memory_space<semaphore_mem>>) src(%dma_wait3A_397 : memref<64xi32, #tpu.memory_space<hbm>>) dst(%dma_wait3A_394 : memref<64xi32, #tpu.memory_space<vmem>>)
      tpu.yield
    }) : () -> ()
    %run_scoped3A_13 = arith.constant 3 : i32
    %run_scoped3A_14 = arith.constant 3 : i32
    "tpu.region"() ({
      %run_scoped3A_373 = tpu.sem_alloc : memref<!tpu.dma_semaphore, #tpu.memory_space<semaphore_mem>>
      %dma_start3A_374 = arith.constant 0 : i32
      %dma_start3A_375 = tpu.memref_slice %arg6[%run_scoped3A_14, %dma_start3A_374] : memref<4x64xi32, #tpu.memory_space<vmem>> -> memref<1x64xi32, #tpu.memory_space<vmem>>
      %dma_start3A_376 = tpu.memref_squeeze %dma_start3A_375 : memref<1x64xi32, #tpu.memory_space<vmem>> -> memref<64xi32, #tpu.memory_space<vmem>>
      %dma_start3A_377 = arith.constant 0 : i32
      %dma_start3A_378 = tpu.memref_slice %arg3[%add3A, %run_scoped3A_13, %dma_start3A_377] : memref<32x160x64xi32, #tpu.memory_space<hbm>> -> memref<1x1x64xi32, #tpu.memory_space<hbm>>
      %dma_start3A_379 = tpu.memref_squeeze %dma_start3A_378 : memref<1x1x64xi32, #tpu.memory_space<hbm>> -> memref<64xi32, #tpu.memory_space<hbm>>
      %dma_start3A_380 = arith.constant 0 : i32
      %dma_start3A_381 = tpu.memref_slice %arg6[%run_scoped3A_14, %dma_start3A_380] : memref<4x64xi32, #tpu.memory_space<vmem>> -> memref<1x64xi32, #tpu.memory_space<vmem>>
      %dma_start3A_382 = tpu.memref_squeeze %dma_start3A_381 : memref<1x64xi32, #tpu.memory_space<vmem>> -> memref<64xi32, #tpu.memory_space<vmem>>
      %dma_start3A_383 = arith.constant 0 : i32
      %dma_start3A_384 = tpu.memref_slice %arg3[%add3A, %run_scoped3A_13, %dma_start3A_383] : memref<32x160x64xi32, #tpu.memory_space<hbm>> -> memref<1x1x64xi32, #tpu.memory_space<hbm>>
      %dma_start3A_385 = tpu.memref_squeeze %dma_start3A_384 : memref<1x1x64xi32, #tpu.memory_space<hbm>> -> memref<64xi32, #tpu.memory_space<hbm>>
      tpu.enqueue_dma source(%dma_start3A_385 : memref<64xi32, #tpu.memory_space<hbm>>) target(%dma_start3A_382 : memref<64xi32, #tpu.memory_space<vmem>>) target_semaphore(%run_scoped3A_373 : memref<!tpu.dma_semaphore, #tpu.memory_space<semaphore_mem>>)
      %dma_wait3A_386 = arith.constant 0 : i32
      %dma_wait3A_387 = tpu.memref_slice %arg6[%run_scoped3A_14, %dma_wait3A_386] : memref<4x64xi32, #tpu.memory_space<vmem>> -> memref<1x64xi32, #tpu.memory_space<vmem>>
      %dma_wait3A_388 = tpu.memref_squeeze %dma_wait3A_387 : memref<1x64xi32, #tpu.memory_space<vmem>> -> memref<64xi32, #tpu.memory_space<vmem>>
      %dma_wait3A_389 = arith.constant 0 : i32
      %dma_wait3A_390 = tpu.memref_slice %arg3[%add3A, %run_scoped3A_13, %dma_wait3A_389] : memref<32x160x64xi32, #tpu.memory_space<hbm>> -> memref<1x1x64xi32, #tpu.memory_space<hbm>>
      %dma_wait3A_391 = tpu.memref_squeeze %dma_wait3A_390 : memref<1x1x64xi32, #tpu.memory_space<hbm>> -> memref<64xi32, #tpu.memory_space<hbm>>
      %dma_wait3A_392 = arith.constant 0 : i32
      %dma_wait3A_393 = tpu.memref_slice %arg6[%run_scoped3A_14, %dma_wait3A_392] : memref<4x64xi32, #tpu.memory_space<vmem>> -> memref<1x64xi32, #tpu.memory_space<vmem>>
      %dma_wait3A_394 = tpu.memref_squeeze %dma_wait3A_393 : memref<1x64xi32, #tpu.memory_space<vmem>> -> memref<64xi32, #tpu.memory_space<vmem>>
      %dma_wait3A_395 = arith.constant 0 : i32
      %dma_wait3A_396 = tpu.memref_slice %arg3[%add3A, %run_scoped3A_13, %dma_wait3A_395] : memref<32x160x64xi32, #tpu.memory_space<hbm>> -> memref<1x1x64xi32, #tpu.memory_space<hbm>>
      %dma_wait3A_397 = tpu.memref_squeeze %dma_wait3A_396 : memref<1x1x64xi32, #tpu.memory_space<hbm>> -> memref<64xi32, #tpu.memory_space<hbm>>
      tpu.wait_dma2 semaphore(%run_scoped3A_373 : memref<!tpu.dma_semaphore, #tpu.memory_space<semaphore_mem>>) src(%dma_wait3A_397 : memref<64xi32, #tpu.memory_space<hbm>>) dst(%dma_wait3A_394 : memref<64xi32, #tpu.memory_space<vmem>>)
      tpu.yield
    }) : () -> ()
    %run_scoped3A_15 = arith.constant 3 : i32
    %run_scoped3A_16 = arith.constant 3 : i32
    "tpu.region"() ({
      %run_scoped3A_373 = tpu.sem_alloc : memref<!tpu.dma_semaphore, #tpu.memory_space<semaphore_mem>>
      %dma_start3A_374 = arith.constant 0 : i32
      %dma_start3A_375 = tpu.memref_slice %arg7[%run_scoped3A_16, %dma_start3A_374] : memref<4x64xi32, #tpu.memory_space<vmem>> -> memref<1x64xi32, #tpu.memory_space<vmem>>
      %dma_start3A_376 = tpu.memref_squeeze %dma_start3A_375 : memref<1x64xi32, #tpu.memory_space<vmem>> -> memref<64xi32, #tpu.memory_space<vmem>>
      %dma_start3A_377 = arith.constant 0 : i32
      %dma_start3A_378 = tpu.memref_slice %arg4[%add3A, %run_scoped3A_15, %dma_start3A_377] : memref<32x160x64xi32, #tpu.memory_space<hbm>> -> memref<1x1x64xi32, #tpu.memory_space<hbm>>
      %dma_start3A_379 = tpu.memref_squeeze %dma_start3A_378 : memref<1x1x64xi32, #tpu.memory_space<hbm>> -> memref<64xi32, #tpu.memory_space<hbm>>
      %dma_start3A_380 = arith.constant 0 : i32
      %dma_start3A_381 = tpu.memref_slice %arg7[%run_scoped3A_16, %dma_start3A_380] : memref<4x64xi32, #tpu.memory_space<vmem>> -> memref<1x64xi32, #tpu.memory_space<vmem>>
      %dma_start3A_382 = tpu.memref_squeeze %dma_start3A_381 : memref<1x64xi32, #tpu.memory_space<vmem>> -> memref<64xi32, #tpu.memory_space<vmem>>
      %dma_start3A_383 = arith.constant 0 : i32
      %dma_start3A_384 = tpu.memref_slice %arg4[%add3A, %run_scoped3A_15, %dma_start3A_383] : memref<32x160x64xi32, #tpu.memory_space<hbm>> -> memref<1x1x64xi32, #tpu.memory_space<hbm>>
      %dma_start3A_385 = tpu.memref_squeeze %dma_start3A_384 : memref<1x1x64xi32, #tpu.memory_space<hbm>> -> memref<64xi32, #tpu.memory_space<hbm>>
      tpu.enqueue_dma source(%dma_start3A_385 : memref<64xi32, #tpu.memory_space<hbm>>) target(%dma_start3A_382 : memref<64xi32, #tpu.memory_space<vmem>>) target_semaphore(%run_scoped3A_373 : memref<!tpu.dma_semaphore, #tpu.memory_space<semaphore_mem>>)
      %dma_wait3A_386 = arith.constant 0 : i32
      %dma_wait3A_387 = tpu.memref_slice %arg7[%run_scoped3A_16, %dma_wait3A_386] : memref<4x64xi32, #tpu.memory_space<vmem>> -> memref<1x64xi32, #tpu.memory_space<vmem>>
      %dma_wait3A_388 = tpu.memref_squeeze %dma_wait3A_387 : memref<1x64xi32, #tpu.memory_space<vmem>> -> memref<64xi32, #tpu.memory_space<vmem>>
      %dma_wait3A_389 = arith.constant 0 : i32
      %dma_wait3A_390 = tpu.memref_slice %arg4[%add3A, %run_scoped3A_15, %dma_wait3A_389] : memref<32x160x64xi32, #tpu.memory_space<hbm>> -> memref<1x1x64xi32, #tpu.memory_space<hbm>>
      %dma_wait3A_391 = tpu.memref_squeeze %dma_wait3A_390 : memref<1x1x64xi32, #tpu.memory_space<hbm>> -> memref<64xi32, #tpu.memory_space<hbm>>
      %dma_wait3A_392 = arith.constant 0 : i32
      %dma_wait3A_393 = tpu.memref_slice %arg7[%run_scoped3A_16, %dma_wait3A_392] : memref<4x64xi32, #tpu.memory_space<vmem>> -> memref<1x64xi32, #tpu.memory_space<vmem>>
      %dma_wait3A_394 = tpu.memref_squeeze %dma_wait3A_393 : memref<1x64xi32, #tpu.memory_space<vmem>> -> memref<64xi32, #tpu.memory_space<vmem>>
      %dma_wait3A_395 = arith.constant 0 : i32
      %dma_wait3A_396 = tpu.memref_slice %arg4[%add3A, %run_scoped3A_15, %dma_wait3A_395] : memref<32x160x64xi32, #tpu.memory_space<hbm>> -> memref<1x1x64xi32, #tpu.memory_space<hbm>>
      %dma_wait3A_397 = tpu.memref_squeeze %dma_wait3A_396 : memref<1x1x64xi32, #tpu.memory_space<hbm>> -> memref<64xi32, #tpu.memory_space<hbm>>
      tpu.wait_dma2 semaphore(%run_scoped3A_373 : memref<!tpu.dma_semaphore, #tpu.memory_space<semaphore_mem>>) src(%dma_wait3A_397 : memref<64xi32, #tpu.memory_space<hbm>>) dst(%dma_wait3A_394 : memref<64xi32, #tpu.memory_space<vmem>>)
      tpu.yield
    }) : () -> ()
    %dma_start3A = arith.constant 0 : i32
    %dma_start3A_17 = arith.constant 0 : i32
    %dma_start3A_18 = arith.constant 0 : i32
    %dma_start3A_19 = arith.constant 0 : i32
    %dma_start3A_20 = tpu.memref_slice %arg8[%dma_start3A_17, %dma_start3A_18, %dma_start3A_19] : memref<4x64x128xf32, #tpu.memory_space<vmem>> -> memref<1x64x128xf32, #tpu.memory_space<vmem>>
    %dma_start3A_21 = tpu.memref_squeeze %dma_start3A_20 : memref<1x64x128xf32, #tpu.memory_space<vmem>> -> memref<64x128xf32, #tpu.memory_space<vmem>>
    %dma_start3A_22 = arith.constant 0 : i32
    %dma_start3A_23 = tpu.memref_slice %arg6[%dma_start3A, %dma_start3A_22] : memref<4x64xi32, #tpu.memory_space<vmem>> -> memref<1x64xi32, #tpu.memory_space<vmem>>
    %dma_start3A_24 = tpu.memref_squeeze %dma_start3A_23 : memref<1x64xi32, #tpu.memory_space<vmem>> -> memref<64xi32, #tpu.memory_space<vmem>>
    %dma_start3A_25 = arith.constant 0 : i32
    %dma_start3A_26 = arith.constant 0 : i32
    %dma_start3A_27 = tpu.memref_slice %arg2[%dma_start3A_25, %dma_start3A_26] : memref<10240x128xf32, #tpu.memory_space<hbm>> -> memref<10240x128xf32, #tpu.memory_space<hbm>>
    tpu.enqueue_indirect_dma source(%dma_start3A_27 : memref<10240x128xf32, #tpu.memory_space<hbm>>) target(%dma_start3A_21 : memref<64x128xf32, #tpu.memory_space<vmem>>) offsets(%dma_start3A_24 : memref<64xi32, #tpu.memory_space<vmem>>) semaphore(%arg11 : memref<!tpu.dma_semaphore, #tpu.memory_space<semaphore_mem>>)
    %dma_start3A_28 = arith.constant 1 : i32
    %dma_start3A_29 = arith.constant 1 : i32
    %dma_start3A_30 = arith.constant 0 : i32
    %dma_start3A_31 = arith.constant 0 : i32
    %dma_start3A_32 = tpu.memref_slice %arg8[%dma_start3A_29, %dma_start3A_30, %dma_start3A_31] : memref<4x64x128xf32, #tpu.memory_space<vmem>> -> memref<1x64x128xf32, #tpu.memory_space<vmem>>
    %dma_start3A_33 = tpu.memref_squeeze %dma_start3A_32 : memref<1x64x128xf32, #tpu.memory_space<vmem>> -> memref<64x128xf32, #tpu.memory_space<vmem>>
    %dma_start3A_34 = arith.constant 0 : i32
    %dma_start3A_35 = tpu.memref_slice %arg6[%dma_start3A_28, %dma_start3A_34] : memref<4x64xi32, #tpu.memory_space<vmem>> -> memref<1x64xi32, #tpu.memory_space<vmem>>
    %dma_start3A_36 = tpu.memref_squeeze %dma_start3A_35 : memref<1x64xi32, #tpu.memory_space<vmem>> -> memref<64xi32, #tpu.memory_space<vmem>>
    %dma_start3A_37 = arith.constant 0 : i32
    %dma_start3A_38 = arith.constant 0 : i32
    %dma_start3A_39 = tpu.memref_slice %arg2[%dma_start3A_37, %dma_start3A_38] : memref<10240x128xf32, #tpu.memory_space<hbm>> -> memref<10240x128xf32, #tpu.memory_space<hbm>>
    tpu.enqueue_indirect_dma source(%dma_start3A_39 : memref<10240x128xf32, #tpu.memory_space<hbm>>) target(%dma_start3A_33 : memref<64x128xf32, #tpu.memory_space<vmem>>) offsets(%dma_start3A_36 : memref<64xi32, #tpu.memory_space<vmem>>) semaphore(%arg12 : memref<!tpu.dma_semaphore, #tpu.memory_space<semaphore_mem>>)
    %dma_start3A_40 = arith.constant 2 : i32
    %dma_start3A_41 = arith.constant 2 : i32
    %dma_start3A_42 = arith.constant 0 : i32
    %dma_start3A_43 = arith.constant 0 : i32
    %dma_start3A_44 = tpu.memref_slice %arg8[%dma_start3A_41, %dma_start3A_42, %dma_start3A_43] : memref<4x64x128xf32, #tpu.memory_space<vmem>> -> memref<1x64x128xf32, #tpu.memory_space<vmem>>
    %dma_start3A_45 = tpu.memref_squeeze %dma_start3A_44 : memref<1x64x128xf32, #tpu.memory_space<vmem>> -> memref<64x128xf32, #tpu.memory_space<vmem>>
    %dma_start3A_46 = arith.constant 0 : i32
    %dma_start3A_47 = tpu.memref_slice %arg6[%dma_start3A_40, %dma_start3A_46] : memref<4x64xi32, #tpu.memory_space<vmem>> -> memref<1x64xi32, #tpu.memory_space<vmem>>
    %dma_start3A_48 = tpu.memref_squeeze %dma_start3A_47 : memref<1x64xi32, #tpu.memory_space<vmem>> -> memref<64xi32, #tpu.memory_space<vmem>>
    %dma_start3A_49 = arith.constant 0 : i32
    %dma_start3A_50 = arith.constant 0 : i32
    %dma_start3A_51 = tpu.memref_slice %arg2[%dma_start3A_49, %dma_start3A_50] : memref<10240x128xf32, #tpu.memory_space<hbm>> -> memref<10240x128xf32, #tpu.memory_space<hbm>>
    tpu.enqueue_indirect_dma source(%dma_start3A_51 : memref<10240x128xf32, #tpu.memory_space<hbm>>) target(%dma_start3A_45 : memref<64x128xf32, #tpu.memory_space<vmem>>) offsets(%dma_start3A_48 : memref<64xi32, #tpu.memory_space<vmem>>) semaphore(%arg13 : memref<!tpu.dma_semaphore, #tpu.memory_space<semaphore_mem>>)
    %dma_start3A_52 = arith.constant 3 : i32
    %dma_start3A_53 = arith.constant 3 : i32
    %dma_start3A_54 = arith.constant 0 : i32
    %dma_start3A_55 = arith.constant 0 : i32
    %dma_start3A_56 = tpu.memref_slice %arg8[%dma_start3A_53, %dma_start3A_54, %dma_start3A_55] : memref<4x64x128xf32, #tpu.memory_space<vmem>> -> memref<1x64x128xf32, #tpu.memory_space<vmem>>
    %dma_start3A_57 = tpu.memref_squeeze %dma_start3A_56 : memref<1x64x128xf32, #tpu.memory_space<vmem>> -> memref<64x128xf32, #tpu.memory_space<vmem>>
    %dma_start3A_58 = arith.constant 0 : i32
    %dma_start3A_59 = tpu.memref_slice %arg6[%dma_start3A_52, %dma_start3A_58] : memref<4x64xi32, #tpu.memory_space<vmem>> -> memref<1x64xi32, #tpu.memory_space<vmem>>
    %dma_start3A_60 = tpu.memref_squeeze %dma_start3A_59 : memref<1x64xi32, #tpu.memory_space<vmem>> -> memref<64xi32, #tpu.memory_space<vmem>>
    %dma_start3A_61 = arith.constant 0 : i32
    %dma_start3A_62 = arith.constant 0 : i32
    %dma_start3A_63 = tpu.memref_slice %arg2[%dma_start3A_61, %dma_start3A_62] : memref<10240x128xf32, #tpu.memory_space<hbm>> -> memref<10240x128xf32, #tpu.memory_space<hbm>>
    tpu.enqueue_indirect_dma source(%dma_start3A_63 : memref<10240x128xf32, #tpu.memory_space<hbm>>) target(%dma_start3A_57 : memref<64x128xf32, #tpu.memory_space<vmem>>) offsets(%dma_start3A_60 : memref<64xi32, #tpu.memory_space<vmem>>) semaphore(%arg14 : memref<!tpu.dma_semaphore, #tpu.memory_space<semaphore_mem>>)
    %scan3A = arith.constant 0 : i32
    %scan3A_64 = arith.constant 32 : i32
    %scan3A_65 = arith.addi %scan3A, %scan3A_64 : i32
    %scan3A_66 = arith.constant 1 : i32
    scf.for %scan3A_373 = %scan3A to %scan3A_65 step %scan3A_66  : i32 {
      %mul3A_374 = arith.constant 1 : i32
      %mul3A_375 = arith.muli %scan3A_373, %mul3A_374 : i32
      %add3A_376 = arith.constant 0 : i32
      %add3A_377 = arith.addi %add3A_376, %mul3A_375 : i32
      %swap3A = arith.index_cast %add3A_377 : i32 to index
      %swap3A_378 = arith.constant 0 : index
      %swap3A_379 = tpu.vector_load %arg9[%swap3A, %swap3A_378] {strides = array<i32>} : memref<32x128xf32, #tpu.memory_space<vmem>>, vector<16xf32>,
      tpu.vector_store %arg9[%swap3A, %swap3A_378], %broadcast_in_dim3A_1 {strides = array<i32>} : memref<32x128xf32, #tpu.memory_space<vmem>>, vector<16xf32>,
      %swap3A_380 = arith.index_cast %add3A_377 : i32 to index
      %swap3A_381 = arith.constant 16 : index
      %swap3A_382 = tpu.vector_load %arg9[%swap3A_380, %swap3A_381] {strides = array<i32>} : memref<32x128xf32, #tpu.memory_space<vmem>>, vector<16xf32>,
      tpu.vector_store %arg9[%swap3A_380, %swap3A_381], %broadcast_in_dim3A_1 {strides = array<i32>} : memref<32x128xf32, #tpu.memory_space<vmem>>, vector<16xf32>,
      %swap3A_383 = arith.index_cast %add3A_377 : i32 to index
      %swap3A_384 = arith.constant 32 : index
      %swap3A_385 = tpu.vector_load %arg9[%swap3A_383, %swap3A_384] {strides = array<i32>} : memref<32x128xf32, #tpu.memory_space<vmem>>, vector<16xf32>,
      tpu.vector_store %arg9[%swap3A_383, %swap3A_384], %broadcast_in_dim3A_1 {strides = array<i32>} : memref<32x128xf32, #tpu.memory_space<vmem>>, vector<16xf32>,
      %swap3A_386 = arith.index_cast %add3A_377 : i32 to index
      %swap3A_387 = arith.constant 48 : index
      %swap3A_388 = tpu.vector_load %arg9[%swap3A_386, %swap3A_387] {strides = array<i32>} : memref<32x128xf32, #tpu.memory_space<vmem>>, vector<16xf32>,
      tpu.vector_store %arg9[%swap3A_386, %swap3A_387], %broadcast_in_dim3A_1 {strides = array<i32>} : memref<32x128xf32, #tpu.memory_space<vmem>>, vector<16xf32>,
      %swap3A_389 = arith.index_cast %add3A_377 : i32 to index
      %swap3A_390 = arith.constant 64 : index
      %swap3A_391 = tpu.vector_load %arg9[%swap3A_389, %swap3A_390] {strides = array<i32>} : memref<32x128xf32, #tpu.memory_space<vmem>>, vector<16xf32>,
      tpu.vector_store %arg9[%swap3A_389, %swap3A_390], %broadcast_in_dim3A_1 {strides = array<i32>} : memref<32x128xf32, #tpu.memory_space<vmem>>, vector<16xf32>,
      %swap3A_392 = arith.index_cast %add3A_377 : i32 to index
      %swap3A_393 = arith.constant 80 : index
      %swap3A_394 = tpu.vector_load %arg9[%swap3A_392, %swap3A_393] {strides = array<i32>} : memref<32x128xf32, #tpu.memory_space<vmem>>, vector<16xf32>,
      tpu.vector_store %arg9[%swap3A_392, %swap3A_393], %broadcast_in_dim3A_1 {strides = array<i32>} : memref<32x128xf32, #tpu.memory_space<vmem>>, vector<16xf32>,
      %swap3A_395 = arith.index_cast %add3A_377 : i32 to index
      %swap3A_396 = arith.constant 96 : index
      %swap3A_397 = tpu.vector_load %arg9[%swap3A_395, %swap3A_396] {strides = array<i32>} : memref<32x128xf32, #tpu.memory_space<vmem>>, vector<16xf32>,
      tpu.vector_store %arg9[%swap3A_395, %swap3A_396], %broadcast_in_dim3A_1 {strides = array<i32>} : memref<32x128xf32, #tpu.memory_space<vmem>>, vector<16xf32>,
      %swap3A_398 = arith.index_cast %add3A_377 : i32 to index
      %swap3A_399 = arith.constant 112 : index
      %swap3A_400 = tpu.vector_load %arg9[%swap3A_398, %swap3A_399] {strides = array<i32>} : memref<32x128xf32, #tpu.memory_space<vmem>>, vector<16xf32>,
      tpu.vector_store %arg9[%swap3A_398, %swap3A_399], %broadcast_in_dim3A_1 {strides = array<i32>} : memref<32x128xf32, #tpu.memory_space<vmem>>, vector<16xf32>,
    }
    %scan3A_67 = arith.constant 32 : i32
    %mul3A_68 = arith.constant 640 : i32
    %mul3A_69 = arith.muli %arg1, %mul3A_68 : i32
    %add3A_70 = arith.constant 0 : i32
    %add3A_71 = arith.addi %mul3A_69, %add3A_70 : i32
    %dma_start3A_72 = arith.constant 0 : i32
    %dma_start3A_73 = tpu.memref_slice %arg10[%add3A_71, %dma_start3A_72] : memref<10240x128xf32, #tpu.memory_space<vmem_shared>> -> memref<32x128xf32, #tpu.memory_space<vmem_shared>>
    %dma_start3A_74 = arith.constant 0 : i32
    %dma_start3A_75 = tpu.memref_slice %arg10[%add3A_71, %dma_start3A_74] : memref<10240x128xf32, #tpu.memory_space<vmem_shared>> -> memref<32x128xf32, #tpu.memory_space<vmem_shared>>
    tpu.enqueue_dma source(%arg9 : memref<32x128xf32, #tpu.memory_space<vmem>>) target(%dma_start3A_75 : memref<32x128xf32, #tpu.memory_space<vmem_shared>>) target_semaphore(%arg27 : memref<!tpu.dma_semaphore, #tpu.memory_space<semaphore_mem>>)
    %mul3A_76 = arith.constant 640 : i32
    %mul3A_77 = arith.muli %arg1, %mul3A_76 : i32
    %add3A_78 = arith.constant 32 : i32
    %add3A_79 = arith.addi %mul3A_77, %add3A_78 : i32
    %dma_start3A_80 = arith.constant 0 : i32
    %dma_start3A_81 = tpu.memref_slice %arg10[%add3A_79, %dma_start3A_80] : memref<10240x128xf32, #tpu.memory_space<vmem_shared>> -> memref<32x128xf32, #tpu.memory_space<vmem_shared>>
    %dma_start3A_82 = arith.constant 0 : i32
    %dma_start3A_83 = tpu.memref_slice %arg10[%add3A_79, %dma_start3A_82] : memref<10240x128xf32, #tpu.memory_space<vmem_shared>> -> memref<32x128xf32, #tpu.memory_space<vmem_shared>>
    tpu.enqueue_dma source(%arg9 : memref<32x128xf32, #tpu.memory_space<vmem>>) target(%dma_start3A_83 : memref<32x128xf32, #tpu.memory_space<vmem_shared>>) target_semaphore(%arg27 : memref<!tpu.dma_semaphore, #tpu.memory_space<semaphore_mem>>)
    %mul3A_84 = arith.constant 640 : i32
    %mul3A_85 = arith.muli %arg1, %mul3A_84 : i32
    %add3A_86 = arith.constant 64 : i32
    %add3A_87 = arith.addi %mul3A_85, %add3A_86 : i32
    %dma_start3A_88 = arith.constant 0 : i32
    %dma_start3A_89 = tpu.memref_slice %arg10[%add3A_87, %dma_start3A_88] : memref<10240x128xf32, #tpu.memory_space<vmem_shared>> -> memref<32x128xf32, #tpu.memory_space<vmem_shared>>
    %dma_start3A_90 = arith.constant 0 : i32
    %dma_start3A_91 = tpu.memref_slice %arg10[%add3A_87, %dma_start3A_90] : memref<10240x128xf32, #tpu.memory_space<vmem_shared>> -> memref<32x128xf32, #tpu.memory_space<vmem_shared>>
    tpu.enqueue_dma source(%arg9 : memref<32x128xf32, #tpu.memory_space<vmem>>) target(%dma_start3A_91 : memref<32x128xf32, #tpu.memory_space<vmem_shared>>) target_semaphore(%arg27 : memref<!tpu.dma_semaphore, #tpu.memory_space<semaphore_mem>>)
    %mul3A_92 = arith.constant 640 : i32
    %mul3A_93 = arith.muli %arg1, %mul3A_92 : i32
    %add3A_94 = arith.constant 96 : i32
    %add3A_95 = arith.addi %mul3A_93, %add3A_94 : i32
    %dma_start3A_96 = arith.constant 0 : i32
    %dma_start3A_97 = tpu.memref_slice %arg10[%add3A_95, %dma_start3A_96] : memref<10240x128xf32, #tpu.memory_space<vmem_shared>> -> memref<32x128xf32, #tpu.memory_space<vmem_shared>>
    %dma_start3A_98 = arith.constant 0 : i32
    %dma_start3A_99 = tpu.memref_slice %arg10[%add3A_95, %dma_start3A_98] : memref<10240x128xf32, #tpu.memory_space<vmem_shared>> -> memref<32x128xf32, #tpu.memory_space<vmem_shared>>
    tpu.enqueue_dma source(%arg9 : memref<32x128xf32, #tpu.memory_space<vmem>>) target(%dma_start3A_99 : memref<32x128xf32, #tpu.memory_space<vmem_shared>>) target_semaphore(%arg27 : memref<!tpu.dma_semaphore, #tpu.memory_space<semaphore_mem>>)
    %mul3A_100 = arith.constant 640 : i32
    %mul3A_101 = arith.muli %arg1, %mul3A_100 : i32
    %add3A_102 = arith.constant 128 : i32
    %add3A_103 = arith.addi %mul3A_101, %add3A_102 : i32
    %dma_start3A_104 = arith.constant 0 : i32
    %dma_start3A_105 = tpu.memref_slice %arg10[%add3A_103, %dma_start3A_104] : memref<10240x128xf32, #tpu.memory_space<vmem_shared>> -> memref<32x128xf32, #tpu.memory_space<vmem_shared>>
    %dma_start3A_106 = arith.constant 0 : i32
    %dma_start3A_107 = tpu.memref_slice %arg10[%add3A_103, %dma_start3A_106] : memref<10240x128xf32, #tpu.memory_space<vmem_shared>> -> memref<32x128xf32, #tpu.memory_space<vmem_shared>>
    tpu.enqueue_dma source(%arg9 : memref<32x128xf32, #tpu.memory_space<vmem>>) target(%dma_start3A_107 : memref<32x128xf32, #tpu.memory_space<vmem_shared>>) target_semaphore(%arg27 : memref<!tpu.dma_semaphore, #tpu.memory_space<semaphore_mem>>)
    %mul3A_108 = arith.constant 640 : i32
    %mul3A_109 = arith.muli %arg1, %mul3A_108 : i32
    %add3A_110 = arith.constant 160 : i32
    %add3A_111 = arith.addi %mul3A_109, %add3A_110 : i32
    %dma_start3A_112 = arith.constant 0 : i32
    %dma_start3A_113 = tpu.memref_slice %arg10[%add3A_111, %dma_start3A_112] : memref<10240x128xf32, #tpu.memory_space<vmem_shared>> -> memref<32x128xf32, #tpu.memory_space<vmem_shared>>
    %dma_start3A_114 = arith.constant 0 : i32
    %dma_start3A_115 = tpu.memref_slice %arg10[%add3A_111, %dma_start3A_114] : memref<10240x128xf32, #tpu.memory_space<vmem_shared>> -> memref<32x128xf32, #tpu.memory_space<vmem_shared>>
    tpu.enqueue_dma source(%arg9 : memref<32x128xf32, #tpu.memory_space<vmem>>) target(%dma_start3A_115 : memref<32x128xf32, #tpu.memory_space<vmem_shared>>) target_semaphore(%arg27 : memref<!tpu.dma_semaphore, #tpu.memory_space<semaphore_mem>>)
    %mul3A_116 = arith.constant 640 : i32
    %mul3A_117 = arith.muli %arg1, %mul3A_116 : i32
    %add3A_118 = arith.constant 192 : i32
    %add3A_119 = arith.addi %mul3A_117, %add3A_118 : i32
    %dma_start3A_120 = arith.constant 0 : i32
    %dma_start3A_121 = tpu.memref_slice %arg10[%add3A_119, %dma_start3A_120] : memref<10240x128xf32, #tpu.memory_space<vmem_shared>> -> memref<32x128xf32, #tpu.memory_space<vmem_shared>>
    %dma_start3A_122 = arith.constant 0 : i32
    %dma_start3A_123 = tpu.memref_slice %arg10[%add3A_119, %dma_start3A_122] : memref<10240x128xf32, #tpu.memory_space<vmem_shared>> -> memref<32x128xf32, #tpu.memory_space<vmem_shared>>
    tpu.enqueue_dma source(%arg9 : memref<32x128xf32, #tpu.memory_space<vmem>>) target(%dma_start3A_123 : memref<32x128xf32, #tpu.memory_space<vmem_shared>>) target_semaphore(%arg27 : memref<!tpu.dma_semaphore, #tpu.memory_space<semaphore_mem>>)
    %mul3A_124 = arith.constant 640 : i32
    %mul3A_125 = arith.muli %arg1, %mul3A_124 : i32
    %add3A_126 = arith.constant 224 : i32
    %add3A_127 = arith.addi %mul3A_125, %add3A_126 : i32
    %dma_start3A_128 = arith.constant 0 : i32
    %dma_start3A_129 = tpu.memref_slice %arg10[%add3A_127, %dma_start3A_128] : memref<10240x128xf32, #tpu.memory_space<vmem_shared>> -> memref<32x128xf32, #tpu.memory_space<vmem_shared>>
    %dma_start3A_130 = arith.constant 0 : i32
    %dma_start3A_131 = tpu.memref_slice %arg10[%add3A_127, %dma_start3A_130] : memref<10240x128xf32, #tpu.memory_space<vmem_shared>> -> memref<32x128xf32, #tpu.memory_space<vmem_shared>>
    tpu.enqueue_dma source(%arg9 : memref<32x128xf32, #tpu.memory_space<vmem>>) target(%dma_start3A_131 : memref<32x128xf32, #tpu.memory_space<vmem_shared>>) target_semaphore(%arg27 : memref<!tpu.dma_semaphore, #tpu.memory_space<semaphore_mem>>)
    %mul3A_132 = arith.constant 640 : i32
    %mul3A_133 = arith.muli %arg1, %mul3A_132 : i32
    %add3A_134 = arith.constant 256 : i32
    %add3A_135 = arith.addi %mul3A_133, %add3A_134 : i32
    %dma_start3A_136 = arith.constant 0 : i32
    %dma_start3A_137 = tpu.memref_slice %arg10[%add3A_135, %dma_start3A_136] : memref<10240x128xf32, #tpu.memory_space<vmem_shared>> -> memref<32x128xf32, #tpu.memory_space<vmem_shared>>
    %dma_start3A_138 = arith.constant 0 : i32
    %dma_start3A_139 = tpu.memref_slice %arg10[%add3A_135, %dma_start3A_138] : memref<10240x128xf32, #tpu.memory_space<vmem_shared>> -> memref<32x128xf32, #tpu.memory_space<vmem_shared>>
    tpu.enqueue_dma source(%arg9 : memref<32x128xf32, #tpu.memory_space<vmem>>) target(%dma_start3A_139 : memref<32x128xf32, #tpu.memory_space<vmem_shared>>) target_semaphore(%arg27 : memref<!tpu.dma_semaphore, #tpu.memory_space<semaphore_mem>>)
    %mul3A_140 = arith.constant 640 : i32
    %mul3A_141 = arith.muli %arg1, %mul3A_140 : i32
    %add3A_142 = arith.constant 288 : i32
    %add3A_143 = arith.addi %mul3A_141, %add3A_142 : i32
    %dma_start3A_144 = arith.constant 0 : i32
    %dma_start3A_145 = tpu.memref_slice %arg10[%add3A_143, %dma_start3A_144] : memref<10240x128xf32, #tpu.memory_space<vmem_shared>> -> memref<32x128xf32, #tpu.memory_space<vmem_shared>>
    %dma_start3A_146 = arith.constant 0 : i32
    %dma_start3A_147 = tpu.memref_slice %arg10[%add3A_143, %dma_start3A_146] : memref<10240x128xf32, #tpu.memory_space<vmem_shared>> -> memref<32x128xf32, #tpu.memory_space<vmem_shared>>
    tpu.enqueue_dma source(%arg9 : memref<32x128xf32, #tpu.memory_space<vmem>>) target(%dma_start3A_147 : memref<32x128xf32, #tpu.memory_space<vmem_shared>>) target_semaphore(%arg27 : memref<!tpu.dma_semaphore, #tpu.memory_space<semaphore_mem>>)
    %mul3A_148 = arith.constant 640 : i32
    %mul3A_149 = arith.muli %arg1, %mul3A_148 : i32
    %add3A_150 = arith.constant 320 : i32
    %add3A_151 = arith.addi %mul3A_149, %add3A_150 : i32
    %dma_start3A_152 = arith.constant 0 : i32
    %dma_start3A_153 = tpu.memref_slice %arg10[%add3A_151, %dma_start3A_152] : memref<10240x128xf32, #tpu.memory_space<vmem_shared>> -> memref<32x128xf32, #tpu.memory_space<vmem_shared>>
    %dma_start3A_154 = arith.constant 0 : i32
    %dma_start3A_155 = tpu.memref_slice %arg10[%add3A_151, %dma_start3A_154] : memref<10240x128xf32, #tpu.memory_space<vmem_shared>> -> memref<32x128xf32, #tpu.memory_space<vmem_shared>>
    tpu.enqueue_dma source(%arg9 : memref<32x128xf32, #tpu.memory_space<vmem>>) target(%dma_start3A_155 : memref<32x128xf32, #tpu.memory_space<vmem_shared>>) target_semaphore(%arg27 : memref<!tpu.dma_semaphore, #tpu.memory_space<semaphore_mem>>)
    %mul3A_156 = arith.constant 640 : i32
    %mul3A_157 = arith.muli %arg1, %mul3A_156 : i32
    %add3A_158 = arith.constant 352 : i32
    %add3A_159 = arith.addi %mul3A_157, %add3A_158 : i32
    %dma_start3A_160 = arith.constant 0 : i32
    %dma_start3A_161 = tpu.memref_slice %arg10[%add3A_159, %dma_start3A_160] : memref<10240x128xf32, #tpu.memory_space<vmem_shared>> -> memref<32x128xf32, #tpu.memory_space<vmem_shared>>
    %dma_start3A_162 = arith.constant 0 : i32
    %dma_start3A_163 = tpu.memref_slice %arg10[%add3A_159, %dma_start3A_162] : memref<10240x128xf32, #tpu.memory_space<vmem_shared>> -> memref<32x128xf32, #tpu.memory_space<vmem_shared>>
    tpu.enqueue_dma source(%arg9 : memref<32x128xf32, #tpu.memory_space<vmem>>) target(%dma_start3A_163 : memref<32x128xf32, #tpu.memory_space<vmem_shared>>) target_semaphore(%arg27 : memref<!tpu.dma_semaphore, #tpu.memory_space<semaphore_mem>>)
    %mul3A_164 = arith.constant 640 : i32
    %mul3A_165 = arith.muli %arg1, %mul3A_164 : i32
    %add3A_166 = arith.constant 384 : i32
    %add3A_167 = arith.addi %mul3A_165, %add3A_166 : i32
    %dma_start3A_168 = arith.constant 0 : i32
    %dma_start3A_169 = tpu.memref_slice %arg10[%add3A_167, %dma_start3A_168] : memref<10240x128xf32, #tpu.memory_space<vmem_shared>> -> memref<32x128xf32, #tpu.memory_space<vmem_shared>>
    %dma_start3A_170 = arith.constant 0 : i32
    %dma_start3A_171 = tpu.memref_slice %arg10[%add3A_167, %dma_start3A_170] : memref<10240x128xf32, #tpu.memory_space<vmem_shared>> -> memref<32x128xf32, #tpu.memory_space<vmem_shared>>
    tpu.enqueue_dma source(%arg9 : memref<32x128xf32, #tpu.memory_space<vmem>>) target(%dma_start3A_171 : memref<32x128xf32, #tpu.memory_space<vmem_shared>>) target_semaphore(%arg27 : memref<!tpu.dma_semaphore, #tpu.memory_space<semaphore_mem>>)
    %mul3A_172 = arith.constant 640 : i32
    %mul3A_173 = arith.muli %arg1, %mul3A_172 : i32
    %add3A_174 = arith.constant 416 : i32
    %add3A_175 = arith.addi %mul3A_173, %add3A_174 : i32
    %dma_start3A_176 = arith.constant 0 : i32
    %dma_start3A_177 = tpu.memref_slice %arg10[%add3A_175, %dma_start3A_176] : memref<10240x128xf32, #tpu.memory_space<vmem_shared>> -> memref<32x128xf32, #tpu.memory_space<vmem_shared>>
    %dma_start3A_178 = arith.constant 0 : i32
    %dma_start3A_179 = tpu.memref_slice %arg10[%add3A_175, %dma_start3A_178] : memref<10240x128xf32, #tpu.memory_space<vmem_shared>> -> memref<32x128xf32, #tpu.memory_space<vmem_shared>>
    tpu.enqueue_dma source(%arg9 : memref<32x128xf32, #tpu.memory_space<vmem>>) target(%dma_start3A_179 : memref<32x128xf32, #tpu.memory_space<vmem_shared>>) target_semaphore(%arg27 : memref<!tpu.dma_semaphore, #tpu.memory_space<semaphore_mem>>)
    %mul3A_180 = arith.constant 640 : i32
    %mul3A_181 = arith.muli %arg1, %mul3A_180 : i32
    %add3A_182 = arith.constant 448 : i32
    %add3A_183 = arith.addi %mul3A_181, %add3A_182 : i32
    %dma_start3A_184 = arith.constant 0 : i32
    %dma_start3A_185 = tpu.memref_slice %arg10[%add3A_183, %dma_start3A_184] : memref<10240x128xf32, #tpu.memory_space<vmem_shared>> -> memref<32x128xf32, #tpu.memory_space<vmem_shared>>
    %dma_start3A_186 = arith.constant 0 : i32
    %dma_start3A_187 = tpu.memref_slice %arg10[%add3A_183, %dma_start3A_186] : memref<10240x128xf32, #tpu.memory_space<vmem_shared>> -> memref<32x128xf32, #tpu.memory_space<vmem_shared>>
    tpu.enqueue_dma source(%arg9 : memref<32x128xf32, #tpu.memory_space<vmem>>) target(%dma_start3A_187 : memref<32x128xf32, #tpu.memory_space<vmem_shared>>) target_semaphore(%arg27 : memref<!tpu.dma_semaphore, #tpu.memory_space<semaphore_mem>>)
    %mul3A_188 = arith.constant 640 : i32
    %mul3A_189 = arith.muli %arg1, %mul3A_188 : i32
    %add3A_190 = arith.constant 480 : i32
    %add3A_191 = arith.addi %mul3A_189, %add3A_190 : i32
    %dma_start3A_192 = arith.constant 0 : i32
    %dma_start3A_193 = tpu.memref_slice %arg10[%add3A_191, %dma_start3A_192] : memref<10240x128xf32, #tpu.memory_space<vmem_shared>> -> memref<32x128xf32, #tpu.memory_space<vmem_shared>>
    %dma_start3A_194 = arith.constant 0 : i32
    %dma_start3A_195 = tpu.memref_slice %arg10[%add3A_191, %dma_start3A_194] : memref<10240x128xf32, #tpu.memory_space<vmem_shared>> -> memref<32x128xf32, #tpu.memory_space<vmem_shared>>
    tpu.enqueue_dma source(%arg9 : memref<32x128xf32, #tpu.memory_space<vmem>>) target(%dma_start3A_195 : memref<32x128xf32, #tpu.memory_space<vmem_shared>>) target_semaphore(%arg27 : memref<!tpu.dma_semaphore, #tpu.memory_space<semaphore_mem>>)
    %mul3A_196 = arith.constant 640 : i32
    %mul3A_197 = arith.muli %arg1, %mul3A_196 : i32
    %add3A_198 = arith.constant 512 : i32
    %add3A_199 = arith.addi %mul3A_197, %add3A_198 : i32
    %dma_start3A_200 = arith.constant 0 : i32
    %dma_start3A_201 = tpu.memref_slice %arg10[%add3A_199, %dma_start3A_200] : memref<10240x128xf32, #tpu.memory_space<vmem_shared>> -> memref<32x128xf32, #tpu.memory_space<vmem_shared>>
    %dma_start3A_202 = arith.constant 0 : i32
    %dma_start3A_203 = tpu.memref_slice %arg10[%add3A_199, %dma_start3A_202] : memref<10240x128xf32, #tpu.memory_space<vmem_shared>> -> memref<32x128xf32, #tpu.memory_space<vmem_shared>>
    tpu.enqueue_dma source(%arg9 : memref<32x128xf32, #tpu.memory_space<vmem>>) target(%dma_start3A_203 : memref<32x128xf32, #tpu.memory_space<vmem_shared>>) target_semaphore(%arg27 : memref<!tpu.dma_semaphore, #tpu.memory_space<semaphore_mem>>)
    %mul3A_204 = arith.constant 640 : i32
    %mul3A_205 = arith.muli %arg1, %mul3A_204 : i32
    %add3A_206 = arith.constant 544 : i32
    %add3A_207 = arith.addi %mul3A_205, %add3A_206 : i32
    %dma_start3A_208 = arith.constant 0 : i32
    %dma_start3A_209 = tpu.memref_slice %arg10[%add3A_207, %dma_start3A_208] : memref<10240x128xf32, #tpu.memory_space<vmem_shared>> -> memref<32x128xf32, #tpu.memory_space<vmem_shared>>
    %dma_start3A_210 = arith.constant 0 : i32
    %dma_start3A_211 = tpu.memref_slice %arg10[%add3A_207, %dma_start3A_210] : memref<10240x128xf32, #tpu.memory_space<vmem_shared>> -> memref<32x128xf32, #tpu.memory_space<vmem_shared>>
    tpu.enqueue_dma source(%arg9 : memref<32x128xf32, #tpu.memory_space<vmem>>) target(%dma_start3A_211 : memref<32x128xf32, #tpu.memory_space<vmem_shared>>) target_semaphore(%arg27 : memref<!tpu.dma_semaphore, #tpu.memory_space<semaphore_mem>>)
    %mul3A_212 = arith.constant 640 : i32
    %mul3A_213 = arith.muli %arg1, %mul3A_212 : i32
    %add3A_214 = arith.constant 576 : i32
    %add3A_215 = arith.addi %mul3A_213, %add3A_214 : i32
    %dma_start3A_216 = arith.constant 0 : i32
    %dma_start3A_217 = tpu.memref_slice %arg10[%add3A_215, %dma_start3A_216] : memref<10240x128xf32, #tpu.memory_space<vmem_shared>> -> memref<32x128xf32, #tpu.memory_space<vmem_shared>>
    %dma_start3A_218 = arith.constant 0 : i32
    %dma_start3A_219 = tpu.memref_slice %arg10[%add3A_215, %dma_start3A_218] : memref<10240x128xf32, #tpu.memory_space<vmem_shared>> -> memref<32x128xf32, #tpu.memory_space<vmem_shared>>
    tpu.enqueue_dma source(%arg9 : memref<32x128xf32, #tpu.memory_space<vmem>>) target(%dma_start3A_219 : memref<32x128xf32, #tpu.memory_space<vmem_shared>>) target_semaphore(%arg27 : memref<!tpu.dma_semaphore, #tpu.memory_space<semaphore_mem>>)
    %mul3A_220 = arith.constant 640 : i32
    %mul3A_221 = arith.muli %arg1, %mul3A_220 : i32
    %add3A_222 = arith.constant 608 : i32
    %add3A_223 = arith.addi %mul3A_221, %add3A_222 : i32
    %dma_start3A_224 = arith.constant 0 : i32
    %dma_start3A_225 = tpu.memref_slice %arg10[%add3A_223, %dma_start3A_224] : memref<10240x128xf32, #tpu.memory_space<vmem_shared>> -> memref<32x128xf32, #tpu.memory_space<vmem_shared>>
    %dma_start3A_226 = arith.constant 0 : i32
    %dma_start3A_227 = tpu.memref_slice %arg10[%add3A_223, %dma_start3A_226] : memref<10240x128xf32, #tpu.memory_space<vmem_shared>> -> memref<32x128xf32, #tpu.memory_space<vmem_shared>>
    tpu.enqueue_dma source(%arg9 : memref<32x128xf32, #tpu.memory_space<vmem>>) target(%dma_start3A_227 : memref<32x128xf32, #tpu.memory_space<vmem_shared>>) target_semaphore(%arg27 : memref<!tpu.dma_semaphore, #tpu.memory_space<semaphore_mem>>)
    %mul3A_228 = arith.constant 640 : i32
    %mul3A_229 = arith.muli %arg1, %mul3A_228 : i32
    %dma_wait3A = arith.constant 0 : i32
    %dma_wait3A_230 = tpu.memref_slice %arg10[%mul3A_229, %dma_wait3A] : memref<10240x128xf32, #tpu.memory_space<vmem_shared>> -> memref<32x128xf32, #tpu.memory_space<vmem_shared>>
    %dma_wait3A_231 = arith.constant 0 : i32
    %dma_wait3A_232 = tpu.memref_slice %arg10[%mul3A_229, %dma_wait3A_231] : memref<10240x128xf32, #tpu.memory_space<vmem_shared>> -> memref<32x128xf32, #tpu.memory_space<vmem_shared>>
    tpu.wait_dma2 semaphore(%arg27 : memref<!tpu.dma_semaphore, #tpu.memory_space<semaphore_mem>>) src(%arg9 : memref<32x128xf32, #tpu.memory_space<vmem>>) dst(%dma_wait3A_232 : memref<32x128xf32, #tpu.memory_space<vmem_shared>>)
    %mul3A_233 = arith.constant 640 : i32
    %mul3A_234 = arith.muli %arg1, %mul3A_233 : i32
    %dma_wait3A_235 = arith.constant 0 : i32
    %dma_wait3A_236 = tpu.memref_slice %arg10[%mul3A_234, %dma_wait3A_235] : memref<10240x128xf32, #tpu.memory_space<vmem_shared>> -> memref<32x128xf32, #tpu.memory_space<vmem_shared>>
    %dma_wait3A_237 = arith.constant 0 : i32
    %dma_wait3A_238 = tpu.memref_slice %arg10[%mul3A_234, %dma_wait3A_237] : memref<10240x128xf32, #tpu.memory_space<vmem_shared>> -> memref<32x128xf32, #tpu.memory_space<vmem_shared>>
    tpu.wait_dma2 semaphore(%arg27 : memref<!tpu.dma_semaphore, #tpu.memory_space<semaphore_mem>>) src(%arg9 : memref<32x128xf32, #tpu.memory_space<vmem>>) dst(%dma_wait3A_238 : memref<32x128xf32, #tpu.memory_space<vmem_shared>>)
    %mul3A_239 = arith.constant 640 : i32
    %mul3A_240 = arith.muli %arg1, %mul3A_239 : i32
    %dma_wait3A_241 = arith.constant 0 : i32
    %dma_wait3A_242 = tpu.memref_slice %arg10[%mul3A_240, %dma_wait3A_241] : memref<10240x128xf32, #tpu.memory_space<vmem_shared>> -> memref<32x128xf32, #tpu.memory_space<vmem_shared>>
    %dma_wait3A_243 = arith.constant 0 : i32
    %dma_wait3A_244 = tpu.memref_slice %arg10[%mul3A_240, %dma_wait3A_243] : memref<10240x128xf32, #tpu.memory_space<vmem_shared>> -> memref<32x128xf32, #tpu.memory_space<vmem_shared>>
    tpu.wait_dma2 semaphore(%arg27 : memref<!tpu.dma_semaphore, #tpu.memory_space<semaphore_mem>>) src(%arg9 : memref<32x128xf32, #tpu.memory_space<vmem>>) dst(%dma_wait3A_244 : memref<32x128xf32, #tpu.memory_space<vmem_shared>>)
    %mul3A_245 = arith.constant 640 : i32
    %mul3A_246 = arith.muli %arg1, %mul3A_245 : i32
    %dma_wait3A_247 = arith.constant 0 : i32
    %dma_wait3A_248 = tpu.memref_slice %arg10[%mul3A_246, %dma_wait3A_247] : memref<10240x128xf32, #tpu.memory_space<vmem_shared>> -> memref<32x128xf32, #tpu.memory_space<vmem_shared>>
    %dma_wait3A_249 = arith.constant 0 : i32
    %dma_wait3A_250 = tpu.memref_slice %arg10[%mul3A_246, %dma_wait3A_249] : memref<10240x128xf32, #tpu.memory_space<vmem_shared>> -> memref<32x128xf32, #tpu.memory_space<vmem_shared>>
    tpu.wait_dma2 semaphore(%arg27 : memref<!tpu.dma_semaphore, #tpu.memory_space<semaphore_mem>>) src(%arg9 : memref<32x128xf32, #tpu.memory_space<vmem>>) dst(%dma_wait3A_250 : memref<32x128xf32, #tpu.memory_space<vmem_shared>>)
    %mul3A_251 = arith.constant 640 : i32
    %mul3A_252 = arith.muli %arg1, %mul3A_251 : i32
    %dma_wait3A_253 = arith.constant 0 : i32
    %dma_wait3A_254 = tpu.memref_slice %arg10[%mul3A_252, %dma_wait3A_253] : memref<10240x128xf32, #tpu.memory_space<vmem_shared>> -> memref<32x128xf32, #tpu.memory_space<vmem_shared>>
    %dma_wait3A_255 = arith.constant 0 : i32
    %dma_wait3A_256 = tpu.memref_slice %arg10[%mul3A_252, %dma_wait3A_255] : memref<10240x128xf32, #tpu.memory_space<vmem_shared>> -> memref<32x128xf32, #tpu.memory_space<vmem_shared>>
    tpu.wait_dma2 semaphore(%arg27 : memref<!tpu.dma_semaphore, #tpu.memory_space<semaphore_mem>>) src(%arg9 : memref<32x128xf32, #tpu.memory_space<vmem>>) dst(%dma_wait3A_256 : memref<32x128xf32, #tpu.memory_space<vmem_shared>>)
    %mul3A_257 = arith.constant 640 : i32
    %mul3A_258 = arith.muli %arg1, %mul3A_257 : i32
    %dma_wait3A_259 = arith.constant 0 : i32
    %dma_wait3A_260 = tpu.memref_slice %arg10[%mul3A_258, %dma_wait3A_259] : memref<10240x128xf32, #tpu.memory_space<vmem_shared>> -> memref<32x128xf32, #tpu.memory_space<vmem_shared>>
    %dma_wait3A_261 = arith.constant 0 : i32
    %dma_wait3A_262 = tpu.memref_slice %arg10[%mul3A_258, %dma_wait3A_261] : memref<10240x128xf32, #tpu.memory_space<vmem_shared>> -> memref<32x128xf32, #tpu.memory_space<vmem_shared>>
    tpu.wait_dma2 semaphore(%arg27 : memref<!tpu.dma_semaphore, #tpu.memory_space<semaphore_mem>>) src(%arg9 : memref<32x128xf32, #tpu.memory_space<vmem>>) dst(%dma_wait3A_262 : memref<32x128xf32, #tpu.memory_space<vmem_shared>>)
    %mul3A_263 = arith.constant 640 : i32
    %mul3A_264 = arith.muli %arg1, %mul3A_263 : i32
    %dma_wait3A_265 = arith.constant 0 : i32
    %dma_wait3A_266 = tpu.memref_slice %arg10[%mul3A_264, %dma_wait3A_265] : memref<10240x128xf32, #tpu.memory_space<vmem_shared>> -> memref<32x128xf32, #tpu.memory_space<vmem_shared>>
    %dma_wait3A_267 = arith.constant 0 : i32
    %dma_wait3A_268 = tpu.memref_slice %arg10[%mul3A_264, %dma_wait3A_267] : memref<10240x128xf32, #tpu.memory_space<vmem_shared>> -> memref<32x128xf32, #tpu.memory_space<vmem_shared>>
    tpu.wait_dma2 semaphore(%arg27 : memref<!tpu.dma_semaphore, #tpu.memory_space<semaphore_mem>>) src(%arg9 : memref<32x128xf32, #tpu.memory_space<vmem>>) dst(%dma_wait3A_268 : memref<32x128xf32, #tpu.memory_space<vmem_shared>>)
    %mul3A_269 = arith.constant 640 : i32
    %mul3A_270 = arith.muli %arg1, %mul3A_269 : i32
    %dma_wait3A_271 = arith.constant 0 : i32
    %dma_wait3A_272 = tpu.memref_slice %arg10[%mul3A_270, %dma_wait3A_271] : memref<10240x128xf32, #tpu.memory_space<vmem_shared>> -> memref<32x128xf32, #tpu.memory_space<vmem_shared>>
    %dma_wait3A_273 = arith.constant 0 : i32
    %dma_wait3A_274 = tpu.memref_slice %arg10[%mul3A_270, %dma_wait3A_273] : memref<10240x128xf32, #tpu.memory_space<vmem_shared>> -> memref<32x128xf32, #tpu.memory_space<vmem_shared>>
    tpu.wait_dma2 semaphore(%arg27 : memref<!tpu.dma_semaphore, #tpu.memory_space<semaphore_mem>>) src(%arg9 : memref<32x128xf32, #tpu.memory_space<vmem>>) dst(%dma_wait3A_274 : memref<32x128xf32, #tpu.memory_space<vmem_shared>>)
    %mul3A_275 = arith.constant 640 : i32
    %mul3A_276 = arith.muli %arg1, %mul3A_275 : i32
    %dma_wait3A_277 = arith.constant 0 : i32
    %dma_wait3A_278 = tpu.memref_slice %arg10[%mul3A_276, %dma_wait3A_277] : memref<10240x128xf32, #tpu.memory_space<vmem_shared>> -> memref<32x128xf32, #tpu.memory_space<vmem_shared>>
    %dma_wait3A_279 = arith.constant 0 : i32
    %dma_wait3A_280 = tpu.memref_slice %arg10[%mul3A_276, %dma_wait3A_279] : memref<10240x128xf32, #tpu.memory_space<vmem_shared>> -> memref<32x128xf32, #tpu.memory_space<vmem_shared>>
    tpu.wait_dma2 semaphore(%arg27 : memref<!tpu.dma_semaphore, #tpu.memory_space<semaphore_mem>>) src(%arg9 : memref<32x128xf32, #tpu.memory_space<vmem>>) dst(%dma_wait3A_280 : memref<32x128xf32, #tpu.memory_space<vmem_shared>>)
    %mul3A_281 = arith.constant 640 : i32
    %mul3A_282 = arith.muli %arg1, %mul3A_281 : i32
    %dma_wait3A_283 = arith.constant 0 : i32
    %dma_wait3A_284 = tpu.memref_slice %arg10[%mul3A_282, %dma_wait3A_283] : memref<10240x128xf32, #tpu.memory_space<vmem_shared>> -> memref<32x128xf32, #tpu.memory_space<vmem_shared>>
    %dma_wait3A_285 = arith.constant 0 : i32
    %dma_wait3A_286 = tpu.memref_slice %arg10[%mul3A_282, %dma_wait3A_285] : memref<10240x128xf32, #tpu.memory_space<vmem_shared>> -> memref<32x128xf32, #tpu.memory_space<vmem_shared>>
    tpu.wait_dma2 semaphore(%arg27 : memref<!tpu.dma_semaphore, #tpu.memory_space<semaphore_mem>>) src(%arg9 : memref<32x128xf32, #tpu.memory_space<vmem>>) dst(%dma_wait3A_286 : memref<32x128xf32, #tpu.memory_space<vmem_shared>>)
    %mul3A_287 = arith.constant 640 : i32
    %mul3A_288 = arith.muli %arg1, %mul3A_287 : i32
    %dma_wait3A_289 = arith.constant 0 : i32
    %dma_wait3A_290 = tpu.memref_slice %arg10[%mul3A_288, %dma_wait3A_289] : memref<10240x128xf32, #tpu.memory_space<vmem_shared>> -> memref<32x128xf32, #tpu.memory_space<vmem_shared>>
    %dma_wait3A_291 = arith.constant 0 : i32
    %dma_wait3A_292 = tpu.memref_slice %arg10[%mul3A_288, %dma_wait3A_291] : memref<10240x128xf32, #tpu.memory_space<vmem_shared>> -> memref<32x128xf32, #tpu.memory_space<vmem_shared>>
    tpu.wait_dma2 semaphore(%arg27 : memref<!tpu.dma_semaphore, #tpu.memory_space<semaphore_mem>>) src(%arg9 : memref<32x128xf32, #tpu.memory_space<vmem>>) dst(%dma_wait3A_292 : memref<32x128xf32, #tpu.memory_space<vmem_shared>>)
    %mul3A_293 = arith.constant 640 : i32
    %mul3A_294 = arith.muli %arg1, %mul3A_293 : i32
    %dma_wait3A_295 = arith.constant 0 : i32
    %dma_wait3A_296 = tpu.memref_slice %arg10[%mul3A_294, %dma_wait3A_295] : memref<10240x128xf32, #tpu.memory_space<vmem_shared>> -> memref<32x128xf32, #tpu.memory_space<vmem_shared>>
    %dma_wait3A_297 = arith.constant 0 : i32
    %dma_wait3A_298 = tpu.memref_slice %arg10[%mul3A_294, %dma_wait3A_297] : memref<10240x128xf32, #tpu.memory_space<vmem_shared>> -> memref<32x128xf32, #tpu.memory_space<vmem_shared>>
    tpu.wait_dma2 semaphore(%arg27 : memref<!tpu.dma_semaphore, #tpu.memory_space<semaphore_mem>>) src(%arg9 : memref<32x128xf32, #tpu.memory_space<vmem>>) dst(%dma_wait3A_298 : memref<32x128xf32, #tpu.memory_space<vmem_shared>>)
    %mul3A_299 = arith.constant 640 : i32
    %mul3A_300 = arith.muli %arg1, %mul3A_299 : i32
    %dma_wait3A_301 = arith.constant 0 : i32
    %dma_wait3A_302 = tpu.memref_slice %arg10[%mul3A_300, %dma_wait3A_301] : memref<10240x128xf32, #tpu.memory_space<vmem_shared>> -> memref<32x128xf32, #tpu.memory_space<vmem_shared>>
    %dma_wait3A_303 = arith.constant 0 : i32
    %dma_wait3A_304 = tpu.memref_slice %arg10[%mul3A_300, %dma_wait3A_303] : memref<10240x128xf32, #tpu.memory_space<vmem_shared>> -> memref<32x128xf32, #tpu.memory_space<vmem_shared>>
    tpu.wait_dma2 semaphore(%arg27 : memref<!tpu.dma_semaphore, #tpu.memory_space<semaphore_mem>>) src(%arg9 : memref<32x128xf32, #tpu.memory_space<vmem>>) dst(%dma_wait3A_304 : memref<32x128xf32, #tpu.memory_space<vmem_shared>>)
    %mul3A_305 = arith.constant 640 : i32
    %mul3A_306 = arith.muli %arg1, %mul3A_305 : i32
    %dma_wait3A_307 = arith.constant 0 : i32
    %dma_wait3A_308 = tpu.memref_slice %arg10[%mul3A_306, %dma_wait3A_307] : memref<10240x128xf32, #tpu.memory_space<vmem_shared>> -> memref<32x128xf32, #tpu.memory_space<vmem_shared>>
    %dma_wait3A_309 = arith.constant 0 : i32
    %dma_wait3A_310 = tpu.memref_slice %arg10[%mul3A_306, %dma_wait3A_309] : memref<10240x128xf32, #tpu.memory_space<vmem_shared>> -> memref<32x128xf32, #tpu.memory_space<vmem_shared>>
    tpu.wait_dma2 semaphore(%arg27 : memref<!tpu.dma_semaphore, #tpu.memory_space<semaphore_mem>>) src(%arg9 : memref<32x128xf32, #tpu.memory_space<vmem>>) dst(%dma_wait3A_310 : memref<32x128xf32, #tpu.memory_space<vmem_shared>>)
    %mul3A_311 = arith.constant 640 : i32
    %mul3A_312 = arith.muli %arg1, %mul3A_311 : i32
    %dma_wait3A_313 = arith.constant 0 : i32
    %dma_wait3A_314 = tpu.memref_slice %arg10[%mul3A_312, %dma_wait3A_313] : memref<10240x128xf32, #tpu.memory_space<vmem_shared>> -> memref<32x128xf32, #tpu.memory_space<vmem_shared>>
    %dma_wait3A_315 = arith.constant 0 : i32
    %dma_wait3A_316 = tpu.memref_slice %arg10[%mul3A_312, %dma_wait3A_315] : memref<10240x128xf32, #tpu.memory_space<vmem_shared>> -> memref<32x128xf32, #tpu.memory_space<vmem_shared>>
    tpu.wait_dma2 semaphore(%arg27 : memref<!tpu.dma_semaphore, #tpu.memory_space<semaphore_mem>>) src(%arg9 : memref<32x128xf32, #tpu.memory_space<vmem>>) dst(%dma_wait3A_316 : memref<32x128xf32, #tpu.memory_space<vmem_shared>>)
    %mul3A_317 = arith.constant 640 : i32
    %mul3A_318 = arith.muli %arg1, %mul3A_317 : i32
    %dma_wait3A_319 = arith.constant 0 : i32
    %dma_wait3A_320 = tpu.memref_slice %arg10[%mul3A_318, %dma_wait3A_319] : memref<10240x128xf32, #tpu.memory_space<vmem_shared>> -> memref<32x128xf32, #tpu.memory_space<vmem_shared>>
    %dma_wait3A_321 = arith.constant 0 : i32
    %dma_wait3A_322 = tpu.memref_slice %arg10[%mul3A_318, %dma_wait3A_321] : memref<10240x128xf32, #tpu.memory_space<vmem_shared>> -> memref<32x128xf32, #tpu.memory_space<vmem_shared>>
    tpu.wait_dma2 semaphore(%arg27 : memref<!tpu.dma_semaphore, #tpu.memory_space<semaphore_mem>>) src(%arg9 : memref<32x128xf32, #tpu.memory_space<vmem>>) dst(%dma_wait3A_322 : memref<32x128xf32, #tpu.memory_space<vmem_shared>>)
    %mul3A_323 = arith.constant 640 : i32
    %mul3A_324 = arith.muli %arg1, %mul3A_323 : i32
    %dma_wait3A_325 = arith.constant 0 : i32
    %dma_wait3A_326 = tpu.memref_slice %arg10[%mul3A_324, %dma_wait3A_325] : memref<10240x128xf32, #tpu.memory_space<vmem_shared>> -> memref<32x128xf32, #tpu.memory_space<vmem_shared>>
    %dma_wait3A_327 = arith.constant 0 : i32
    %dma_wait3A_328 = tpu.memref_slice %arg10[%mul3A_324, %dma_wait3A_327] : memref<10240x128xf32, #tpu.memory_space<vmem_shared>> -> memref<32x128xf32, #tpu.memory_space<vmem_shared>>
    tpu.wait_dma2 semaphore(%arg27 : memref<!tpu.dma_semaphore, #tpu.memory_space<semaphore_mem>>) src(%arg9 : memref<32x128xf32, #tpu.memory_space<vmem>>) dst(%dma_wait3A_328 : memref<32x128xf32, #tpu.memory_space<vmem_shared>>)
    %mul3A_329 = arith.constant 640 : i32
    %mul3A_330 = arith.muli %arg1, %mul3A_329 : i32
    %dma_wait3A_331 = arith.constant 0 : i32
    %dma_wait3A_332 = tpu.memref_slice %arg10[%mul3A_330, %dma_wait3A_331] : memref<10240x128xf32, #tpu.memory_space<vmem_shared>> -> memref<32x128xf32, #tpu.memory_space<vmem_shared>>
    %dma_wait3A_333 = arith.constant 0 : i32
    %dma_wait3A_334 = tpu.memref_slice %arg10[%mul3A_330, %dma_wait3A_333] : memref<10240x128xf32, #tpu.memory_space<vmem_shared>> -> memref<32x128xf32, #tpu.memory_space<vmem_shared>>
    tpu.wait_dma2 semaphore(%arg27 : memref<!tpu.dma_semaphore, #tpu.memory_space<semaphore_mem>>) src(%arg9 : memref<32x128xf32, #tpu.memory_space<vmem>>) dst(%dma_wait3A_334 : memref<32x128xf32, #tpu.memory_space<vmem_shared>>)
    %mul3A_335 = arith.constant 640 : i32
    %mul3A_336 = arith.muli %arg1, %mul3A_335 : i32
    %dma_wait3A_337 = arith.constant 0 : i32
    %dma_wait3A_338 = tpu.memref_slice %arg10[%mul3A_336, %dma_wait3A_337] : memref<10240x128xf32, #tpu.memory_space<vmem_shared>> -> memref<32x128xf32, #tpu.memory_space<vmem_shared>>
    %dma_wait3A_339 = arith.constant 0 : i32
    %dma_wait3A_340 = tpu.memref_slice %arg10[%mul3A_336, %dma_wait3A_339] : memref<10240x128xf32, #tpu.memory_space<vmem_shared>> -> memref<32x128xf32, #tpu.memory_space<vmem_shared>>
    tpu.wait_dma2 semaphore(%arg27 : memref<!tpu.dma_semaphore, #tpu.memory_space<semaphore_mem>>) src(%arg9 : memref<32x128xf32, #tpu.memory_space<vmem>>) dst(%dma_wait3A_340 : memref<32x128xf32, #tpu.memory_space<vmem_shared>>)
    %mul3A_341 = arith.constant 640 : i32
    %mul3A_342 = arith.muli %arg1, %mul3A_341 : i32
    %dma_wait3A_343 = arith.constant 0 : i32
    %dma_wait3A_344 = tpu.memref_slice %arg10[%mul3A_342, %dma_wait3A_343] : memref<10240x128xf32, #tpu.memory_space<vmem_shared>> -> memref<32x128xf32, #tpu.memory_space<vmem_shared>>
    %dma_wait3A_345 = arith.constant 0 : i32
    %dma_wait3A_346 = tpu.memref_slice %arg10[%mul3A_342, %dma_wait3A_345] : memref<10240x128xf32, #tpu.memory_space<vmem_shared>> -> memref<32x128xf32, #tpu.memory_space<vmem_shared>>
    tpu.wait_dma2 semaphore(%arg27 : memref<!tpu.dma_semaphore, #tpu.memory_space<semaphore_mem>>) src(%arg9 : memref<32x128xf32, #tpu.memory_space<vmem>>) dst(%dma_wait3A_346 : memref<32x128xf32, #tpu.memory_space<vmem_shared>>)
    %barrier3A = arith.constant 0 : index
    tpu.barrier barrier_id(%barrier3A)
    %scan3A_347 = arith.constant 0 : i32
    %scan3A_348 = arith.constant 3 : i32
    %scan3A_349 = arith.constant 1 : i32
    %scan3A_350 = arith.constant 2 : i32
    %scan3A_351 = arith.constant 0 : i32
    %scan3A_352 = arith.constant 40 : i32
    %scan3A_353 = arith.addi %scan3A_351, %scan3A_352 : i32
    %scan3A_354 = arith.constant 1 : i32
    scf.for %scan3A_373 = %scan3A_351 to %scan3A_353 step %scan3A_354  : i32 {
      %mul3A_374 = arith.constant 1 : i32
      %mul3A_375 = arith.muli %scan3A_373, %mul3A_374 : i32
      %add3A_376 = arith.constant 0 : i32
      %add3A_377 = arith.addi %add3A_376, %mul3A_375 : i32
      %mul3A_378 = arith.constant 4 : i32
      %mul3A_379 = arith.muli %add3A_377, %mul3A_378 : i32
      %add3A_380 = arith.constant 0 : i32
      %add3A_381 = arith.addi %mul3A_379, %add3A_380 : i32
      %dma_wait3A_382 = arith.constant 0 : i32
      %dma_wait3A_383 = arith.constant 0 : i32
      %dma_wait3A_384 = arith.constant 0 : i32
      %dma_wait3A_385 = tpu.memref_slice %arg8[%scan3A_347, %dma_wait3A_383, %dma_wait3A_384] : memref<4x64x128xf32, #tpu.memory_space<vmem>> -> memref<1x64x128xf32, #tpu.memory_space<vmem>>
      %dma_wait3A_386 = tpu.memref_squeeze %dma_wait3A_385 : memref<1x64x128xf32, #tpu.memory_space<vmem>> -> memref<64x128xf32, #tpu.memory_space<vmem>>
      %dma_wait3A_387 = arith.constant 0 : i32
      %dma_wait3A_388 = tpu.memref_slice %arg6[%dma_wait3A_382, %dma_wait3A_387] : memref<4x64xi32, #tpu.memory_space<vmem>> -> memref<1x64xi32, #tpu.memory_space<vmem>>
      %dma_wait3A_389 = tpu.memref_squeeze %dma_wait3A_388 : memref<1x64xi32, #tpu.memory_space<vmem>> -> memref<64xi32, #tpu.memory_space<vmem>>
      %dma_wait3A_390 = arith.constant 0 : i32
      %dma_wait3A_391 = arith.constant 0 : i32
      %dma_wait3A_392 = tpu.memref_slice %arg2[%dma_wait3A_390, %dma_wait3A_391] : memref<10240x128xf32, #tpu.memory_space<hbm>> -> memref<10240x128xf32, #tpu.memory_space<hbm>>
      tpu.wait_indirect_dma semaphore(%arg11 : memref<!tpu.dma_semaphore, #tpu.memory_space<semaphore_mem>>) src(%dma_wait3A_392 : memref<10240x128xf32, #tpu.memory_space<hbm>>) dst(%dma_wait3A_386 : memref<64x128xf32, #tpu.memory_space<vmem>>)
      %gt3A = arith.constant 0 : i32
      %gt3A_393 = arith.cmpi sgt, %add3A_377, %gt3A : i32
      %convert_element_type3A = arith.extui %gt3A_393 : i1 to i32
      %cond3A = arith.constant 0 : i32
      %cond3A_394 = arith.cmpi ne, %convert_element_type3A, %cond3A : i32
      scf.if %cond3A_394 {
        %dma_wait3A_602 = arith.constant 0 : i32
        %dma_wait3A_603 = arith.constant 0 : i32
        %dma_wait3A_604 = tpu.memref_slice %arg7[%dma_wait3A_602, %dma_wait3A_603] : memref<4x64xi32, #tpu.memory_space<vmem>> -> memref<1x64xi32, #tpu.memory_space<vmem>>
        %dma_wait3A_605 = tpu.memref_squeeze %dma_wait3A_604 : memref<1x64xi32, #tpu.memory_space<vmem>> -> memref<64xi32, #tpu.memory_space<vmem>>
        %dma_wait3A_606 = arith.constant 0 : i32
        %dma_wait3A_607 = tpu.memref_slice %arg4[%add3A, %add3A_381, %dma_wait3A_606] : memref<32x160x64xi32, #tpu.memory_space<hbm>> -> memref<1x1x64xi32, #tpu.memory_space<hbm>>
        %dma_wait3A_608 = tpu.memref_squeeze %dma_wait3A_607 : memref<1x1x64xi32, #tpu.memory_space<hbm>> -> memref<64xi32, #tpu.memory_space<hbm>>
        %dma_wait3A_609 = arith.constant 0 : i32
        %dma_wait3A_610 = tpu.memref_slice %arg7[%dma_wait3A_602, %dma_wait3A_609] : memref<4x64xi32, #tpu.memory_space<vmem>> -> memref<1x64xi32, #tpu.memory_space<vmem>>
        %dma_wait3A_611 = tpu.memref_squeeze %dma_wait3A_610 : memref<1x64xi32, #tpu.memory_space<vmem>> -> memref<64xi32, #tpu.memory_space<vmem>>
        %dma_wait3A_612 = arith.constant 0 : i32
        %dma_wait3A_613 = tpu.memref_slice %arg4[%add3A, %add3A_381, %dma_wait3A_612] : memref<32x160x64xi32, #tpu.memory_space<hbm>> -> memref<1x1x64xi32, #tpu.memory_space<hbm>>
        %dma_wait3A_614 = tpu.memref_squeeze %dma_wait3A_613 : memref<1x1x64xi32, #tpu.memory_space<hbm>> -> memref<64xi32, #tpu.memory_space<hbm>>
        tpu.wait_dma2 semaphore(%arg23 : memref<!tpu.dma_semaphore, #tpu.memory_space<semaphore_mem>>) src(%dma_wait3A_614 : memref<64xi32, #tpu.memory_space<hbm>>) dst(%dma_wait3A_611 : memref<64xi32, #tpu.memory_space<vmem>>)
      } else {
      }
      %gt3A_395 = arith.constant 0 : i32
      %gt3A_396 = arith.cmpi sgt, %add3A_377, %gt3A_395 : i32
      %convert_element_type3A_397 = arith.extui %gt3A_396 : i1 to i32
      %cond3A_398 = arith.constant 0 : i32
      %cond3A_399 = arith.cmpi ne, %convert_element_type3A_397, %cond3A_398 : i32
      scf.if %cond3A_399 {
        %mul3A_602 = arith.constant 4 : i32
        %mul3A_603 = arith.muli %add3A_377, %mul3A_602 : i32
        %add3A_604 = arith.constant 0 : i32
        %add3A_605 = arith.addi %mul3A_603, %add3A_604 : i32
        %sub3A_606 = arith.constant 1 : i32
        %sub3A_607 = arith.subi %add3A_605, %sub3A_606 : i32
        %add3A_608 = arith.constant 4 : i32
        %add3A_609 = arith.addi %sub3A_607, %add3A_608 : i32
        %dma_wait3A_610 = arith.constant 3 : i32
        %dma_wait3A_611 = arith.constant 0 : i32
        %dma_wait3A_612 = arith.constant 0 : i32
        %dma_wait3A_613 = tpu.memref_slice %arg8[%scan3A_348, %dma_wait3A_611, %dma_wait3A_612] : memref<4x64x128xf32, #tpu.memory_space<vmem>> -> memref<1x64x128xf32, #tpu.memory_space<vmem>>
        %dma_wait3A_614 = tpu.memref_squeeze %dma_wait3A_613 : memref<1x64x128xf32, #tpu.memory_space<vmem>> -> memref<64x128xf32, #tpu.memory_space<vmem>>
        %dma_wait3A_615 = arith.constant 0 : i32
        %dma_wait3A_616 = tpu.memref_slice %arg7[%dma_wait3A_610, %dma_wait3A_615] : memref<4x64xi32, #tpu.memory_space<vmem>> -> memref<1x64xi32, #tpu.memory_space<vmem>>
        %dma_wait3A_617 = tpu.memref_squeeze %dma_wait3A_616 : memref<1x64xi32, #tpu.memory_space<vmem>> -> memref<64xi32, #tpu.memory_space<vmem>>
        %dma_wait3A_618 = arith.constant 0 : i32
        %dma_wait3A_619 = arith.constant 0 : i32
        %dma_wait3A_620 = tpu.memref_slice %arg10[%dma_wait3A_618, %dma_wait3A_619] : memref<10240x128xf32, #tpu.memory_space<vmem_shared>> -> memref<10240x128xf32, #tpu.memory_space<vmem_shared>>
        tpu.wait_indirect_dma semaphore(%arg18 : memref<!tpu.dma_semaphore, #tpu.memory_space<semaphore_mem>>) src(%dma_wait3A_614 : memref<64x128xf32, #tpu.memory_space<vmem>>) dst(%dma_wait3A_620 : memref<10240x128xf32, #tpu.memory_space<vmem_shared>>)
        %lt3A_621 = arith.constant 160 : i32
        %lt3A_622 = arith.cmpi slt, %add3A_609, %lt3A_621 : i32
        %convert_element_type3A_623 = arith.extui %lt3A_622 : i1 to i32
        %cond3A_624 = arith.constant 0 : i32
        %cond3A_625 = arith.cmpi ne, %convert_element_type3A_623, %cond3A_624 : i32
        scf.if %cond3A_625 {
          %dma_start3A_626 = arith.constant 3 : i32
          %dma_start3A_627 = arith.constant 0 : i32
          %dma_start3A_628 = tpu.memref_slice %arg7[%dma_start3A_626, %dma_start3A_627] : memref<4x64xi32, #tpu.memory_space<vmem>> -> memref<1x64xi32, #tpu.memory_space<vmem>>
          %dma_start3A_629 = tpu.memref_squeeze %dma_start3A_628 : memref<1x64xi32, #tpu.memory_space<vmem>> -> memref<64xi32, #tpu.memory_space<vmem>>
          %dma_start3A_630 = arith.constant 0 : i32
          %dma_start3A_631 = tpu.memref_slice %arg4[%add3A, %add3A_609, %dma_start3A_630] : memref<32x160x64xi32, #tpu.memory_space<hbm>> -> memref<1x1x64xi32, #tpu.memory_space<hbm>>
          %dma_start3A_632 = tpu.memref_squeeze %dma_start3A_631 : memref<1x1x64xi32, #tpu.memory_space<hbm>> -> memref<64xi32, #tpu.memory_space<hbm>>
          %dma_start3A_633 = arith.constant 0 : i32
          %dma_start3A_634 = tpu.memref_slice %arg7[%dma_start3A_626, %dma_start3A_633] : memref<4x64xi32, #tpu.memory_space<vmem>> -> memref<1x64xi32, #tpu.memory_space<vmem>>
          %dma_start3A_635 = tpu.memref_squeeze %dma_start3A_634 : memref<1x64xi32, #tpu.memory_space<vmem>> -> memref<64xi32, #tpu.memory_space<vmem>>
          %dma_start3A_636 = arith.constant 0 : i32
          %dma_start3A_637 = tpu.memref_slice %arg4[%add3A, %add3A_609, %dma_start3A_636] : memref<32x160x64xi32, #tpu.memory_space<hbm>> -> memref<1x1x64xi32, #tpu.memory_space<hbm>>
          %dma_start3A_638 = tpu.memref_squeeze %dma_start3A_637 : memref<1x1x64xi32, #tpu.memory_space<hbm>> -> memref<64xi32, #tpu.memory_space<hbm>>
          tpu.enqueue_dma source(%dma_start3A_638 : memref<64xi32, #tpu.memory_space<hbm>>) target(%dma_start3A_635 : memref<64xi32, #tpu.memory_space<vmem>>) target_semaphore(%arg26 : memref<!tpu.dma_semaphore, #tpu.memory_space<semaphore_mem>>)
          %dma_wait3A_639 = arith.constant 3 : i32
          %dma_wait3A_640 = arith.constant 0 : i32
          %dma_wait3A_641 = tpu.memref_slice %arg6[%dma_wait3A_639, %dma_wait3A_640] : memref<4x64xi32, #tpu.memory_space<vmem>> -> memref<1x64xi32, #tpu.memory_space<vmem>>
          %dma_wait3A_642 = tpu.memref_squeeze %dma_wait3A_641 : memref<1x64xi32, #tpu.memory_space<vmem>> -> memref<64xi32, #tpu.memory_space<vmem>>
          %dma_wait3A_643 = arith.constant 0 : i32
          %dma_wait3A_644 = tpu.memref_slice %arg3[%add3A, %add3A_609, %dma_wait3A_643] : memref<32x160x64xi32, #tpu.memory_space<hbm>> -> memref<1x1x64xi32, #tpu.memory_space<hbm>>
          %dma_wait3A_645 = tpu.memref_squeeze %dma_wait3A_644 : memref<1x1x64xi32, #tpu.memory_space<hbm>> -> memref<64xi32, #tpu.memory_space<hbm>>
          %dma_wait3A_646 = arith.constant 0 : i32
          %dma_wait3A_647 = tpu.memref_slice %arg6[%dma_wait3A_639, %dma_wait3A_646] : memref<4x64xi32, #tpu.memory_space<vmem>> -> memref<1x64xi32, #tpu.memory_space<vmem>>
          %dma_wait3A_648 = tpu.memref_squeeze %dma_wait3A_647 : memref<1x64xi32, #tpu.memory_space<vmem>> -> memref<64xi32, #tpu.memory_space<vmem>>
          %dma_wait3A_649 = arith.constant 0 : i32
          %dma_wait3A_650 = tpu.memref_slice %arg3[%add3A, %add3A_609, %dma_wait3A_649] : memref<32x160x64xi32, #tpu.memory_space<hbm>> -> memref<1x1x64xi32, #tpu.memory_space<hbm>>
          %dma_wait3A_651 = tpu.memref_squeeze %dma_wait3A_650 : memref<1x1x64xi32, #tpu.memory_space<hbm>> -> memref<64xi32, #tpu.memory_space<hbm>>
          tpu.wait_dma2 semaphore(%arg22 : memref<!tpu.dma_semaphore, #tpu.memory_space<semaphore_mem>>) src(%dma_wait3A_651 : memref<64xi32, #tpu.memory_space<hbm>>) dst(%dma_wait3A_648 : memref<64xi32, #tpu.memory_space<vmem>>)
          %dma_start3A_652 = arith.constant 3 : i32
          %dma_start3A_653 = arith.constant 0 : i32
          %dma_start3A_654 = arith.constant 0 : i32
          %dma_start3A_655 = tpu.memref_slice %arg8[%scan3A_348, %dma_start3A_653, %dma_start3A_654] : memref<4x64x128xf32, #tpu.memory_space<vmem>> -> memref<1x64x128xf32, #tpu.memory_space<vmem>>
          %dma_start3A_656 = tpu.memref_squeeze %dma_start3A_655 : memref<1x64x128xf32, #tpu.memory_space<vmem>> -> memref<64x128xf32, #tpu.memory_space<vmem>>
          %dma_start3A_657 = arith.constant 0 : i32
          %dma_start3A_658 = tpu.memref_slice %arg6[%dma_start3A_652, %dma_start3A_657] : memref<4x64xi32, #tpu.memory_space<vmem>> -> memref<1x64xi32, #tpu.memory_space<vmem>>
          %dma_start3A_659 = tpu.memref_squeeze %dma_start3A_658 : memref<1x64xi32, #tpu.memory_space<vmem>> -> memref<64xi32, #tpu.memory_space<vmem>>
          %dma_start3A_660 = arith.constant 0 : i32
          %dma_start3A_661 = arith.constant 0 : i32
          %dma_start3A_662 = tpu.memref_slice %arg2[%dma_start3A_660, %dma_start3A_661] : memref<10240x128xf32, #tpu.memory_space<hbm>> -> memref<10240x128xf32, #tpu.memory_space<hbm>>
          tpu.enqueue_indirect_dma source(%dma_start3A_662 : memref<10240x128xf32, #tpu.memory_space<hbm>>) target(%dma_start3A_656 : memref<64x128xf32, #tpu.memory_space<vmem>>) offsets(%dma_start3A_659 : memref<64xi32, #tpu.memory_space<vmem>>) semaphore(%arg14 : memref<!tpu.dma_semaphore, #tpu.memory_space<semaphore_mem>>)
        } else {
        }
      } else {
      }
      %dma_start3A_400 = arith.constant 0 : i32
      %dma_start3A_401 = arith.constant 0 : i32
      %dma_start3A_402 = arith.constant 0 : i32
      %dma_start3A_403 = tpu.memref_slice %arg8[%scan3A_347, %dma_start3A_401, %dma_start3A_402] : memref<4x64x128xf32, #tpu.memory_space<vmem>> -> memref<1x64x128xf32, #tpu.memory_space<vmem>>
      %dma_start3A_404 = tpu.memref_squeeze %dma_start3A_403 : memref<1x64x128xf32, #tpu.memory_space<vmem>> -> memref<64x128xf32, #tpu.memory_space<vmem>>
      %dma_start3A_405 = arith.constant 0 : i32
      %dma_start3A_406 = tpu.memref_slice %arg7[%dma_start3A_400, %dma_start3A_405] : memref<4x64xi32, #tpu.memory_space<vmem>> -> memref<1x64xi32, #tpu.memory_space<vmem>>
      %dma_start3A_407 = tpu.memref_squeeze %dma_start3A_406 : memref<1x64xi32, #tpu.memory_space<vmem>> -> memref<64xi32, #tpu.memory_space<vmem>>
      %dma_start3A_408 = arith.constant 0 : i32
      %dma_start3A_409 = arith.constant 0 : i32
      %dma_start3A_410 = tpu.memref_slice %arg10[%dma_start3A_408, %dma_start3A_409] : memref<10240x128xf32, #tpu.memory_space<vmem_shared>> -> memref<10240x128xf32, #tpu.memory_space<vmem_shared>>
      tpu.enqueue_indirect_dma source(%dma_start3A_404 : memref<64x128xf32, #tpu.memory_space<vmem>>) target(%dma_start3A_410 : memref<10240x128xf32, #tpu.memory_space<vmem_shared>>) offsets(%dma_start3A_407 : memref<64xi32, #tpu.memory_space<vmem>>) semaphore(%arg15 : memref<!tpu.dma_semaphore, #tpu.memory_space<semaphore_mem>>) {add = true}
      %add3A_411 = arith.constant 4 : i32
      %add3A_412 = arith.addi %add3A_381, %add3A_411 : i32
      %lt3A = arith.constant 160 : i32
      %lt3A_413 = arith.cmpi slt, %add3A_412, %lt3A : i32
      %convert_element_type3A_414 = arith.extui %lt3A_413 : i1 to i32
      %cond3A_415 = arith.constant 0 : i32
      %cond3A_416 = arith.cmpi ne, %convert_element_type3A_414, %cond3A_415 : i32
      scf.if %cond3A_416 {
        %add3A_602 = arith.constant 4 : i32
        %add3A_603 = arith.addi %add3A_381, %add3A_602 : i32
        %dma_start3A_604 = arith.constant 0 : i32
        %dma_start3A_605 = arith.constant 0 : i32
        %dma_start3A_606 = tpu.memref_slice %arg6[%dma_start3A_604, %dma_start3A_605] : memref<4x64xi32, #tpu.memory_space<vmem>> -> memref<1x64xi32, #tpu.memory_space<vmem>>
        %dma_start3A_607 = tpu.memref_squeeze %dma_start3A_606 : memref<1x64xi32, #tpu.memory_space<vmem>> -> memref<64xi32, #tpu.memory_space<vmem>>
        %dma_start3A_608 = arith.constant 0 : i32
        %dma_start3A_609 = tpu.memref_slice %arg3[%add3A, %add3A_603, %dma_start3A_608] : memref<32x160x64xi32, #tpu.memory_space<hbm>> -> memref<1x1x64xi32, #tpu.memory_space<hbm>>
        %dma_start3A_610 = tpu.memref_squeeze %dma_start3A_609 : memref<1x1x64xi32, #tpu.memory_space<hbm>> -> memref<64xi32, #tpu.memory_space<hbm>>
        %dma_start3A_611 = arith.constant 0 : i32
        %dma_start3A_612 = tpu.memref_slice %arg6[%dma_start3A_604, %dma_start3A_611] : memref<4x64xi32, #tpu.memory_space<vmem>> -> memref<1x64xi32, #tpu.memory_space<vmem>>
        %dma_start3A_613 = tpu.memref_squeeze %dma_start3A_612 : memref<1x64xi32, #tpu.memory_space<vmem>> -> memref<64xi32, #tpu.memory_space<vmem>>
        %dma_start3A_614 = arith.constant 0 : i32
        %dma_start3A_615 = tpu.memref_slice %arg3[%add3A, %add3A_603, %dma_start3A_614] : memref<32x160x64xi32, #tpu.memory_space<hbm>> -> memref<1x1x64xi32, #tpu.memory_space<hbm>>
        %dma_start3A_616 = tpu.memref_squeeze %dma_start3A_615 : memref<1x1x64xi32, #tpu.memory_space<hbm>> -> memref<64xi32, #tpu.memory_space<hbm>>
        tpu.enqueue_dma source(%dma_start3A_616 : memref<64xi32, #tpu.memory_space<hbm>>) target(%dma_start3A_613 : memref<64xi32, #tpu.memory_space<vmem>>) target_semaphore(%arg19 : memref<!tpu.dma_semaphore, #tpu.memory_space<semaphore_mem>>)
      } else {
      }
      %mul3A_417 = arith.constant 4 : i32
      %mul3A_418 = arith.muli %add3A_377, %mul3A_417 : i32
      %add3A_419 = arith.constant 1 : i32
      %add3A_420 = arith.addi %mul3A_418, %add3A_419 : i32
      %dma_wait3A_421 = arith.constant 1 : i32
      %dma_wait3A_422 = arith.constant 0 : i32
      %dma_wait3A_423 = arith.constant 0 : i32
      %dma_wait3A_424 = tpu.memref_slice %arg8[%scan3A_349, %dma_wait3A_422, %dma_wait3A_423] : memref<4x64x128xf32, #tpu.memory_space<vmem>> -> memref<1x64x128xf32, #tpu.memory_space<vmem>>
      %dma_wait3A_425 = tpu.memref_squeeze %dma_wait3A_424 : memref<1x64x128xf32, #tpu.memory_space<vmem>> -> memref<64x128xf32, #tpu.memory_space<vmem>>
      %dma_wait3A_426 = arith.constant 0 : i32
      %dma_wait3A_427 = tpu.memref_slice %arg6[%dma_wait3A_421, %dma_wait3A_426] : memref<4x64xi32, #tpu.memory_space<vmem>> -> memref<1x64xi32, #tpu.memory_space<vmem>>
      %dma_wait3A_428 = tpu.memref_squeeze %dma_wait3A_427 : memref<1x64xi32, #tpu.memory_space<vmem>> -> memref<64xi32, #tpu.memory_space<vmem>>
      %dma_wait3A_429 = arith.constant 0 : i32
      %dma_wait3A_430 = arith.constant 0 : i32
      %dma_wait3A_431 = tpu.memref_slice %arg2[%dma_wait3A_429, %dma_wait3A_430] : memref<10240x128xf32, #tpu.memory_space<hbm>> -> memref<10240x128xf32, #tpu.memory_space<hbm>>
      tpu.wait_indirect_dma semaphore(%arg12 : memref<!tpu.dma_semaphore, #tpu.memory_space<semaphore_mem>>) src(%dma_wait3A_431 : memref<10240x128xf32, #tpu.memory_space<hbm>>) dst(%dma_wait3A_425 : memref<64x128xf32, #tpu.memory_space<vmem>>)
      %gt3A_432 = arith.constant 0 : i32
      %gt3A_433 = arith.cmpi sgt, %add3A_377, %gt3A_432 : i32
      %convert_element_type3A_434 = arith.extui %gt3A_433 : i1 to i32
      %cond3A_435 = arith.constant 0 : i32
      %cond3A_436 = arith.cmpi ne, %convert_element_type3A_434, %cond3A_435 : i32
      scf.if %cond3A_436 {
        %dma_wait3A_602 = arith.constant 1 : i32
        %dma_wait3A_603 = arith.constant 0 : i32
        %dma_wait3A_604 = tpu.memref_slice %arg7[%dma_wait3A_602, %dma_wait3A_603] : memref<4x64xi32, #tpu.memory_space<vmem>> -> memref<1x64xi32, #tpu.memory_space<vmem>>
        %dma_wait3A_605 = tpu.memref_squeeze %dma_wait3A_604 : memref<1x64xi32, #tpu.memory_space<vmem>> -> memref<64xi32, #tpu.memory_space<vmem>>
        %dma_wait3A_606 = arith.constant 0 : i32
        %dma_wait3A_607 = tpu.memref_slice %arg4[%add3A, %add3A_420, %dma_wait3A_606] : memref<32x160x64xi32, #tpu.memory_space<hbm>> -> memref<1x1x64xi32, #tpu.memory_space<hbm>>
        %dma_wait3A_608 = tpu.memref_squeeze %dma_wait3A_607 : memref<1x1x64xi32, #tpu.memory_space<hbm>> -> memref<64xi32, #tpu.memory_space<hbm>>
        %dma_wait3A_609 = arith.constant 0 : i32
        %dma_wait3A_610 = tpu.memref_slice %arg7[%dma_wait3A_602, %dma_wait3A_609] : memref<4x64xi32, #tpu.memory_space<vmem>> -> memref<1x64xi32, #tpu.memory_space<vmem>>
        %dma_wait3A_611 = tpu.memref_squeeze %dma_wait3A_610 : memref<1x64xi32, #tpu.memory_space<vmem>> -> memref<64xi32, #tpu.memory_space<vmem>>
        %dma_wait3A_612 = arith.constant 0 : i32
        %dma_wait3A_613 = tpu.memref_slice %arg4[%add3A, %add3A_420, %dma_wait3A_612] : memref<32x160x64xi32, #tpu.memory_space<hbm>> -> memref<1x1x64xi32, #tpu.memory_space<hbm>>
        %dma_wait3A_614 = tpu.memref_squeeze %dma_wait3A_613 : memref<1x1x64xi32, #tpu.memory_space<hbm>> -> memref<64xi32, #tpu.memory_space<hbm>>
        tpu.wait_dma2 semaphore(%arg24 : memref<!tpu.dma_semaphore, #tpu.memory_space<semaphore_mem>>) src(%dma_wait3A_614 : memref<64xi32, #tpu.memory_space<hbm>>) dst(%dma_wait3A_611 : memref<64xi32, #tpu.memory_space<vmem>>)
      } else {
      }
      %mul3A_437 = arith.constant 4 : i32
      %mul3A_438 = arith.muli %add3A_377, %mul3A_437 : i32
      %add3A_439 = arith.constant 1 : i32
      %add3A_440 = arith.addi %mul3A_438, %add3A_439 : i32
      %sub3A = arith.constant 1 : i32
      %sub3A_441 = arith.subi %add3A_440, %sub3A : i32
      %add3A_442 = arith.constant 4 : i32
      %add3A_443 = arith.addi %sub3A_441, %add3A_442 : i32
      %dma_wait3A_444 = arith.constant 0 : i32
      %dma_wait3A_445 = arith.constant 0 : i32
      %dma_wait3A_446 = arith.constant 0 : i32
      %dma_wait3A_447 = tpu.memref_slice %arg8[%scan3A_347, %dma_wait3A_445, %dma_wait3A_446] : memref<4x64x128xf32, #tpu.memory_space<vmem>> -> memref<1x64x128xf32, #tpu.memory_space<vmem>>
      %dma_wait3A_448 = tpu.memref_squeeze %dma_wait3A_447 : memref<1x64x128xf32, #tpu.memory_space<vmem>> -> memref<64x128xf32, #tpu.memory_space<vmem>>
      %dma_wait3A_449 = arith.constant 0 : i32
      %dma_wait3A_450 = tpu.memref_slice %arg7[%dma_wait3A_444, %dma_wait3A_449] : memref<4x64xi32, #tpu.memory_space<vmem>> -> memref<1x64xi32, #tpu.memory_space<vmem>>
      %dma_wait3A_451 = tpu.memref_squeeze %dma_wait3A_450 : memref<1x64xi32, #tpu.memory_space<vmem>> -> memref<64xi32, #tpu.memory_space<vmem>>
      %dma_wait3A_452 = arith.constant 0 : i32
      %dma_wait3A_453 = arith.constant 0 : i32
      %dma_wait3A_454 = tpu.memref_slice %arg10[%dma_wait3A_452, %dma_wait3A_453] : memref<10240x128xf32, #tpu.memory_space<vmem_shared>> -> memref<10240x128xf32, #tpu.memory_space<vmem_shared>>
      tpu.wait_indirect_dma semaphore(%arg15 : memref<!tpu.dma_semaphore, #tpu.memory_space<semaphore_mem>>) src(%dma_wait3A_448 : memref<64x128xf32, #tpu.memory_space<vmem>>) dst(%dma_wait3A_454 : memref<10240x128xf32, #tpu.memory_space<vmem_shared>>)
      %lt3A_455 = arith.constant 160 : i32
      %lt3A_456 = arith.cmpi slt, %add3A_443, %lt3A_455 : i32
      %convert_element_type3A_457 = arith.extui %lt3A_456 : i1 to i32
      %cond3A_458 = arith.constant 0 : i32
      %cond3A_459 = arith.cmpi ne, %convert_element_type3A_457, %cond3A_458 : i32
      scf.if %cond3A_459 {
        %dma_start3A_602 = arith.constant 0 : i32
        %dma_start3A_603 = arith.constant 0 : i32
        %dma_start3A_604 = tpu.memref_slice %arg7[%dma_start3A_602, %dma_start3A_603] : memref<4x64xi32, #tpu.memory_space<vmem>> -> memref<1x64xi32, #tpu.memory_space<vmem>>
        %dma_start3A_605 = tpu.memref_squeeze %dma_start3A_604 : memref<1x64xi32, #tpu.memory_space<vmem>> -> memref<64xi32, #tpu.memory_space<vmem>>
        %dma_start3A_606 = arith.constant 0 : i32
        %dma_start3A_607 = tpu.memref_slice %arg4[%add3A, %add3A_443, %dma_start3A_606] : memref<32x160x64xi32, #tpu.memory_space<hbm>> -> memref<1x1x64xi32, #tpu.memory_space<hbm>>
        %dma_start3A_608 = tpu.memref_squeeze %dma_start3A_607 : memref<1x1x64xi32, #tpu.memory_space<hbm>> -> memref<64xi32, #tpu.memory_space<hbm>>
        %dma_start3A_609 = arith.constant 0 : i32
        %dma_start3A_610 = tpu.memref_slice %arg7[%dma_start3A_602, %dma_start3A_609] : memref<4x64xi32, #tpu.memory_space<vmem>> -> memref<1x64xi32, #tpu.memory_space<vmem>>
        %dma_start3A_611 = tpu.memref_squeeze %dma_start3A_610 : memref<1x64xi32, #tpu.memory_space<vmem>> -> memref<64xi32, #tpu.memory_space<vmem>>
        %dma_start3A_612 = arith.constant 0 : i32
        %dma_start3A_613 = tpu.memref_slice %arg4[%add3A, %add3A_443, %dma_start3A_612] : memref<32x160x64xi32, #tpu.memory_space<hbm>> -> memref<1x1x64xi32, #tpu.memory_space<hbm>>
        %dma_start3A_614 = tpu.memref_squeeze %dma_start3A_613 : memref<1x1x64xi32, #tpu.memory_space<hbm>> -> memref<64xi32, #tpu.memory_space<hbm>>
        tpu.enqueue_dma source(%dma_start3A_614 : memref<64xi32, #tpu.memory_space<hbm>>) target(%dma_start3A_611 : memref<64xi32, #tpu.memory_space<vmem>>) target_semaphore(%arg23 : memref<!tpu.dma_semaphore, #tpu.memory_space<semaphore_mem>>)
        %dma_wait3A_615 = arith.constant 0 : i32
        %dma_wait3A_616 = arith.constant 0 : i32
        %dma_wait3A_617 = tpu.memref_slice %arg6[%dma_wait3A_615, %dma_wait3A_616] : memref<4x64xi32, #tpu.memory_space<vmem>> -> memref<1x64xi32, #tpu.memory_space<vmem>>
        %dma_wait3A_618 = tpu.memref_squeeze %dma_wait3A_617 : memref<1x64xi32, #tpu.memory_space<vmem>> -> memref<64xi32, #tpu.memory_space<vmem>>
        %dma_wait3A_619 = arith.constant 0 : i32
        %dma_wait3A_620 = tpu.memref_slice %arg3[%add3A, %add3A_443, %dma_wait3A_619] : memref<32x160x64xi32, #tpu.memory_space<hbm>> -> memref<1x1x64xi32, #tpu.memory_space<hbm>>
        %dma_wait3A_621 = tpu.memref_squeeze %dma_wait3A_620 : memref<1x1x64xi32, #tpu.memory_space<hbm>> -> memref<64xi32, #tpu.memory_space<hbm>>
        %dma_wait3A_622 = arith.constant 0 : i32
        %dma_wait3A_623 = tpu.memref_slice %arg6[%dma_wait3A_615, %dma_wait3A_622] : memref<4x64xi32, #tpu.memory_space<vmem>> -> memref<1x64xi32, #tpu.memory_space<vmem>>
        %dma_wait3A_624 = tpu.memref_squeeze %dma_wait3A_623 : memref<1x64xi32, #tpu.memory_space<vmem>> -> memref<64xi32, #tpu.memory_space<vmem>>
        %dma_wait3A_625 = arith.constant 0 : i32
        %dma_wait3A_626 = tpu.memref_slice %arg3[%add3A, %add3A_443, %dma_wait3A_625] : memref<32x160x64xi32, #tpu.memory_space<hbm>> -> memref<1x1x64xi32, #tpu.memory_space<hbm>>
        %dma_wait3A_627 = tpu.memref_squeeze %dma_wait3A_626 : memref<1x1x64xi32, #tpu.memory_space<hbm>> -> memref<64xi32, #tpu.memory_space<hbm>>
        tpu.wait_dma2 semaphore(%arg19 : memref<!tpu.dma_semaphore, #tpu.memory_space<semaphore_mem>>) src(%dma_wait3A_627 : memref<64xi32, #tpu.memory_space<hbm>>) dst(%dma_wait3A_624 : memref<64xi32, #tpu.memory_space<vmem>>)
        %dma_start3A_628 = arith.constant 0 : i32
        %dma_start3A_629 = arith.constant 0 : i32
        %dma_start3A_630 = arith.constant 0 : i32
        %dma_start3A_631 = tpu.memref_slice %arg8[%scan3A_347, %dma_start3A_629, %dma_start3A_630] : memref<4x64x128xf32, #tpu.memory_space<vmem>> -> memref<1x64x128xf32, #tpu.memory_space<vmem>>
        %dma_start3A_632 = tpu.memref_squeeze %dma_start3A_631 : memref<1x64x128xf32, #tpu.memory_space<vmem>> -> memref<64x128xf32, #tpu.memory_space<vmem>>
        %dma_start3A_633 = arith.constant 0 : i32
        %dma_start3A_634 = tpu.memref_slice %arg6[%dma_start3A_628, %dma_start3A_633] : memref<4x64xi32, #tpu.memory_space<vmem>> -> memref<1x64xi32, #tpu.memory_space<vmem>>
        %dma_start3A_635 = tpu.memref_squeeze %dma_start3A_634 : memref<1x64xi32, #tpu.memory_space<vmem>> -> memref<64xi32, #tpu.memory_space<vmem>>
        %dma_start3A_636 = arith.constant 0 : i32
        %dma_start3A_637 = arith.constant 0 : i32
        %dma_start3A_638 = tpu.memref_slice %arg2[%dma_start3A_636, %dma_start3A_637] : memref<10240x128xf32, #tpu.memory_space<hbm>> -> memref<10240x128xf32, #tpu.memory_space<hbm>>
        tpu.enqueue_indirect_dma source(%dma_start3A_638 : memref<10240x128xf32, #tpu.memory_space<hbm>>) target(%dma_start3A_632 : memref<64x128xf32, #tpu.memory_space<vmem>>) offsets(%dma_start3A_635 : memref<64xi32, #tpu.memory_space<vmem>>) semaphore(%arg11 : memref<!tpu.dma_semaphore, #tpu.memory_space<semaphore_mem>>)
      } else {
      }
      %dma_start3A_460 = arith.constant 1 : i32
      %dma_start3A_461 = arith.constant 0 : i32
      %dma_start3A_462 = arith.constant 0 : i32
      %dma_start3A_463 = tpu.memref_slice %arg8[%scan3A_349, %dma_start3A_461, %dma_start3A_462] : memref<4x64x128xf32, #tpu.memory_space<vmem>> -> memref<1x64x128xf32, #tpu.memory_space<vmem>>
      %dma_start3A_464 = tpu.memref_squeeze %dma_start3A_463 : memref<1x64x128xf32, #tpu.memory_space<vmem>> -> memref<64x128xf32, #tpu.memory_space<vmem>>
      %dma_start3A_465 = arith.constant 0 : i32
      %dma_start3A_466 = tpu.memref_slice %arg7[%dma_start3A_460, %dma_start3A_465] : memref<4x64xi32, #tpu.memory_space<vmem>> -> memref<1x64xi32, #tpu.memory_space<vmem>>
      %dma_start3A_467 = tpu.memref_squeeze %dma_start3A_466 : memref<1x64xi32, #tpu.memory_space<vmem>> -> memref<64xi32, #tpu.memory_space<vmem>>
      %dma_start3A_468 = arith.constant 0 : i32
      %dma_start3A_469 = arith.constant 0 : i32
      %dma_start3A_470 = tpu.memref_slice %arg10[%dma_start3A_468, %dma_start3A_469] : memref<10240x128xf32, #tpu.memory_space<vmem_shared>> -> memref<10240x128xf32, #tpu.memory_space<vmem_shared>>
      tpu.enqueue_indirect_dma source(%dma_start3A_464 : memref<64x128xf32, #tpu.memory_space<vmem>>) target(%dma_start3A_470 : memref<10240x128xf32, #tpu.memory_space<vmem_shared>>) offsets(%dma_start3A_467 : memref<64xi32, #tpu.memory_space<vmem>>) semaphore(%arg16 : memref<!tpu.dma_semaphore, #tpu.memory_space<semaphore_mem>>) {add = true}
      %add3A_471 = arith.constant 4 : i32
      %add3A_472 = arith.addi %add3A_420, %add3A_471 : i32
      %lt3A_473 = arith.constant 160 : i32
      %lt3A_474 = arith.cmpi slt, %add3A_472, %lt3A_473 : i32
      %convert_element_type3A_475 = arith.extui %lt3A_474 : i1 to i32
      %cond3A_476 = arith.constant 0 : i32
      %cond3A_477 = arith.cmpi ne, %convert_element_type3A_475, %cond3A_476 : i32
      scf.if %cond3A_477 {
        %add3A_602 = arith.constant 4 : i32
        %add3A_603 = arith.addi %add3A_420, %add3A_602 : i32
        %dma_start3A_604 = arith.constant 1 : i32
        %dma_start3A_605 = arith.constant 0 : i32
        %dma_start3A_606 = tpu.memref_slice %arg6[%dma_start3A_604, %dma_start3A_605] : memref<4x64xi32, #tpu.memory_space<vmem>> -> memref<1x64xi32, #tpu.memory_space<vmem>>
        %dma_start3A_607 = tpu.memref_squeeze %dma_start3A_606 : memref<1x64xi32, #tpu.memory_space<vmem>> -> memref<64xi32, #tpu.memory_space<vmem>>
        %dma_start3A_608 = arith.constant 0 : i32
        %dma_start3A_609 = tpu.memref_slice %arg3[%add3A, %add3A_603, %dma_start3A_608] : memref<32x160x64xi32, #tpu.memory_space<hbm>> -> memref<1x1x64xi32, #tpu.memory_space<hbm>>
        %dma_start3A_610 = tpu.memref_squeeze %dma_start3A_609 : memref<1x1x64xi32, #tpu.memory_space<hbm>> -> memref<64xi32, #tpu.memory_space<hbm>>
        %dma_start3A_611 = arith.constant 0 : i32
        %dma_start3A_612 = tpu.memref_slice %arg6[%dma_start3A_604, %dma_start3A_611] : memref<4x64xi32, #tpu.memory_space<vmem>> -> memref<1x64xi32, #tpu.memory_space<vmem>>
        %dma_start3A_613 = tpu.memref_squeeze %dma_start3A_612 : memref<1x64xi32, #tpu.memory_space<vmem>> -> memref<64xi32, #tpu.memory_space<vmem>>
        %dma_start3A_614 = arith.constant 0 : i32
        %dma_start3A_615 = tpu.memref_slice %arg3[%add3A, %add3A_603, %dma_start3A_614] : memref<32x160x64xi32, #tpu.memory_space<hbm>> -> memref<1x1x64xi32, #tpu.memory_space<hbm>>
        %dma_start3A_616 = tpu.memref_squeeze %dma_start3A_615 : memref<1x1x64xi32, #tpu.memory_space<hbm>> -> memref<64xi32, #tpu.memory_space<hbm>>
        tpu.enqueue_dma source(%dma_start3A_616 : memref<64xi32, #tpu.memory_space<hbm>>) target(%dma_start3A_613 : memref<64xi32, #tpu.memory_space<vmem>>) target_semaphore(%arg20 : memref<!tpu.dma_semaphore, #tpu.memory_space<semaphore_mem>>)
      } else {
      }
      %mul3A_478 = arith.constant 4 : i32
      %mul3A_479 = arith.muli %add3A_377, %mul3A_478 : i32
      %add3A_480 = arith.constant 2 : i32
      %add3A_481 = arith.addi %mul3A_479, %add3A_480 : i32
      %dma_wait3A_482 = arith.constant 2 : i32
      %dma_wait3A_483 = arith.constant 0 : i32
      %dma_wait3A_484 = arith.constant 0 : i32
      %dma_wait3A_485 = tpu.memref_slice %arg8[%scan3A_350, %dma_wait3A_483, %dma_wait3A_484] : memref<4x64x128xf32, #tpu.memory_space<vmem>> -> memref<1x64x128xf32, #tpu.memory_space<vmem>>
      %dma_wait3A_486 = tpu.memref_squeeze %dma_wait3A_485 : memref<1x64x128xf32, #tpu.memory_space<vmem>> -> memref<64x128xf32, #tpu.memory_space<vmem>>
      %dma_wait3A_487 = arith.constant 0 : i32
      %dma_wait3A_488 = tpu.memref_slice %arg6[%dma_wait3A_482, %dma_wait3A_487] : memref<4x64xi32, #tpu.memory_space<vmem>> -> memref<1x64xi32, #tpu.memory_space<vmem>>
      %dma_wait3A_489 = tpu.memref_squeeze %dma_wait3A_488 : memref<1x64xi32, #tpu.memory_space<vmem>> -> memref<64xi32, #tpu.memory_space<vmem>>
      %dma_wait3A_490 = arith.constant 0 : i32
      %dma_wait3A_491 = arith.constant 0 : i32
      %dma_wait3A_492 = tpu.memref_slice %arg2[%dma_wait3A_490, %dma_wait3A_491] : memref<10240x128xf32, #tpu.memory_space<hbm>> -> memref<10240x128xf32, #tpu.memory_space<hbm>>
      tpu.wait_indirect_dma semaphore(%arg13 : memref<!tpu.dma_semaphore, #tpu.memory_space<semaphore_mem>>) src(%dma_wait3A_492 : memref<10240x128xf32, #tpu.memory_space<hbm>>) dst(%dma_wait3A_486 : memref<64x128xf32, #tpu.memory_space<vmem>>)
      %gt3A_493 = arith.constant 0 : i32
      %gt3A_494 = arith.cmpi sgt, %add3A_377, %gt3A_493 : i32
      %convert_element_type3A_495 = arith.extui %gt3A_494 : i1 to i32
      %cond3A_496 = arith.constant 0 : i32
      %cond3A_497 = arith.cmpi ne, %convert_element_type3A_495, %cond3A_496 : i32
      scf.if %cond3A_497 {
        %dma_wait3A_602 = arith.constant 2 : i32
        %dma_wait3A_603 = arith.constant 0 : i32
        %dma_wait3A_604 = tpu.memref_slice %arg7[%dma_wait3A_602, %dma_wait3A_603] : memref<4x64xi32, #tpu.memory_space<vmem>> -> memref<1x64xi32, #tpu.memory_space<vmem>>
        %dma_wait3A_605 = tpu.memref_squeeze %dma_wait3A_604 : memref<1x64xi32, #tpu.memory_space<vmem>> -> memref<64xi32, #tpu.memory_space<vmem>>
        %dma_wait3A_606 = arith.constant 0 : i32
        %dma_wait3A_607 = tpu.memref_slice %arg4[%add3A, %add3A_481, %dma_wait3A_606] : memref<32x160x64xi32, #tpu.memory_space<hbm>> -> memref<1x1x64xi32, #tpu.memory_space<hbm>>
        %dma_wait3A_608 = tpu.memref_squeeze %dma_wait3A_607 : memref<1x1x64xi32, #tpu.memory_space<hbm>> -> memref<64xi32, #tpu.memory_space<hbm>>
        %dma_wait3A_609 = arith.constant 0 : i32
        %dma_wait3A_610 = tpu.memref_slice %arg7[%dma_wait3A_602, %dma_wait3A_609] : memref<4x64xi32, #tpu.memory_space<vmem>> -> memref<1x64xi32, #tpu.memory_space<vmem>>
        %dma_wait3A_611 = tpu.memref_squeeze %dma_wait3A_610 : memref<1x64xi32, #tpu.memory_space<vmem>> -> memref<64xi32, #tpu.memory_space<vmem>>
        %dma_wait3A_612 = arith.constant 0 : i32
        %dma_wait3A_613 = tpu.memref_slice %arg4[%add3A, %add3A_481, %dma_wait3A_612] : memref<32x160x64xi32, #tpu.memory_space<hbm>> -> memref<1x1x64xi32, #tpu.memory_space<hbm>>
        %dma_wait3A_614 = tpu.memref_squeeze %dma_wait3A_613 : memref<1x1x64xi32, #tpu.memory_space<hbm>> -> memref<64xi32, #tpu.memory_space<hbm>>
        tpu.wait_dma2 semaphore(%arg25 : memref<!tpu.dma_semaphore, #tpu.memory_space<semaphore_mem>>) src(%dma_wait3A_614 : memref<64xi32, #tpu.memory_space<hbm>>) dst(%dma_wait3A_611 : memref<64xi32, #tpu.memory_space<vmem>>)
      } else {
      }
      %mul3A_498 = arith.constant 4 : i32
      %mul3A_499 = arith.muli %add3A_377, %mul3A_498 : i32
      %add3A_500 = arith.constant 2 : i32
      %add3A_501 = arith.addi %mul3A_499, %add3A_500 : i32
      %sub3A_502 = arith.constant 1 : i32
      %sub3A_503 = arith.subi %add3A_501, %sub3A_502 : i32
      %add3A_504 = arith.constant 4 : i32
      %add3A_505 = arith.addi %sub3A_503, %add3A_504 : i32
      %dma_wait3A_506 = arith.constant 1 : i32
      %dma_wait3A_507 = arith.constant 0 : i32
      %dma_wait3A_508 = arith.constant 0 : i32
      %dma_wait3A_509 = tpu.memref_slice %arg8[%scan3A_349, %dma_wait3A_507, %dma_wait3A_508] : memref<4x64x128xf32, #tpu.memory_space<vmem>> -> memref<1x64x128xf32, #tpu.memory_space<vmem>>
      %dma_wait3A_510 = tpu.memref_squeeze %dma_wait3A_509 : memref<1x64x128xf32, #tpu.memory_space<vmem>> -> memref<64x128xf32, #tpu.memory_space<vmem>>
      %dma_wait3A_511 = arith.constant 0 : i32
      %dma_wait3A_512 = tpu.memref_slice %arg7[%dma_wait3A_506, %dma_wait3A_511] : memref<4x64xi32, #tpu.memory_space<vmem>> -> memref<1x64xi32, #tpu.memory_space<vmem>>
      %dma_wait3A_513 = tpu.memref_squeeze %dma_wait3A_512 : memref<1x64xi32, #tpu.memory_space<vmem>> -> memref<64xi32, #tpu.memory_space<vmem>>
      %dma_wait3A_514 = arith.constant 0 : i32
      %dma_wait3A_515 = arith.constant 0 : i32
      %dma_wait3A_516 = tpu.memref_slice %arg10[%dma_wait3A_514, %dma_wait3A_515] : memref<10240x128xf32, #tpu.memory_space<vmem_shared>> -> memref<10240x128xf32, #tpu.memory_space<vmem_shared>>
      tpu.wait_indirect_dma semaphore(%arg16 : memref<!tpu.dma_semaphore, #tpu.memory_space<semaphore_mem>>) src(%dma_wait3A_510 : memref<64x128xf32, #tpu.memory_space<vmem>>) dst(%dma_wait3A_516 : memref<10240x128xf32, #tpu.memory_space<vmem_shared>>)
      %lt3A_517 = arith.constant 160 : i32
      %lt3A_518 = arith.cmpi slt, %add3A_505, %lt3A_517 : i32
      %convert_element_type3A_519 = arith.extui %lt3A_518 : i1 to i32
      %cond3A_520 = arith.constant 0 : i32
      %cond3A_521 = arith.cmpi ne, %convert_element_type3A_519, %cond3A_520 : i32
      scf.if %cond3A_521 {
        %dma_start3A_602 = arith.constant 1 : i32
        %dma_start3A_603 = arith.constant 0 : i32
        %dma_start3A_604 = tpu.memref_slice %arg7[%dma_start3A_602, %dma_start3A_603] : memref<4x64xi32, #tpu.memory_space<vmem>> -> memref<1x64xi32, #tpu.memory_space<vmem>>
        %dma_start3A_605 = tpu.memref_squeeze %dma_start3A_604 : memref<1x64xi32, #tpu.memory_space<vmem>> -> memref<64xi32, #tpu.memory_space<vmem>>
        %dma_start3A_606 = arith.constant 0 : i32
        %dma_start3A_607 = tpu.memref_slice %arg4[%add3A, %add3A_505, %dma_start3A_606] : memref<32x160x64xi32, #tpu.memory_space<hbm>> -> memref<1x1x64xi32, #tpu.memory_space<hbm>>
        %dma_start3A_608 = tpu.memref_squeeze %dma_start3A_607 : memref<1x1x64xi32, #tpu.memory_space<hbm>> -> memref<64xi32, #tpu.memory_space<hbm>>
        %dma_start3A_609 = arith.constant 0 : i32
        %dma_start3A_610 = tpu.memref_slice %arg7[%dma_start3A_602, %dma_start3A_609] : memref<4x64xi32, #tpu.memory_space<vmem>> -> memref<1x64xi32, #tpu.memory_space<vmem>>
        %dma_start3A_611 = tpu.memref_squeeze %dma_start3A_610 : memref<1x64xi32, #tpu.memory_space<vmem>> -> memref<64xi32, #tpu.memory_space<vmem>>
        %dma_start3A_612 = arith.constant 0 : i32
        %dma_start3A_613 = tpu.memref_slice %arg4[%add3A, %add3A_505, %dma_start3A_612] : memref<32x160x64xi32, #tpu.memory_space<hbm>> -> memref<1x1x64xi32, #tpu.memory_space<hbm>>
        %dma_start3A_614 = tpu.memref_squeeze %dma_start3A_613 : memref<1x1x64xi32, #tpu.memory_space<hbm>> -> memref<64xi32, #tpu.memory_space<hbm>>
        tpu.enqueue_dma source(%dma_start3A_614 : memref<64xi32, #tpu.memory_space<hbm>>) target(%dma_start3A_611 : memref<64xi32, #tpu.memory_space<vmem>>) target_semaphore(%arg24 : memref<!tpu.dma_semaphore, #tpu.memory_space<semaphore_mem>>)
        %dma_wait3A_615 = arith.constant 1 : i32
        %dma_wait3A_616 = arith.constant 0 : i32
        %dma_wait3A_617 = tpu.memref_slice %arg6[%dma_wait3A_615, %dma_wait3A_616] : memref<4x64xi32, #tpu.memory_space<vmem>> -> memref<1x64xi32, #tpu.memory_space<vmem>>
        %dma_wait3A_618 = tpu.memref_squeeze %dma_wait3A_617 : memref<1x64xi32, #tpu.memory_space<vmem>> -> memref<64xi32, #tpu.memory_space<vmem>>
        %dma_wait3A_619 = arith.constant 0 : i32
        %dma_wait3A_620 = tpu.memref_slice %arg3[%add3A, %add3A_505, %dma_wait3A_619] : memref<32x160x64xi32, #tpu.memory_space<hbm>> -> memref<1x1x64xi32, #tpu.memory_space<hbm>>
        %dma_wait3A_621 = tpu.memref_squeeze %dma_wait3A_620 : memref<1x1x64xi32, #tpu.memory_space<hbm>> -> memref<64xi32, #tpu.memory_space<hbm>>
        %dma_wait3A_622 = arith.constant 0 : i32
        %dma_wait3A_623 = tpu.memref_slice %arg6[%dma_wait3A_615, %dma_wait3A_622] : memref<4x64xi32, #tpu.memory_space<vmem>> -> memref<1x64xi32, #tpu.memory_space<vmem>>
        %dma_wait3A_624 = tpu.memref_squeeze %dma_wait3A_623 : memref<1x64xi32, #tpu.memory_space<vmem>> -> memref<64xi32, #tpu.memory_space<vmem>>
        %dma_wait3A_625 = arith.constant 0 : i32
        %dma_wait3A_626 = tpu.memref_slice %arg3[%add3A, %add3A_505, %dma_wait3A_625] : memref<32x160x64xi32, #tpu.memory_space<hbm>> -> memref<1x1x64xi32, #tpu.memory_space<hbm>>
        %dma_wait3A_627 = tpu.memref_squeeze %dma_wait3A_626 : memref<1x1x64xi32, #tpu.memory_space<hbm>> -> memref<64xi32, #tpu.memory_space<hbm>>
        tpu.wait_dma2 semaphore(%arg20 : memref<!tpu.dma_semaphore, #tpu.memory_space<semaphore_mem>>) src(%dma_wait3A_627 : memref<64xi32, #tpu.memory_space<hbm>>) dst(%dma_wait3A_624 : memref<64xi32, #tpu.memory_space<vmem>>)
        %dma_start3A_628 = arith.constant 1 : i32
        %dma_start3A_629 = arith.constant 0 : i32
        %dma_start3A_630 = arith.constant 0 : i32
        %dma_start3A_631 = tpu.memref_slice %arg8[%scan3A_349, %dma_start3A_629, %dma_start3A_630] : memref<4x64x128xf32, #tpu.memory_space<vmem>> -> memref<1x64x128xf32, #tpu.memory_space<vmem>>
        %dma_start3A_632 = tpu.memref_squeeze %dma_start3A_631 : memref<1x64x128xf32, #tpu.memory_space<vmem>> -> memref<64x128xf32, #tpu.memory_space<vmem>>
        %dma_start3A_633 = arith.constant 0 : i32
        %dma_start3A_634 = tpu.memref_slice %arg6[%dma_start3A_628, %dma_start3A_633] : memref<4x64xi32, #tpu.memory_space<vmem>> -> memref<1x64xi32, #tpu.memory_space<vmem>>
        %dma_start3A_635 = tpu.memref_squeeze %dma_start3A_634 : memref<1x64xi32, #tpu.memory_space<vmem>> -> memref<64xi32, #tpu.memory_space<vmem>>
        %dma_start3A_636 = arith.constant 0 : i32
        %dma_start3A_637 = arith.constant 0 : i32
        %dma_start3A_638 = tpu.memref_slice %arg2[%dma_start3A_636, %dma_start3A_637] : memref<10240x128xf32, #tpu.memory_space<hbm>> -> memref<10240x128xf32, #tpu.memory_space<hbm>>
        tpu.enqueue_indirect_dma source(%dma_start3A_638 : memref<10240x128xf32, #tpu.memory_space<hbm>>) target(%dma_start3A_632 : memref<64x128xf32, #tpu.memory_space<vmem>>) offsets(%dma_start3A_635 : memref<64xi32, #tpu.memory_space<vmem>>) semaphore(%arg12 : memref<!tpu.dma_semaphore, #tpu.memory_space<semaphore_mem>>)
      } else {
      }
      %dma_start3A_522 = arith.constant 2 : i32
      %dma_start3A_523 = arith.constant 0 : i32
      %dma_start3A_524 = arith.constant 0 : i32
      %dma_start3A_525 = tpu.memref_slice %arg8[%scan3A_350, %dma_start3A_523, %dma_start3A_524] : memref<4x64x128xf32, #tpu.memory_space<vmem>> -> memref<1x64x128xf32, #tpu.memory_space<vmem>>
      %dma_start3A_526 = tpu.memref_squeeze %dma_start3A_525 : memref<1x64x128xf32, #tpu.memory_space<vmem>> -> memref<64x128xf32, #tpu.memory_space<vmem>>
      %dma_start3A_527 = arith.constant 0 : i32
      %dma_start3A_528 = tpu.memref_slice %arg7[%dma_start3A_522, %dma_start3A_527] : memref<4x64xi32, #tpu.memory_space<vmem>> -> memref<1x64xi32, #tpu.memory_space<vmem>>
      %dma_start3A_529 = tpu.memref_squeeze %dma_start3A_528 : memref<1x64xi32, #tpu.memory_space<vmem>> -> memref<64xi32, #tpu.memory_space<vmem>>
      %dma_start3A_530 = arith.constant 0 : i32
      %dma_start3A_531 = arith.constant 0 : i32
      %dma_start3A_532 = tpu.memref_slice %arg10[%dma_start3A_530, %dma_start3A_531] : memref<10240x128xf32, #tpu.memory_space<vmem_shared>> -> memref<10240x128xf32, #tpu.memory_space<vmem_shared>>
      tpu.enqueue_indirect_dma source(%dma_start3A_526 : memref<64x128xf32, #tpu.memory_space<vmem>>) target(%dma_start3A_532 : memref<10240x128xf32, #tpu.memory_space<vmem_shared>>) offsets(%dma_start3A_529 : memref<64xi32, #tpu.memory_space<vmem>>) semaphore(%arg17 : memref<!tpu.dma_semaphore, #tpu.memory_space<semaphore_mem>>) {add = true}
      %add3A_533 = arith.constant 4 : i32
      %add3A_534 = arith.addi %add3A_481, %add3A_533 : i32
      %lt3A_535 = arith.constant 160 : i32
      %lt3A_536 = arith.cmpi slt, %add3A_534, %lt3A_535 : i32
      %convert_element_type3A_537 = arith.extui %lt3A_536 : i1 to i32
      %cond3A_538 = arith.constant 0 : i32
      %cond3A_539 = arith.cmpi ne, %convert_element_type3A_537, %cond3A_538 : i32
      scf.if %cond3A_539 {
        %add3A_602 = arith.constant 4 : i32
        %add3A_603 = arith.addi %add3A_481, %add3A_602 : i32
        %dma_start3A_604 = arith.constant 2 : i32
        %dma_start3A_605 = arith.constant 0 : i32
        %dma_start3A_606 = tpu.memref_slice %arg6[%dma_start3A_604, %dma_start3A_605] : memref<4x64xi32, #tpu.memory_space<vmem>> -> memref<1x64xi32, #tpu.memory_space<vmem>>
        %dma_start3A_607 = tpu.memref_squeeze %dma_start3A_606 : memref<1x64xi32, #tpu.memory_space<vmem>> -> memref<64xi32, #tpu.memory_space<vmem>>
        %dma_start3A_608 = arith.constant 0 : i32
        %dma_start3A_609 = tpu.memref_slice %arg3[%add3A, %add3A_603, %dma_start3A_608] : memref<32x160x64xi32, #tpu.memory_space<hbm>> -> memref<1x1x64xi32, #tpu.memory_space<hbm>>
        %dma_start3A_610 = tpu.memref_squeeze %dma_start3A_609 : memref<1x1x64xi32, #tpu.memory_space<hbm>> -> memref<64xi32, #tpu.memory_space<hbm>>
        %dma_start3A_611 = arith.constant 0 : i32
        %dma_start3A_612 = tpu.memref_slice %arg6[%dma_start3A_604, %dma_start3A_611] : memref<4x64xi32, #tpu.memory_space<vmem>> -> memref<1x64xi32, #tpu.memory_space<vmem>>
        %dma_start3A_613 = tpu.memref_squeeze %dma_start3A_612 : memref<1x64xi32, #tpu.memory_space<vmem>> -> memref<64xi32, #tpu.memory_space<vmem>>
        %dma_start3A_614 = arith.constant 0 : i32
        %dma_start3A_615 = tpu.memref_slice %arg3[%add3A, %add3A_603, %dma_start3A_614] : memref<32x160x64xi32, #tpu.memory_space<hbm>> -> memref<1x1x64xi32, #tpu.memory_space<hbm>>
        %dma_start3A_616 = tpu.memref_squeeze %dma_start3A_615 : memref<1x1x64xi32, #tpu.memory_space<hbm>> -> memref<64xi32, #tpu.memory_space<hbm>>
        tpu.enqueue_dma source(%dma_start3A_616 : memref<64xi32, #tpu.memory_space<hbm>>) target(%dma_start3A_613 : memref<64xi32, #tpu.memory_space<vmem>>) target_semaphore(%arg21 : memref<!tpu.dma_semaphore, #tpu.memory_space<semaphore_mem>>)
      } else {
      }
      %mul3A_540 = arith.constant 4 : i32
      %mul3A_541 = arith.muli %add3A_377, %mul3A_540 : i32
      %add3A_542 = arith.constant 3 : i32
      %add3A_543 = arith.addi %mul3A_541, %add3A_542 : i32
      %dma_wait3A_544 = arith.constant 3 : i32
      %dma_wait3A_545 = arith.constant 0 : i32
      %dma_wait3A_546 = arith.constant 0 : i32
      %dma_wait3A_547 = tpu.memref_slice %arg8[%scan3A_348, %dma_wait3A_545, %dma_wait3A_546] : memref<4x64x128xf32, #tpu.memory_space<vmem>> -> memref<1x64x128xf32, #tpu.memory_space<vmem>>
      %dma_wait3A_548 = tpu.memref_squeeze %dma_wait3A_547 : memref<1x64x128xf32, #tpu.memory_space<vmem>> -> memref<64x128xf32, #tpu.memory_space<vmem>>
      %dma_wait3A_549 = arith.constant 0 : i32
      %dma_wait3A_550 = tpu.memref_slice %arg6[%dma_wait3A_544, %dma_wait3A_549] : memref<4x64xi32, #tpu.memory_space<vmem>> -> memref<1x64xi32, #tpu.memory_space<vmem>>
      %dma_wait3A_551 = tpu.memref_squeeze %dma_wait3A_550 : memref<1x64xi32, #tpu.memory_space<vmem>> -> memref<64xi32, #tpu.memory_space<vmem>>
      %dma_wait3A_552 = arith.constant 0 : i32
      %dma_wait3A_553 = arith.constant 0 : i32
      %dma_wait3A_554 = tpu.memref_slice %arg2[%dma_wait3A_552, %dma_wait3A_553] : memref<10240x128xf32, #tpu.memory_space<hbm>> -> memref<10240x128xf32, #tpu.memory_space<hbm>>
      tpu.wait_indirect_dma semaphore(%arg14 : memref<!tpu.dma_semaphore, #tpu.memory_space<semaphore_mem>>) src(%dma_wait3A_554 : memref<10240x128xf32, #tpu.memory_space<hbm>>) dst(%dma_wait3A_548 : memref<64x128xf32, #tpu.memory_space<vmem>>)
      %gt3A_555 = arith.constant 0 : i32
      %gt3A_556 = arith.cmpi sgt, %add3A_377, %gt3A_555 : i32
      %convert_element_type3A_557 = arith.extui %gt3A_556 : i1 to i32
      %cond3A_558 = arith.constant 0 : i32
      %cond3A_559 = arith.cmpi ne, %convert_element_type3A_557, %cond3A_558 : i32
      scf.if %cond3A_559 {
        %dma_wait3A_602 = arith.constant 3 : i32
        %dma_wait3A_603 = arith.constant 0 : i32
        %dma_wait3A_604 = tpu.memref_slice %arg7[%dma_wait3A_602, %dma_wait3A_603] : memref<4x64xi32, #tpu.memory_space<vmem>> -> memref<1x64xi32, #tpu.memory_space<vmem>>
        %dma_wait3A_605 = tpu.memref_squeeze %dma_wait3A_604 : memref<1x64xi32, #tpu.memory_space<vmem>> -> memref<64xi32, #tpu.memory_space<vmem>>
        %dma_wait3A_606 = arith.constant 0 : i32
        %dma_wait3A_607 = tpu.memref_slice %arg4[%add3A, %add3A_543, %dma_wait3A_606] : memref<32x160x64xi32, #tpu.memory_space<hbm>> -> memref<1x1x64xi32, #tpu.memory_space<hbm>>
        %dma_wait3A_608 = tpu.memref_squeeze %dma_wait3A_607 : memref<1x1x64xi32, #tpu.memory_space<hbm>> -> memref<64xi32, #tpu.memory_space<hbm>>
        %dma_wait3A_609 = arith.constant 0 : i32
        %dma_wait3A_610 = tpu.memref_slice %arg7[%dma_wait3A_602, %dma_wait3A_609] : memref<4x64xi32, #tpu.memory_space<vmem>> -> memref<1x64xi32, #tpu.memory_space<vmem>>
        %dma_wait3A_611 = tpu.memref_squeeze %dma_wait3A_610 : memref<1x64xi32, #tpu.memory_space<vmem>> -> memref<64xi32, #tpu.memory_space<vmem>>
        %dma_wait3A_612 = arith.constant 0 : i32
        %dma_wait3A_613 = tpu.memref_slice %arg4[%add3A, %add3A_543, %dma_wait3A_612] : memref<32x160x64xi32, #tpu.memory_space<hbm>> -> memref<1x1x64xi32, #tpu.memory_space<hbm>>
        %dma_wait3A_614 = tpu.memref_squeeze %dma_wait3A_613 : memref<1x1x64xi32, #tpu.memory_space<hbm>> -> memref<64xi32, #tpu.memory_space<hbm>>
        tpu.wait_dma2 semaphore(%arg26 : memref<!tpu.dma_semaphore, #tpu.memory_space<semaphore_mem>>) src(%dma_wait3A_614 : memref<64xi32, #tpu.memory_space<hbm>>) dst(%dma_wait3A_611 : memref<64xi32, #tpu.memory_space<vmem>>)
      } else {
      }
      %mul3A_560 = arith.constant 4 : i32
      %mul3A_561 = arith.muli %add3A_377, %mul3A_560 : i32
      %add3A_562 = arith.constant 3 : i32
      %add3A_563 = arith.addi %mul3A_561, %add3A_562 : i32
      %sub3A_564 = arith.constant 1 : i32
      %sub3A_565 = arith.subi %add3A_563, %sub3A_564 : i32
      %add3A_566 = arith.constant 4 : i32
      %add3A_567 = arith.addi %sub3A_565, %add3A_566 : i32
      %dma_wait3A_568 = arith.constant 2 : i32
      %dma_wait3A_569 = arith.constant 0 : i32
      %dma_wait3A_570 = arith.constant 0 : i32
      %dma_wait3A_571 = tpu.memref_slice %arg8[%scan3A_350, %dma_wait3A_569, %dma_wait3A_570] : memref<4x64x128xf32, #tpu.memory_space<vmem>> -> memref<1x64x128xf32, #tpu.memory_space<vmem>>
      %dma_wait3A_572 = tpu.memref_squeeze %dma_wait3A_571 : memref<1x64x128xf32, #tpu.memory_space<vmem>> -> memref<64x128xf32, #tpu.memory_space<vmem>>
      %dma_wait3A_573 = arith.constant 0 : i32
      %dma_wait3A_574 = tpu.memref_slice %arg7[%dma_wait3A_568, %dma_wait3A_573] : memref<4x64xi32, #tpu.memory_space<vmem>> -> memref<1x64xi32, #tpu.memory_space<vmem>>
      %dma_wait3A_575 = tpu.memref_squeeze %dma_wait3A_574 : memref<1x64xi32, #tpu.memory_space<vmem>> -> memref<64xi32, #tpu.memory_space<vmem>>
      %dma_wait3A_576 = arith.constant 0 : i32
      %dma_wait3A_577 = arith.constant 0 : i32
      %dma_wait3A_578 = tpu.memref_slice %arg10[%dma_wait3A_576, %dma_wait3A_577] : memref<10240x128xf32, #tpu.memory_space<vmem_shared>> -> memref<10240x128xf32, #tpu.memory_space<vmem_shared>>
      tpu.wait_indirect_dma semaphore(%arg17 : memref<!tpu.dma_semaphore, #tpu.memory_space<semaphore_mem>>) src(%dma_wait3A_572 : memref<64x128xf32, #tpu.memory_space<vmem>>) dst(%dma_wait3A_578 : memref<10240x128xf32, #tpu.memory_space<vmem_shared>>)
      %lt3A_579 = arith.constant 160 : i32
      %lt3A_580 = arith.cmpi slt, %add3A_567, %lt3A_579 : i32
      %convert_element_type3A_581 = arith.extui %lt3A_580 : i1 to i32
      %cond3A_582 = arith.constant 0 : i32
      %cond3A_583 = arith.cmpi ne, %convert_element_type3A_581, %cond3A_582 : i32
      scf.if %cond3A_583 {
        %dma_start3A_602 = arith.constant 2 : i32
        %dma_start3A_603 = arith.constant 0 : i32
        %dma_start3A_604 = tpu.memref_slice %arg7[%dma_start3A_602, %dma_start3A_603] : memref<4x64xi32, #tpu.memory_space<vmem>> -> memref<1x64xi32, #tpu.memory_space<vmem>>
        %dma_start3A_605 = tpu.memref_squeeze %dma_start3A_604 : memref<1x64xi32, #tpu.memory_space<vmem>> -> memref<64xi32, #tpu.memory_space<vmem>>
        %dma_start3A_606 = arith.constant 0 : i32
        %dma_start3A_607 = tpu.memref_slice %arg4[%add3A, %add3A_567, %dma_start3A_606] : memref<32x160x64xi32, #tpu.memory_space<hbm>> -> memref<1x1x64xi32, #tpu.memory_space<hbm>>
        %dma_start3A_608 = tpu.memref_squeeze %dma_start3A_607 : memref<1x1x64xi32, #tpu.memory_space<hbm>> -> memref<64xi32, #tpu.memory_space<hbm>>
        %dma_start3A_609 = arith.constant 0 : i32
        %dma_start3A_610 = tpu.memref_slice %arg7[%dma_start3A_602, %dma_start3A_609] : memref<4x64xi32, #tpu.memory_space<vmem>> -> memref<1x64xi32, #tpu.memory_space<vmem>>
        %dma_start3A_611 = tpu.memref_squeeze %dma_start3A_610 : memref<1x64xi32, #tpu.memory_space<vmem>> -> memref<64xi32, #tpu.memory_space<vmem>>
        %dma_start3A_612 = arith.constant 0 : i32
        %dma_start3A_613 = tpu.memref_slice %arg4[%add3A, %add3A_567, %dma_start3A_612] : memref<32x160x64xi32, #tpu.memory_space<hbm>> -> memref<1x1x64xi32, #tpu.memory_space<hbm>>
        %dma_start3A_614 = tpu.memref_squeeze %dma_start3A_613 : memref<1x1x64xi32, #tpu.memory_space<hbm>> -> memref<64xi32, #tpu.memory_space<hbm>>
        tpu.enqueue_dma source(%dma_start3A_614 : memref<64xi32, #tpu.memory_space<hbm>>) target(%dma_start3A_611 : memref<64xi32, #tpu.memory_space<vmem>>) target_semaphore(%arg25 : memref<!tpu.dma_semaphore, #tpu.memory_space<semaphore_mem>>)
        %dma_wait3A_615 = arith.constant 2 : i32
        %dma_wait3A_616 = arith.constant 0 : i32
        %dma_wait3A_617 = tpu.memref_slice %arg6[%dma_wait3A_615, %dma_wait3A_616] : memref<4x64xi32, #tpu.memory_space<vmem>> -> memref<1x64xi32, #tpu.memory_space<vmem>>
        %dma_wait3A_618 = tpu.memref_squeeze %dma_wait3A_617 : memref<1x64xi32, #tpu.memory_space<vmem>> -> memref<64xi32, #tpu.memory_space<vmem>>
        %dma_wait3A_619 = arith.constant 0 : i32
        %dma_wait3A_620 = tpu.memref_slice %arg3[%add3A, %add3A_567, %dma_wait3A_619] : memref<32x160x64xi32, #tpu.memory_space<hbm>> -> memref<1x1x64xi32, #tpu.memory_space<hbm>>
        %dma_wait3A_621 = tpu.memref_squeeze %dma_wait3A_620 : memref<1x1x64xi32, #tpu.memory_space<hbm>> -> memref<64xi32, #tpu.memory_space<hbm>>
        %dma_wait3A_622 = arith.constant 0 : i32
        %dma_wait3A_623 = tpu.memref_slice %arg6[%dma_wait3A_615, %dma_wait3A_622] : memref<4x64xi32, #tpu.memory_space<vmem>> -> memref<1x64xi32, #tpu.memory_space<vmem>>
        %dma_wait3A_624 = tpu.memref_squeeze %dma_wait3A_623 : memref<1x64xi32, #tpu.memory_space<vmem>> -> memref<64xi32, #tpu.memory_space<vmem>>
        %dma_wait3A_625 = arith.constant 0 : i32
        %dma_wait3A_626 = tpu.memref_slice %arg3[%add3A, %add3A_567, %dma_wait3A_625] : memref<32x160x64xi32, #tpu.memory_space<hbm>> -> memref<1x1x64xi32, #tpu.memory_space<hbm>>
        %dma_wait3A_627 = tpu.memref_squeeze %dma_wait3A_626 : memref<1x1x64xi32, #tpu.memory_space<hbm>> -> memref<64xi32, #tpu.memory_space<hbm>>
        tpu.wait_dma2 semaphore(%arg21 : memref<!tpu.dma_semaphore, #tpu.memory_space<semaphore_mem>>) src(%dma_wait3A_627 : memref<64xi32, #tpu.memory_space<hbm>>) dst(%dma_wait3A_624 : memref<64xi32, #tpu.memory_space<vmem>>)
        %dma_start3A_628 = arith.constant 2 : i32
        %dma_start3A_629 = arith.constant 0 : i32
        %dma_start3A_630 = arith.constant 0 : i32
        %dma_start3A_631 = tpu.memref_slice %arg8[%scan3A_350, %dma_start3A_629, %dma_start3A_630] : memref<4x64x128xf32, #tpu.memory_space<vmem>> -> memref<1x64x128xf32, #tpu.memory_space<vmem>>
        %dma_start3A_632 = tpu.memref_squeeze %dma_start3A_631 : memref<1x64x128xf32, #tpu.memory_space<vmem>> -> memref<64x128xf32, #tpu.memory_space<vmem>>
        %dma_start3A_633 = arith.constant 0 : i32
        %dma_start3A_634 = tpu.memref_slice %arg6[%dma_start3A_628, %dma_start3A_633] : memref<4x64xi32, #tpu.memory_space<vmem>> -> memref<1x64xi32, #tpu.memory_space<vmem>>
        %dma_start3A_635 = tpu.memref_squeeze %dma_start3A_634 : memref<1x64xi32, #tpu.memory_space<vmem>> -> memref<64xi32, #tpu.memory_space<vmem>>
        %dma_start3A_636 = arith.constant 0 : i32
        %dma_start3A_637 = arith.constant 0 : i32
        %dma_start3A_638 = tpu.memref_slice %arg2[%dma_start3A_636, %dma_start3A_637] : memref<10240x128xf32, #tpu.memory_space<hbm>> -> memref<10240x128xf32, #tpu.memory_space<hbm>>
        tpu.enqueue_indirect_dma source(%dma_start3A_638 : memref<10240x128xf32, #tpu.memory_space<hbm>>) target(%dma_start3A_632 : memref<64x128xf32, #tpu.memory_space<vmem>>) offsets(%dma_start3A_635 : memref<64xi32, #tpu.memory_space<vmem>>) semaphore(%arg13 : memref<!tpu.dma_semaphore, #tpu.memory_space<semaphore_mem>>)
      } else {
      }
      %dma_start3A_584 = arith.constant 3 : i32
      %dma_start3A_585 = arith.constant 0 : i32
      %dma_start3A_586 = arith.constant 0 : i32
      %dma_start3A_587 = tpu.memref_slice %arg8[%scan3A_348, %dma_start3A_585, %dma_start3A_586] : memref<4x64x128xf32, #tpu.memory_space<vmem>> -> memref<1x64x128xf32, #tpu.memory_space<vmem>>
      %dma_start3A_588 = tpu.memref_squeeze %dma_start3A_587 : memref<1x64x128xf32, #tpu.memory_space<vmem>> -> memref<64x128xf32, #tpu.memory_space<vmem>>
      %dma_start3A_589 = arith.constant 0 : i32
      %dma_start3A_590 = tpu.memref_slice %arg7[%dma_start3A_584, %dma_start3A_589] : memref<4x64xi32, #tpu.memory_space<vmem>> -> memref<1x64xi32, #tpu.memory_space<vmem>>
      %dma_start3A_591 = tpu.memref_squeeze %dma_start3A_590 : memref<1x64xi32, #tpu.memory_space<vmem>> -> memref<64xi32, #tpu.memory_space<vmem>>
      %dma_start3A_592 = arith.constant 0 : i32
      %dma_start3A_593 = arith.constant 0 : i32
      %dma_start3A_594 = tpu.memref_slice %arg10[%dma_start3A_592, %dma_start3A_593] : memref<10240x128xf32, #tpu.memory_space<vmem_shared>> -> memref<10240x128xf32, #tpu.memory_space<vmem_shared>>
      tpu.enqueue_indirect_dma source(%dma_start3A_588 : memref<64x128xf32, #tpu.memory_space<vmem>>) target(%dma_start3A_594 : memref<10240x128xf32, #tpu.memory_space<vmem_shared>>) offsets(%dma_start3A_591 : memref<64xi32, #tpu.memory_space<vmem>>) semaphore(%arg18 : memref<!tpu.dma_semaphore, #tpu.memory_space<semaphore_mem>>) {add = true}
      %add3A_595 = arith.constant 4 : i32
      %add3A_596 = arith.addi %add3A_543, %add3A_595 : i32
      %lt3A_597 = arith.constant 160 : i32
      %lt3A_598 = arith.cmpi slt, %add3A_596, %lt3A_597 : i32
      %convert_element_type3A_599 = arith.extui %lt3A_598 : i1 to i32
      %cond3A_600 = arith.constant 0 : i32
      %cond3A_601 = arith.cmpi ne, %convert_element_type3A_599, %cond3A_600 : i32
      scf.if %cond3A_601 {
        %add3A_602 = arith.constant 4 : i32
        %add3A_603 = arith.addi %add3A_543, %add3A_602 : i32
        %dma_start3A_604 = arith.constant 3 : i32
        %dma_start3A_605 = arith.constant 0 : i32
        %dma_start3A_606 = tpu.memref_slice %arg6[%dma_start3A_604, %dma_start3A_605] : memref<4x64xi32, #tpu.memory_space<vmem>> -> memref<1x64xi32, #tpu.memory_space<vmem>>
        %dma_start3A_607 = tpu.memref_squeeze %dma_start3A_606 : memref<1x64xi32, #tpu.memory_space<vmem>> -> memref<64xi32, #tpu.memory_space<vmem>>
        %dma_start3A_608 = arith.constant 0 : i32
        %dma_start3A_609 = tpu.memref_slice %arg3[%add3A, %add3A_603, %dma_start3A_608] : memref<32x160x64xi32, #tpu.memory_space<hbm>> -> memref<1x1x64xi32, #tpu.memory_space<hbm>>
        %dma_start3A_610 = tpu.memref_squeeze %dma_start3A_609 : memref<1x1x64xi32, #tpu.memory_space<hbm>> -> memref<64xi32, #tpu.memory_space<hbm>>
        %dma_start3A_611 = arith.constant 0 : i32
        %dma_start3A_612 = tpu.memref_slice %arg6[%dma_start3A_604, %dma_start3A_611] : memref<4x64xi32, #tpu.memory_space<vmem>> -> memref<1x64xi32, #tpu.memory_space<vmem>>
        %dma_start3A_613 = tpu.memref_squeeze %dma_start3A_612 : memref<1x64xi32, #tpu.memory_space<vmem>> -> memref<64xi32, #tpu.memory_space<vmem>>
        %dma_start3A_614 = arith.constant 0 : i32
        %dma_start3A_615 = tpu.memref_slice %arg3[%add3A, %add3A_603, %dma_start3A_614] : memref<32x160x64xi32, #tpu.memory_space<hbm>> -> memref<1x1x64xi32, #tpu.memory_space<hbm>>
        %dma_start3A_616 = tpu.memref_squeeze %dma_start3A_615 : memref<1x1x64xi32, #tpu.memory_space<hbm>> -> memref<64xi32, #tpu.memory_space<hbm>>
        tpu.enqueue_dma source(%dma_start3A_616 : memref<64xi32, #tpu.memory_space<hbm>>) target(%dma_start3A_613 : memref<64xi32, #tpu.memory_space<vmem>>) target_semaphore(%arg22 : memref<!tpu.dma_semaphore, #tpu.memory_space<semaphore_mem>>)
      } else {
      }
    }
    %scan3A_355 = arith.constant 40 : i32
    %dma_wait3A_356 = arith.constant 3 : i32
    %dma_wait3A_357 = arith.constant 3 : i32
    %dma_wait3A_358 = arith.constant 0 : i32
    %dma_wait3A_359 = arith.constant 0 : i32
    %dma_wait3A_360 = tpu.memref_slice %arg8[%dma_wait3A_356, %dma_wait3A_358, %dma_wait3A_359] : memref<4x64x128xf32, #tpu.memory_space<vmem>> -> memref<1x64x128xf32, #tpu.memory_space<vmem>>
    %dma_wait3A_361 = tpu.memref_squeeze %dma_wait3A_360 : memref<1x64x128xf32, #tpu.memory_space<vmem>> -> memref<64x128xf32, #tpu.memory_space<vmem>>
    %dma_wait3A_362 = arith.constant 0 : i32
    %dma_wait3A_363 = tpu.memref_slice %arg7[%dma_wait3A_357, %dma_wait3A_362] : memref<4x64xi32, #tpu.memory_space<vmem>> -> memref<1x64xi32, #tpu.memory_space<vmem>>
    %dma_wait3A_364 = tpu.memref_squeeze %dma_wait3A_363 : memref<1x64xi32, #tpu.memory_space<vmem>> -> memref<64xi32, #tpu.memory_space<vmem>>
    %dma_wait3A_365 = arith.constant 0 : i32
    %dma_wait3A_366 = arith.constant 0 : i32
    %dma_wait3A_367 = tpu.memref_slice %arg10[%dma_wait3A_365, %dma_wait3A_366] : memref<10240x128xf32, #tpu.memory_space<vmem_shared>> -> memref<10240x128xf32, #tpu.memory_space<vmem_shared>>
    tpu.wait_indirect_dma semaphore(%arg18 : memref<!tpu.dma_semaphore, #tpu.memory_space<semaphore_mem>>) src(%dma_wait3A_361 : memref<64x128xf32, #tpu.memory_space<vmem>>) dst(%dma_wait3A_367 : memref<10240x128xf32, #tpu.memory_space<vmem_shared>>)
    %barrier3A_368 = arith.constant 0 : index
    tpu.barrier barrier_id(%barrier3A_368)
    %mul3A_369 = arith.constant 640 : i32
    %mul3A_370 = arith.muli %arg1, %mul3A_369 : i32
    %mul3A_371 = arith.constant 640 : i32
    %mul3A_372 = arith.muli %arg1, %mul3A_371 : i32
    "tpu.region"() ({
      %run_scoped3A_373 = tpu.sem_alloc : memref<!tpu.dma_semaphore, #tpu.memory_space<semaphore_mem>>
      %dma_start3A_374 = arith.constant 0 : i32
      %dma_start3A_375 = tpu.memref_slice %arg5[%arg0, %mul3A_372, %dma_start3A_374] : memref<2x10240x128xf32, #tpu.memory_space<hbm>> -> memref<1x640x128xf32, #tpu.memory_space<hbm>>
      %dma_start3A_376 = tpu.memref_squeeze %dma_start3A_375 : memref<1x640x128xf32, #tpu.memory_space<hbm>> -> memref<640x128xf32, #tpu.memory_space<hbm>>
      %dma_start3A_377 = arith.constant 0 : i32
      %dma_start3A_378 = tpu.memref_slice %arg10[%mul3A_370, %dma_start3A_377] : memref<10240x128xf32, #tpu.memory_space<vmem_shared>> -> memref<640x128xf32, #tpu.memory_space<vmem_shared>>
      tpu.enqueue_dma source(%dma_start3A_378 : memref<640x128xf32, #tpu.memory_space<vmem_shared>>) target(%dma_start3A_376 : memref<640x128xf32, #tpu.memory_space<hbm>>) target_semaphore(%run_scoped3A_373 : memref<!tpu.dma_semaphore, #tpu.memory_space<semaphore_mem>>)
      %dma_wait3A_379 = arith.constant 0 : i32
      %dma_wait3A_380 = tpu.memref_slice %arg5[%arg0, %mul3A_372, %dma_wait3A_379] : memref<2x10240x128xf32, #tpu.memory_space<hbm>> -> memref<1x640x128xf32, #tpu.memory_space<hbm>>
      %dma_wait3A_381 = tpu.memref_squeeze %dma_wait3A_380 : memref<1x640x128xf32, #tpu.memory_space<hbm>> -> memref<640x128xf32, #tpu.memory_space<hbm>>
      %dma_wait3A_382 = arith.constant 0 : i32
      %dma_wait3A_383 = tpu.memref_slice %arg10[%mul3A_370, %dma_wait3A_382] : memref<10240x128xf32, #tpu.memory_space<vmem_shared>> -> memref<640x128xf32, #tpu.memory_space<vmem_shared>>
      tpu.wait_dma2 semaphore(%run_scoped3A_373 : memref<!tpu.dma_semaphore, #tpu.memory_space<semaphore_mem>>) src(%dma_wait3A_383 : memref<640x128xf32, #tpu.memory_space<vmem_shared>>) dst(%dma_wait3A_381 : memref<640x128xf32, #tpu.memory_space<hbm>>)
      tpu.yield
    }) : () -> ()
    return
  }
}

module attributes {stable_mosaic.version = 14 : i64} {
  func.func @_tc_matmul(%arg0: i32, %arg1: memref<640x128xf32, #tpu.memory_space<vmem>>, %arg2: memref<128x128xf32, #tpu.memory_space<vmem>>, %arg3: memref<640x128xf32, #tpu.memory_space<vmem>>) attributes {dimension_semantics = [#tpu.dimension_semantics<arbitrary>], iteration_bounds = array<i64: 16>, scalar_prefetch = 0 : i64, scratch_operands = 0 : i64, tpu.core_type = #tpu.core_type<tc>, window_params = [{transform_indices = @transform_0, window_bounds = array<i64: 640, 128>}, {pipeline_mode = #tpu.pipeline_mode<synchronous>, transform_indices = @transform_1, window_bounds = array<i64: 128, 128>}, {transform_indices = @transform_2, window_bounds = array<i64: 640, 128>}]} {
    %get3A = arith.constant 0 : index
    %get3A_0 = arith.constant 0 : index
    %get3A_1 = vector.load %arg1[%get3A, %get3A_0] : memref<640x128xf32, #tpu.memory_space<vmem>>, vector<640x128xf32>
    %get3A_2 = arith.constant 0 : index
    %get3A_3 = arith.constant 0 : index
    %get3A_4 = vector.load %arg2[%get3A_2, %get3A_3] : memref<128x128xf32, #tpu.memory_space<vmem>>, vector<128x128xf32>
    %dot_general3A = arith.constant dense<0.000000e+00> : vector<640x128xf32>
    %dot_general3A_5 = tpu.matmul %get3A_1, %get3A_4, %dot_general3A {dimension_numbers = #tpu.dot_dimension_numbers<[1], [0], [0], [1], [0, 0, 1, 1], [], []>, transpose_lhs_hint = false} : vector<640x128xf32>, vector<128x128xf32>, vector<640x128xf32> -> vector<640x128xf32>
    %swap3A = arith.constant 0 : index
    %swap3A_6 = arith.constant 0 : index
    %swap3A_7 = vector.load %arg3[%swap3A, %swap3A_6] : memref<640x128xf32, #tpu.memory_space<vmem>>, vector<640x128xf32>
    tpu.vector_store %arg3[%swap3A, %swap3A_6], %dot_general3A_5 {strides = array<i32>} : memref<640x128xf32, #tpu.memory_space<vmem>>, vector<640x128xf32>,
    return
  }
  func.func @transform_0(%arg0: i32) -> (i32, i32) {
    %c0_i32 = arith.constant 0 : i32
    %c0_i32_0 = arith.constant 0 : i32
    return %arg0, %c0_i32 : i32, i32
  }
  func.func @transform_1(%arg0: i32) -> (i32, i32) {
    %c0_i32 = arith.constant 0 : i32
    %c0_i32_0 = arith.constant 0 : i32
    %c0_i32_1 = arith.constant 0 : i32
    return %c0_i32, %c0_i32_0 : i32, i32
  }
  func.func @transform_2(%arg0: i32) -> (i32, i32) {
    %c0_i32 = arith.constant 0 : i32
    %c0_i32_0 = arith.constant 0 : i32
    return %arg0, %c0_i32 : i32, i32
  }
}

module attributes {stable_mosaic.version = 14 : i64} {
  func.func @_tc_scale(%arg0: i32, %arg1: memref<640x128xf32, #tpu.memory_space<vmem>>, %arg2: memref<640x1xf32, #tpu.memory_space<vmem>>, %arg3: memref<640x128xf32, #tpu.memory_space<vmem>>) attributes {dimension_semantics = [#tpu.dimension_semantics<arbitrary>], iteration_bounds = array<i64: 16>, scalar_prefetch = 0 : i64, scratch_operands = 0 : i64, tpu.core_type = #tpu.core_type<tc>, window_params = [{transform_indices = @transform_0, window_bounds = array<i64: 640, 128>}, {transform_indices = @transform_1, window_bounds = array<i64: 640, 1>}, {transform_indices = @transform_2, window_bounds = array<i64: 640, 128>}]} {
    %get3A = arith.constant 0 : index
    %get3A_0 = arith.constant 0 : index
    %get3A_1 = vector.load %arg1[%get3A, %get3A_0] : memref<640x128xf32, #tpu.memory_space<vmem>>, vector<640x128xf32>
    %get3A_2 = arith.constant 0 : index
    %get3A_3 = arith.constant 0 : index
    %get3A_4 = vector.load %arg2[%get3A_2, %get3A_3] : memref<640x1xf32, #tpu.memory_space<vmem>>, vector<640x1xf32>
    %mul3A = vector.broadcast %get3A_4 : vector<640x1xf32> to vector<640x128xf32>
    %mul3A_5 = arith.mulf %get3A_1, %mul3A : vector<640x128xf32>
    %swap3A = arith.constant 0 : index
    %swap3A_6 = arith.constant 0 : index
    %swap3A_7 = vector.load %arg3[%swap3A, %swap3A_6] : memref<640x128xf32, #tpu.memory_space<vmem>>, vector<640x128xf32>
    tpu.vector_store %arg3[%swap3A, %swap3A_6], %mul3A_5 {strides = array<i32>} : memref<640x128xf32, #tpu.memory_space<vmem>>, vector<640x128xf32>,
    return
  }
  func.func @transform_0(%arg0: i32) -> (i32, i32) {
    %c0_i32 = arith.constant 0 : i32
    %c0_i32_0 = arith.constant 0 : i32
    return %arg0, %c0_i32 : i32, i32
  }
  func.func @transform_1(%arg0: i32) -> (i32, i32) {
    %c0_i32 = arith.constant 0 : i32
    %c0_i32_0 = arith.constant 0 : i32
    return %arg0, %c0_i32 : i32, i32
  }
  func.func @transform_2(%arg0: i32) -> (i32, i32) {
    %c0_i32 = arith.constant 0 : i32
    %c0_i32_0 = arith.constant 0 : i32
    return %arg0, %c0_i32 : i32, i32
  }
}

module attributes {stable_mosaic.version = 14 : i64} {
  func.func @_tc_finish(%arg0: i32, %arg1: memref<640x128xf32, #tpu.memory_space<vmem>>, %arg2: memref<640x128xf32, #tpu.memory_space<vmem>>, %arg3: memref<640x128xf32, #tpu.memory_space<vmem>>, %arg4: memref<640x1xf32, #tpu.memory_space<vmem>>, %arg5: memref<32x640xf32, #tpu.memory_space<vmem>>, %arg6: memref<1x128xf32, #tpu.memory_space<vmem>>, %arg7: memref<128x128xf32, #tpu.memory_space<vmem>>, %arg8: memref<1x128xf32, #tpu.memory_space<vmem>>, %arg9: memref<1x128xf32, #tpu.memory_space<vmem>>, %arg10: memref<1x128xf32, #tpu.memory_space<vmem>>) attributes {dimension_semantics = [#tpu.dimension_semantics<arbitrary>], iteration_bounds = array<i64: 16>, scalar_prefetch = 0 : i64, scratch_operands = 1 : i64, tpu.core_type = #tpu.core_type<tc>, window_params = [{transform_indices = @transform_0, window_bounds = array<i64: 640, 128>}, {transform_indices = @transform_1, window_bounds = array<i64: 640, 128>}, {transform_indices = @transform_2, window_bounds = array<i64: 640, 128>}, {transform_indices = @transform_3, window_bounds = array<i64: 640, 1>}, {transform_indices = @transform_4, window_bounds = array<i64: 32, 640>}, {pipeline_mode = #tpu.pipeline_mode<synchronous>, transform_indices = @transform_5, window_bounds = array<i64: 1, 128>}, {pipeline_mode = #tpu.pipeline_mode<synchronous>, transform_indices = @transform_6, window_bounds = array<i64: 128, 128>}, {pipeline_mode = #tpu.pipeline_mode<synchronous>, transform_indices = @transform_7, window_bounds = array<i64: 1, 128>}, {pipeline_mode = #tpu.pipeline_mode<synchronous>, transform_indices = @transform_8, window_bounds = array<i64: 1, 128>}]} {
    %eq3A = arith.constant 0 : i32
    %eq3A_0 = arith.cmpi eq, %arg0, %eq3A : i32
    %convert_element_type3A = arith.extui %eq3A_0 : i1 to i32
    %cond3A = arith.constant 0 : i32
    %cond3A_1 = arith.cmpi ne, %convert_element_type3A, %cond3A : i32
    scf.if %cond3A_1 {
      %broadcast_in_dim3A_43 = arith.constant 0.000000e+00 : f32
      %broadcast_in_dim3A_44 = vector.broadcast %broadcast_in_dim3A_43 : f32 to vector<1x128xf32>
      %swap3A_45 = arith.constant 0 : index
      %swap3A_46 = arith.constant 0 : index
      %swap3A_47 = vector.load %arg10[%swap3A_45, %swap3A_46] : memref<1x128xf32, #tpu.memory_space<vmem>>, vector<1x128xf32>
      tpu.vector_store %arg10[%swap3A_45, %swap3A_46], %broadcast_in_dim3A_44 {strides = array<i32>} : memref<1x128xf32, #tpu.memory_space<vmem>>, vector<1x128xf32>,
    } else {
    }
    %get3A = arith.constant 0 : index
    %get3A_2 = arith.constant 0 : index
    %get3A_3 = vector.load %arg4[%get3A, %get3A_2] : memref<640x1xf32, #tpu.memory_space<vmem>>, vector<640x1xf32>
    %get3A_4 = arith.constant 0 : index
    %get3A_5 = arith.constant 0 : index
    %get3A_6 = vector.load %arg1[%get3A_4, %get3A_5] : memref<640x128xf32, #tpu.memory_space<vmem>>, vector<640x128xf32>
    %get3A_7 = arith.constant 0 : index
    %get3A_8 = arith.constant 0 : index
    %get3A_9 = vector.load %arg2[%get3A_7, %get3A_8] : memref<640x128xf32, #tpu.memory_space<vmem>>, vector<640x128xf32>
    %add3A = arith.addf %get3A_6, %get3A_9 : vector<640x128xf32>
    %get3A_10 = arith.constant 0 : index
    %get3A_11 = arith.constant 0 : index
    %get3A_12 = vector.load %arg3[%get3A_10, %get3A_11] : memref<640x128xf32, #tpu.memory_space<vmem>>, vector<640x128xf32>
    %add3A_13 = arith.addf %add3A, %get3A_12 : vector<640x128xf32>
    %mul3A = vector.broadcast %get3A_3 : vector<640x1xf32> to vector<640x128xf32>
    %mul3A_14 = arith.mulf %mul3A, %add3A_13 : vector<640x128xf32>
    %get3A_15 = arith.constant 0 : index
    %get3A_16 = arith.constant 0 : index
    %get3A_17 = vector.load %arg6[%get3A_15, %get3A_16] : memref<1x128xf32, #tpu.memory_space<vmem>>, vector<1x128xf32>
    %add3A_18 = vector.broadcast %get3A_17 : vector<1x128xf32> to vector<640x128xf32>
    %add3A_19 = arith.addf %mul3A_14, %add3A_18 : vector<640x128xf32>
    %max3A = arith.constant 0.000000e+00 : f32
    %max3A_20 = vector.broadcast %max3A : f32 to vector<640x128xf32>
    %max3A_21 = arith.maximumf %add3A_19, %max3A_20 : vector<640x128xf32>
    %get3A_22 = arith.constant 0 : index
    %get3A_23 = arith.constant 0 : index
    %get3A_24 = vector.load %arg5[%get3A_22, %get3A_23] : memref<32x640xf32, #tpu.memory_space<vmem>>, vector<32x640xf32>
    %reduce_sum3A = arith.constant dense<0.000000e+00> : vector<640xf32>
    %reduce_sum3A_25 = vector.multi_reduction <add>, %get3A_24, %reduce_sum3A [0] : vector<32x640xf32> to vector<640xf32>
    %squeeze3A = vector.shape_cast %get3A_3 : vector<640x1xf32> to vector<640xf32>
    %mul3A_26 = arith.mulf %squeeze3A, %reduce_sum3A_25 : vector<640xf32>
    %squeeze3A_27 = vector.shape_cast %get3A_3 : vector<640x1xf32> to vector<640xf32>
    %squeeze3A_28 = vector.shape_cast %get3A_3 : vector<640x1xf32> to vector<640xf32>
    %mul3A_29 = arith.mulf %squeeze3A_27, %squeeze3A_28 : vector<640xf32>
    %add3A_30 = arith.addf %mul3A_26, %mul3A_29 : vector<640xf32>
    %get3A_31 = arith.constant 0 : index
    %get3A_32 = arith.constant 0 : index
    %get3A_33 = vector.load %arg10[%get3A_31, %get3A_32] : memref<1x128xf32, #tpu.memory_space<vmem>>, vector<1x128xf32>
    %broadcast_in_dim3A = vector.shape_cast %add3A_30 : vector<640xf32> to vector<1x640xf32>
    %dot_general3A = arith.constant dense<0.000000e+00> : vector<1x128xf32>
    %dot_general3A_34 = tpu.matmul %broadcast_in_dim3A, %max3A_21, %dot_general3A {dimension_numbers = #tpu.dot_dimension_numbers<[1], [0], [0], [1], [0, 0, 1, 1], [], []>, transpose_lhs_hint = false} : vector<1x640xf32>, vector<640x128xf32>, vector<1x128xf32> -> vector<1x128xf32>
    %add3A_35 = arith.addf %get3A_33, %dot_general3A_34 : vector<1x128xf32>
    %swap3A = arith.constant 0 : index
    %swap3A_36 = arith.constant 0 : index
    %swap3A_37 = vector.load %arg10[%swap3A, %swap3A_36] : memref<1x128xf32, #tpu.memory_space<vmem>>, vector<1x128xf32>
    tpu.vector_store %arg10[%swap3A, %swap3A_36], %add3A_35 {strides = array<i32>} : memref<1x128xf32, #tpu.memory_space<vmem>>, vector<1x128xf32>,
    %eq3A_38 = arith.constant 15 : i32
    %eq3A_39 = arith.cmpi eq, %arg0, %eq3A_38 : i32
    %convert_element_type3A_40 = arith.extui %eq3A_39 : i1 to i32
    %cond3A_41 = arith.constant 0 : i32
    %cond3A_42 = arith.cmpi ne, %convert_element_type3A_40, %cond3A_41 : i32
    scf.if %cond3A_42 {
      %get3A_43 = arith.constant 0 : index
      %get3A_44 = arith.constant 0 : index
      %get3A_45 = vector.load %arg10[%get3A_43, %get3A_44] : memref<1x128xf32, #tpu.memory_space<vmem>>, vector<1x128xf32>
      %get3A_46 = arith.constant 0 : index
      %get3A_47 = arith.constant 0 : index
      %get3A_48 = vector.load %arg7[%get3A_46, %get3A_47] : memref<128x128xf32, #tpu.memory_space<vmem>>, vector<128x128xf32>
      %dot_general3A_49 = arith.constant dense<0.000000e+00> : vector<1x128xf32>
      %dot_general3A_50 = tpu.matmul %get3A_45, %get3A_48, %dot_general3A_49 {dimension_numbers = #tpu.dot_dimension_numbers<[1], [0], [0], [1], [0, 0, 1, 1], [], []>, transpose_lhs_hint = false} : vector<1x128xf32>, vector<128x128xf32>, vector<1x128xf32> -> vector<1x128xf32>
      %mul3A_51 = arith.constant 9.99999974E-5 : f32
      %mul3A_52 = vector.broadcast %mul3A_51 : f32 to vector<1x128xf32>
      %mul3A_53 = arith.mulf %dot_general3A_50, %mul3A_52 : vector<1x128xf32>
      %get3A_54 = arith.constant 0 : index
      %get3A_55 = arith.constant 0 : index
      %get3A_56 = vector.load %arg8[%get3A_54, %get3A_55] : memref<1x128xf32, #tpu.memory_space<vmem>>, vector<1x128xf32>
      %add3A_57 = arith.addf %mul3A_53, %get3A_56 : vector<1x128xf32>
      %swap3A_58 = arith.constant 0 : index
      %swap3A_59 = arith.constant 0 : index
      %swap3A_60 = vector.load %arg9[%swap3A_58, %swap3A_59] : memref<1x128xf32, #tpu.memory_space<vmem>>, vector<1x128xf32>
      tpu.vector_store %arg9[%swap3A_58, %swap3A_59], %add3A_57 {strides = array<i32>} : memref<1x128xf32, #tpu.memory_space<vmem>>, vector<1x128xf32>,
    } else {
    }
    return
  }
  func.func @transform_0(%arg0: i32) -> (i32, i32) {
    %c0_i32 = arith.constant 0 : i32
    %c0_i32_0 = arith.constant 0 : i32
    return %arg0, %c0_i32 : i32, i32
  }
  func.func @transform_1(%arg0: i32) -> (i32, i32) {
    %c0_i32 = arith.constant 0 : i32
    %c0_i32_0 = arith.constant 0 : i32
    return %arg0, %c0_i32 : i32, i32
  }
  func.func @transform_2(%arg0: i32) -> (i32, i32) {
    %c0_i32 = arith.constant 0 : i32
    %c0_i32_0 = arith.constant 0 : i32
    return %arg0, %c0_i32 : i32, i32
  }
  func.func @transform_3(%arg0: i32) -> (i32, i32) {
    %c0_i32 = arith.constant 0 : i32
    %c0_i32_0 = arith.constant 0 : i32
    return %arg0, %c0_i32 : i32, i32
  }
  func.func @transform_4(%arg0: i32) -> (i32, i32) {
    %c0_i32 = arith.constant 0 : i32
    %c0_i32_0 = arith.constant 0 : i32
    return %c0_i32, %arg0 : i32, i32
  }
  func.func @transform_5(%arg0: i32) -> (i32, i32) {
    %c0_i32 = arith.constant 0 : i32
    %c0_i32_0 = arith.constant 0 : i32
    %c0_i32_1 = arith.constant 0 : i32
    return %c0_i32, %c0_i32_0 : i32, i32
  }
  func.func @transform_6(%arg0: i32) -> (i32, i32) {
    %c0_i32 = arith.constant 0 : i32
    %c0_i32_0 = arith.constant 0 : i32
    %c0_i32_1 = arith.constant 0 : i32
    return %c0_i32, %c0_i32_0 : i32, i32
  }
  func.func @transform_7(%arg0: i32) -> (i32, i32) {
    %c0_i32 = arith.constant 0 : i32
    %c0_i32_0 = arith.constant 0 : i32
    %c0_i32_1 = arith.constant 0 : i32
    return %c0_i32, %c0_i32_0 : i32, i32
  }
  func.func @transform_8(%arg0: i32) -> (i32, i32) {
    %c0_i32 = arith.constant 0 : i32
    %c0_i32_0 = arith.constant 0 : i32
    %c0_i32_1 = arith.constant 0 : i32
    return %c0_i32, %c0_i32_0 : i32, i32
  }
}

</mosaic_0001>

<sc_bundles>
// kernel: kernel.10.cloned.1.call-start
scs
__scs_entry_jumppad:
0x0: {  	(pc) =	sbr.rel $0x88, $3  }
0x1: {  	(tag) =	ssettag $0x0;
	lr =	simm.s32 $0x1  }
0x2: {  	[smem:$0x3F9B] =	sst lr;
	_ =	strace $0xD0000000  }
0x3: {  	_ = 	snop  }
0x4: {  	_ = 	snop  }
0x5: {  	_ = 	snop  }
0x6: {  	_ = 	snop  }
0x7: {  	_ = 	snop  }
__scs_overlays_trampoline_lowered:
0x8: {  	[smem:$0x3FAA] =	sst s0  }
0x9: {  	[smem:$0x3FAB] =	sst s1  }
0xa: {  	[smem:$0x3FAC] =	sst s2  }
0xb: {  	[smem:$0x3FAD] =	sst s3  }
0xc: {  	[smem:$0x3FAE] =	sst s4  }
0xd: {  	[smem:$0x3FAF] =	sst s5  }
0xe: {  	[smem:$0x3FB0] =	sst s6  }
0xf: {  	[smem:$0x3FB1] =	sst s7  }
0x10: {  	[smem:$0x3FB2] =	sst s8  }
0x11: {  	[smem:$0x3FB3] =	sst s9;
	s0 =	simm.s32 @!p0 $0x0  }
0x12: {  	s1 =	sld [smem:$0x3F99];
	s0 =	simm.s32 @p0 $0x1  }
0x13: {  	[smem:$0x3FB4] =	sst s0;
	s0 =	simm.s32 @!p1 $0x0  }
0x14: {  	s2 =	sld [smem:$0x3F98];
	s0 =	simm.s32 @p1 $0x1  }
0x15: {  	[smem:$0x3FB5] =	sst s0;
	s0 =	simm.s32 @!p2 $0x0  }
0x16: {  	s3 =	sld [smem:$0x3FDB];
	s0 =	simm.s32 @p2 $0x1  }
0x17: {  	s4 =	simm.s32 $0x1BF5;
	[smem:$0x3FB7] =	sst s0  }
0x18: {  	s0 =	sld [smem:$0x3F9A];
	_ =	swait.ge [sflag:s4], $0x0  }
0x19: {  	s7 =	sld [smem:$0x3F9B]  }
0x1a: {  	s8 =	sadd.s32 $0xFFFFE003, lr  }
0x1b: {  	s9 =	sadd.s32 $0xFFFFFEF7, lr;
	s5 =	simm.s32 $0xFFFFFFFF;
	p2 =	slt.u32 s8, $0xFFFFF086  }
0x1c: {  	p1 =	slt.u32 s9, $0xF7A;
	s5 =	simm.s32 @!p2 $0x0  }
0x1d: {  	s5 =	simm.s32 @p1 $0x1;
	p0 =	seq.s32 s7, s2  }
0x1e: {  	s7 =	smul.u32 @!p0 $0xF7A, s2;
	p2 =	seq.s32 @!p0 s5, $0x0  }
0x1f: {  	s9 =	smul.u32 $0xF7A, s1;
	s8 =	simm.s32 @!p0 $0x1BF5;
	p2 =	por !p2, p0  }
0x20: {  	[sflag:s8] =	ssyncset.s32 @!p0 $0xFFFFF086;
	s6 =	sadd.s32 @!p0 s3, s7;
	s7 =	simm.s32 @!p0 $0x108  }
0x21: {  	s3 =	sadd.s32 s3, s9;
	s6 =	sadd.s32 @!p0 $0x88, s6;
	s7 =	simm.s32 @p2 $0x1082  }
0x22: {  	[simem:s7], [sflag:s8] =	dma.local @!p0 [hbm:s6], $0xF7A  }
0x23: {  	s9 =	sor.u32 $0xD0000000, s2;
	s6 =	simm.s32 $0x108;
	_ =	swait.ge @!p0 [sflag:s8], $0x0  }
0x24: {  	s3 =	sadd.s32 $0x88, s3;
	s6 =	simm.s32 @!p1 $0x1082;
	[sflag:s4] =	ssyncset.s32 $0xFFFFF086  }
0x25: {  	[simem:s6], [sflag:s4] =	dma.local [hbm:s3], $0xF7A  }
0x26: {  	[smem:$0x3F9B] =	sst s1;
	(tag) =	ssettag s2;
	_ =	strace s9  }
0x27: {  	s1 =	sld [smem:$0x3FAB]  }
0x28: {  	s2 =	sld [smem:$0x3FAC]  }
0x29: {  	s4 =	sld [smem:$0x3FAE]  }
0x2a: {  	p0 =	seq.s32 s5, $0x0;
	s5 =	sld [smem:$0x3FAF]  }
0x2b: {  	s6 =	sld [smem:$0x3FB0]  }
0x2c: {  	s7 =	sld [smem:$0x3FB1]  }
0x2d: {  	s3 =	simm.s32 $0x108;
	s8 =	sld [smem:$0x3FB2]  }
0x2e: {  	s3 =	simm.s32 @!p0 $0x1082;
	s9 =	sld [smem:$0x3FB3]  }
0x2f: {  	lr =	sadd.s32 s0, s3;
	s0 =	sld [smem:$0x3FAA]  }
0x30: {  	s3 =	sld [smem:$0x3FAD]  }
0x31: {  	[smem:$0x3FB6] =	sst s10  }
0x32: {  	s10 =	sld [smem:$0x3FB4];
	_ =	sdelay $0x3  }
0x33: {  	p0 =	seq.s32 s10, $0x1;
	s10 =	sld [smem:$0x3FB6];
	_ =	sdelay $0x3  }
0x34: {  	[smem:$0x3FB6] =	sst s10  }
0x35: {  	s10 =	sld [smem:$0x3FB5];
	_ =	sdelay $0x3  }
0x36: {  	p1 =	seq.s32 s10, $0x1;
	s10 =	sld [smem:$0x3FB6];
	_ =	sdelay $0x3  }
0x37: {  	[smem:$0x3FB6] =	sst s10  }
0x38: {  	s10 =	sld [smem:$0x3FB7]  }
0x39: {  	_ = 	snop;
	(pc) =	sbr.ind lr, $3  }
0x3a: {  	_ = 	snop  }
0x3b: {  	_ = 	snop  }
0x3c: {  	p2 =	seq.s32 s10, $0x1;
	s10 =	sld [smem:$0x3FB6]  }
0x3d: {  	_ =	shalt  }
0x3e: {  	_ =	shalt  }
0x3f: {  	_ =	shalt  }
0x40: {  	_ =	shalt  }
0x41: {  	_ =	shalt  }
0x42: {  	_ =	shalt  }
0x43: {  	_ =	shalt  }
0x44: {  	_ =	shalt  }
0x45: {  	_ =	shalt  }
0x46: {  	_ =	shalt  }
0x47: {  	_ =	shalt  }
0x48: {  	_ =	shalt  }
0x49: {  	_ =	shalt  }
0x4a: {  	_ =	shalt  }
0x4b: {  	_ =	shalt  }
0x4c: {  	_ =	shalt  }
0x4d: {  	_ =	shalt  }
0x4e: {  	_ =	shalt  }
0x4f: {  	_ =	shalt  }
0x50: {  	_ =	shalt  }
0x51: {  	_ =	shalt  }
0x52: {  	_ =	shalt  }
0x53: {  	_ =	shalt  }
0x54: {  	_ =	shalt  }
0x55: {  	_ =	shalt  }
0x56: {  	_ =	shalt  }
0x57: {  	_ =	shalt  }
0x58: {  	_ =	shalt  }
0x59: {  	_ =	shalt  }
0x5a: {  	_ =	shalt  }
0x5b: {  	_ =	shalt  }
0x5c: {  	_ =	shalt  }
0x5d: {  	_ =	shalt  }
0x5e: {  	_ =	shalt  }
0x5f: {  	_ =	shalt  }
0x60: {  	_ =	shalt  }
0x61: {  	_ =	shalt  }
0x62: {  	_ =	shalt  }
0x63: {  	_ =	shalt  }
0x64: {  	_ =	shalt  }
0x65: {  	_ =	shalt  }
0x66: {  	_ =	shalt  }
0x67: {  	_ =	shalt  }
0x68: {  	_ =	shalt  }
0x69: {  	_ =	shalt  }
0x6a: {  	_ =	shalt  }
0x6b: {  	_ =	shalt  }
0x6c: {  	_ =	shalt  }
0x6d: {  	_ =	shalt  }
0x6e: {  	_ =	shalt  }
0x6f: {  	_ =	shalt  }
0x70: {  	_ =	shalt  }
0x71: {  	_ =	shalt  }
0x72: {  	_ =	shalt  }
0x73: {  	_ =	shalt  }
0x74: {  	_ =	shalt  }
0x75: {  	_ =	shalt  }
0x76: {  	_ =	shalt  }
0x77: {  	_ =	shalt  }
0x78: {  	_ =	shalt  }
0x79: {  	_ =	shalt  }
0x7a: {  	_ =	shalt  }
0x7b: {  	_ =	shalt  }
0x7c: {  	_ =	shalt  }
0x7d: {  	_ =	shalt  }
0x7e: {  	_ =	shalt  }
0x7f: {  	_ =	shalt  }
0x80: {  	_ =	shalt  }
0x81: {  	_ =	shalt  }
0x82: {  	_ =	shalt  }
0x83: {  	_ =	shalt  }
0x84: {  	_ =	shalt  }
0x85: {  	_ =	shalt  }
0x86: {  	_ =	shalt  }
0x87: {  	_ =	shalt  }
.Lfunc_end0:
.L_simem_size_0:
called_computation.1_lowered:
.L_overlay_start_0:
0x88: {  	s2 =	sld [smem:$0x3FD9]  }
0x89: {  	s3 =	sld [smem:$0x3FFE];
	_ =	sdelay $0x1  }
0x8a: {  	s1 =	srdreg.scid  }
0x8b: {  	s0 =	sand.u32 $0x1, s1  }
0x8c: {  	s16 =	sshll.u32 s0, $0xA;
	s2 =	sadd.s32 s3, s2  }
0x8d: {  	s2 =	sadd.s32 s2, s16  }
0x8e: {  	[smem:$0x3FC2] =	sst s2  }
0x8f: {  	_ = 	snop  }
0x90: {  	(tm) =	ssettm $0x1  }
0x91: {  	s17 =	sld [smem:$0x3FFB];
	_ =	sdelay $0x3  }
0x92: {  	_ =	strace s17  }
0x93: {  	s2 =	sld [smem:$0x3FFC];
	_ =	sdelay $0x3  }
0x94: {  	_ =	strace s2  }
0x95: {  	s2 =	sld [smem:$0x3FFD];
	_ =	sdelay $0x3  }
0x96: {  	_ =	strace s2  }
0x97: {  	_ =	strace $0x8FFFFFFF  }
0x98: {  	s18 =	sld [smem:$0x3FDB];
	_ =	sdelay $0x1  }
0x99: {  	s19 =	simm.s32 $_scs_section_size  }
0x9a: {  	s4 =	simm.s32 $_size__tile_overlayer_lowered;
	s5 =	simm.s32 $_tile_overlayer_lowered  }
0x9b: {  	s22 =	simm.s32 $0x1BFF;
	s21 =	sshll.u32 s5, $0x1;
	s2 =	sadd.s32 s19, s18  }
0x9c: {  	s6 =	simm.s32 $0x0;
	s20 =	sshll.u32 s4, $0x1;
	s4 =	sadd.s32 s21, s2  }
0x9d: {  	[timem:s6], [sflag:s22] =	dma.local [hbm:s4], s20  }
0x9e: {  	_ =	swait.ge [sflag:s22], s20  }
0x9f: {  	s3 =	ssub.s32 $0x0, s20;
	[sflag:s22] =	ssyncset.done $0x0  }
0xa0: {  	[sflag:s22] =	ssyncadd.s32 s3;
	_ =	sdelay $0x1  }
0xa1: {  	s23 =	simm.s32 $0x1B8B  }
0xa2: {  	_ =	swait.ge [sflag:s23], $0x1  }
0xa3: {  	[sflag:s23] =	ssyncset.done $0x0  }
0xa4: {  	s25 =	simm.s32 $0x1B8E;
	s24 =	sld [smem:$0x3FFE];
	[sflag:s23] =	ssyncadd.s32 $0xFFFFFFFF  }
0xa5: {  	s26 =	simm.s32 $execute0_lowered;
	[smem:$0x3FD2] =	sst s25  }
0xa6: {  	s4 =	sshll.u32 s26, $0x1;
	_ =	strace $0x80000049;
	[dreg:$0x1] =	wrdreg $0xFFFFFFFF  }
0xa7: {  	s28 =	simm.s32 $_size_execute0_lowered;
	s2 =	sadd.s32 s2, s4;
	[dreg:$0x0] =	wrdreg $0x0  }
0xa8: {  	s4 =	sshll.u32 s28, $0x1;
	[dreg:$0x2] =	wrdreg s2  }
0xa9: {  	[dreg:$0x3] =	wrdreg s4  }
0xaa: {  	[dreg:$0x4] =	wrdreg $0xC0  }
0xab: {  	_ =	task [dreg:s6], $0x5FFFF  }
0xac: {  	[dreg:$0x1] =	wrdreg $0xFFFFFFFF  }
0xad: {  	[dreg:$0x0] =	wrdreg $0x60  }
0xae: {  	[dreg:$0x2] =	wrdreg s24  }
0xaf: {  	[dreg:$0x3] =	wrdreg $0x94000  }
0xb0: {  	[dreg:$0x4] =	wrdreg $0x9  }
0xb1: {  	_ =	task.clear_ibuf [dreg:s6], $0x5FFFF;
	_ =	strace $0x90000049  }
0xb2: {  	s29 =	simm.s32 $0x9;
	_ =	strace $0x8000004B  }
0xb3: {  	_ =	swait.ge [sflag:s29], $0x1  }
0xb4: {  	[sflag:s29] =	ssyncadd.s32 $0xFFFFFFFF  }
0xb5: {  	_ =	strace $0x9000004B  }
0xb6: {  	_ =	sfence  }
0xb7: {  	s30 =	sld [smem:$0x0];
	_ =	sdelay $0x2  }
0xb8: {  	s31 =	sshll.u32 s1, $0xD;
	s1 =	sshrl.u32 s1, $0x2  }
0xb9: {  	s3 =	sand.u32 $0x4000, s31;
	s1 =	sadd.s32 s1, s30  }
0xba: {  	s0 =	sor.u32 s3, s0;
	s1 =	sshll.u32 s1, $0x11  }
0xbb: {  	s0 =	sor.u32 s1, s0  }
0xbc: {  	s0 =	sadd.s32 $0x8F2B, s0  }
0xbd: {  	[sflag:s0] =	ssyncadd.remote.s32 $0x1  }
0xbe: {  	_ =	sfence.sel $0xFFFF  }
0xbf: {  	[dreg:$0x0] =	wrdreg $0xFFFFFFFF;
	(pc) =	sbr.abs _section_cstart, $3  }
0xc0: {  	[dreg:$0x1] =	wrdreg $0xFFFFFFFF  }
0xc1: {  	_ =	task.clear_ibuf [dreg:s6], $0x2FFFF;
	_ =	strace $0x9FFFFFFF  }
0xc2: {  	(tm) =	ssettm $0x7FFFFFFF  }
0xc3: {  	_ =	shalt  }
tec
execute0_lowered:
.L_overlay_start_1:
0x0: {  	(tag) =	ssettag $0x1  }
0x1: {  	s0 =	rddreg [dreg:$0x0]  }
0x2: {  	s2 =	rddreg [dreg:$0x1];
	s1 =	srdreg.scid  }
0x3: {  	s3 =	simm.s32 $0x0;
	s11 =	stileid.u32;
	s1 =	sand.u32 $0x1, s1  }
0x4: {  	[smem:$0x7FF] =	sst s3;
	s4 =	sshll.u32 s11, $0x1;
	s9 =	smul.u32 $0x14000, s11  }
0x5: {  	s8 =	smul.u32 $0x140000, s1;
	s6 =	sor.u32 s1, s4;
	s1 =	ssub.s32 $0x2, s1  }
0x6: {  	s5 =	sadd.s32 $0x20200, s0;
	s20 =	smul.u32 $0x50000, s11;
	s16 =	sshrl.u32 s1, $0x1  }
0x7: {  	_ =	strace $0x8000004A;
	s6 =	smul.u32 $0x5000, s6;
	s1 =	ssub.s32 s1, s16  }
0x8: {  	s8 =	sadd.s32 s9, s8;
	s9 =	sshrl.u32 s20, $0x2;
	s14 =	smax.u32 s1, $0x1  }
0x9: {  	s10 =	sshrl.u32 s6, $0x3;
	s20 =	sadd.s32 s9, s2;
	[dreg:$0x14] =	wrdreg s14  }
0xa: {  	s7 =	sadd.s32 $0x34200, s0;
	s17 =	sadd.s32 s5, s10;
	[dreg:$0xa] =	wrdreg s20  }
0xb: {  	s18 =	sadd.s32 s7, s10;
	[dreg:$0x3] =	wrdreg s17  }
0xc: {  	s26 =	sadd.s32 $0x1000, s20;
	[dreg:$0x4] =	wrdreg s18  }
0xd: {  	s28 =	sadd.s32 $0x2000, s20;
	[dreg:$0xc] =	wrdreg s26  }
0xe: {  	s9 =	sadd.s32 $0x3000, s20;
	[dreg:$0xd] =	wrdreg s28  }
0xf: {  	s29 =	simm.s32 $0x11;
	s11 =	sadd.s32 $0x5000, s20;
	[dreg:$0xe] =	wrdreg s9  }
0x10: {  	s30 =	simm.s32 $0x1;
	s12 =	sadd.s32 $0x6000, s20;
	[dreg:$0x10] =	wrdreg s11  }
0x11: {  	s4 =	sadd.s32 $0x48200, s0;
	s13 =	sadd.s32 $0x7000, s20;
	[dreg:$0x11] =	wrdreg s12  }
0x12: {  	s8 =	sshrl.u32 s8, $0x3;
	s15 =	sadd.s32 $0x8000, s20;
	[dreg:$0x12] =	wrdreg s13  }
0x13: {  	s19 =	sor.u32 $0x10, s10;
	s16 =	sadd.s32 $0x9000, s20;
	[dreg:$0x15] =	wrdreg s15  }
0x14: {  	s0 =	sadd.s32 s8, s0;
	s21 =	sadd.s32 s5, s19;
	[dreg:$0x16] =	wrdreg s16  }
0x15: {  	s22 =	sor.u32 $0x20, s10;
	s8 =	sadd.s32 s7, s19;
	[dreg:$0x5] =	wrdreg s21  }
0x16: {  	s10 =	sor.u32 $0x30, s10;
	s23 =	sadd.s32 s5, s22;
	[dreg:$0x6] =	wrdreg s8  }
0x17: {  	s31 =	simm.s32 $0x2;
	s24 =	sadd.s32 s5, s10;
	[dreg:$0x7] =	wrdreg s23  }
0x18: {  	s1 =	simm.s32 $0x3;
	s25 =	sadd.s32 s7, s10;
	[dreg:$0x9] =	wrdreg s24  }
0x19: {  	s14 =	simm.s32 $0x200;
	s10 =	sadd.s32 $0x4000, s20;
	[dreg:$0xb] =	wrdreg s25  }
0x1a: {  	s0 =	sadd.s32 $0x70200, s0;
	s17 =	sadd.s32 $0xA000, s20;
	[dreg:$0xf] =	wrdreg s10  }
0x1b: {  	s18 =	sadd.s32 $0xB000, s20;
	s19 =	sadd.s32 $0xC000, s20;
	[dreg:$0x13] =	wrdreg s0  }
0x1c: {  	s26 =	sadd.s32 $0x12000, s20;
	s28 =	sadd.s32 $0x13000, s20;
	[dreg:$0x17] =	wrdreg s17  }
0x1d: {  	s16 =	simm.s32 $0x12;
	s9 =	simm.s32 $0x4;
	[dreg:$0x18] =	wrdreg s18  }
0x1e: {  	s11 =	simm.s32 $0x8;
	s12 =	simm.s32 $0xD;
	[dreg:$0x19] =	wrdreg s19  }
0x1f: {  	s15 =	simm.s32 $0xC;
	s8 =	sadd.s32 s7, s22;
	[dreg:$0x1f] =	wrdreg s26  }
0x20: {  	s21 =	sadd.s32 $0xD000, s20;
	s22 =	sadd.s32 $0xE000, s20;
	[smem:$0x7FD] =	sst s28  }
0x21: {  	s23 =	sadd.s32 $0xF000, s20;
	s24 =	sadd.s32 $0x10000, s20;
	[dreg:$0x8] =	wrdreg s8  }
0x22: {  	s25 =	sadd.s32 $0x11000, s20;
	s17 =	simm.s32 $0x280;
	[dreg:$0x1a] =	wrdreg s21  }
.Ltmp0:
0x23: {  	s19 =	simm.s32 $0x300;
	[dreg:$0x1b] =	wrdreg s22;
	(pc) =	sbr.rel .LBB2_1-.Ltmp0, $4  }
0x24: {  	s26 =	simm.s32 $0x6400;
	s0 =	simm.s32 $0x9;
	[dreg:$0x1c] =	wrdreg s23  }
0x25: {  	s10 =	simm.s32 $0xB;
	s18 =	simm.s32 $0x0;
	[dreg:$0x1d] =	wrdreg s24  }
0x26: {  	[dreg:$0x1e] =	wrdreg s25;
	s22 =	simm.s32 $0x40;
	s23 =	simm.s32 $0x400  }
0x27: {  	v0 =	vimm.f32 $0.0e+00;
	s24 =	simm.s32 $0x2400;
	s25 =	simm.s32 $0x4400;
	s8 =	simm.s32 $0xA  }
.LBB2_10:
0x28: {  	_ =	swait.ge [sflag:s11], $0x2000  }
0x29: {  	[sflag:s11] =	ssyncset.done $0x0  }
0x2a: {  	[sflag:s11] =	ssyncadd.s32 $0xFFFFE000  }
0x2b: {  	s13 =	stileid.u32;
	[bflag:$0x0] =	sbarrier.arrive $0xFFFF  }
0x2c: {  	s13 =	sshll.u32 s13, $0x6;
	s20 =	rddreg [dreg:$0xa]  }
0x2d: {  	s13 =	sor.u32 $0x1C12, s13;
	s28 =	rddreg [dreg:$0x13];
	s16 =	sshrl.u32 s20, $0x3  }
0x2e: {  	[hbm:s28], [sflag:s13] =	dma.local [spmem:s16], $0x2800  }
0x2f: {  	s16 =	simm.s32 $0x12  }
0x30: {  	_ =	swait.ge [sflag:s16], $0x2800  }
0x31: {  	s18 =	sld [smem:$0x7FC];
	_ =	sdelay $0x2  }
0x32: {  	s28 =	rddreg [dreg:$0x14];
	s18 =	sadd.s32 $0x1, s18  }
0x33: {  	p0 =	sne.s32 s18, s28  }
.Ltmp1:
0x34: {  	_ = 	snop;
	(pc) =	sbr.rel @!p0 .LBB2_11-.Ltmp1, $3  }
0x35: {  	_ =	sdelay $0x1  }
0x36: {  	[sflag:s16] =	ssyncset.done $0x0  }
0x37: {  	[sflag:s16] =	ssyncadd.s32 $0xFFFFD800  }
.LBB2_1:
0x38: {  	[smem:$0x7FC] =	sst s18  }
0x39: {  	s13 =	rddreg [dreg:$0x3]  }
0x3a: {  	[tilespmem:s3], [sflag:$0x12] =	stream.linear.gather [hbm4b:s13+s3], $0x80, $0x38;
	[tilespmem:$0x1D400] =	vst v63  }
0x3b: {  	_ =	swait.ge [sflag:s16], $0x80  }
0x3c: {  	[sflag:s16] =	ssyncset.done $0x0  }
0x3d: {  	s21 =	rddreg [dreg:$0x4];
	[sflag:s16] =	ssyncadd.s32 $0xFFFFFF80  }
0x3e: {  	[tilespmem:s14], [sflag:$0x12] =	stream.linear.gather [hbm4b:s21+s3], $0x80, $0x38;
	[tilespmem:$0x1D400] =	vst v63  }
0x3f: {  	_ =	swait.ge [sflag:s16], $0x80  }
0x40: {  	[sflag:s16] =	ssyncset.done $0x0  }
0x41: {  	s21 =	simm.s32 $0x80;
	s18 =	rddreg [dreg:$0x5];
	[sflag:s16] =	ssyncadd.s32 $0xFFFFFF80  }
0x42: {  	[tilespmem:s21], [sflag:$0x12] =	stream.linear.gather [hbm4b:s18+s3], $0x80, $0x38;
	[tilespmem:$0x1D400] =	vst v63  }
0x43: {  	_ =	swait.ge [sflag:s16], $0x80  }
0x44: {  	[sflag:s16] =	ssyncset.done $0x0  }
0x45: {  	s18 =	rddreg [dreg:$0x6];
	[sflag:s16] =	ssyncadd.s32 $0xFFFFFF80  }
0x46: {  	[tilespmem:s17], [sflag:$0x12] =	stream.linear.gather [hbm4b:s18+s3], $0x80, $0x38;
	[tilespmem:$0x1D400] =	vst v63  }
0x47: {  	_ =	swait.ge [sflag:s16], $0x80  }
0x48: {  	[sflag:s16] =	ssyncset.done $0x0  }
0x49: {  	s18 =	simm.s32 $0x100;
	s21 =	rddreg [dreg:$0x7];
	[sflag:s16] =	ssyncadd.s32 $0xFFFFFF80  }
0x4a: {  	[tilespmem:s18], [sflag:$0x12] =	stream.linear.gather [hbm4b:s21+s3], $0x80, $0x38;
	[tilespmem:$0x1D400] =	vst v63  }
0x4b: {  	_ =	swait.ge [sflag:s16], $0x80  }
0x4c: {  	[sflag:s16] =	ssyncset.done $0x0  }
0x4d: {  	s21 =	rddreg [dreg:$0x8];
	[sflag:s16] =	ssyncadd.s32 $0xFFFFFF80  }
0x4e: {  	[tilespmem:s19], [sflag:$0x12] =	stream.linear.gather [hbm4b:s21+s3], $0x80, $0x38;
	[tilespmem:$0x1D400] =	vst v63  }
0x4f: {  	_ =	swait.ge [sflag:s16], $0x80  }
0x50: {  	[sflag:s16] =	ssyncset.done $0x0  }
0x51: {  	s28 =	simm.s32 $0x180;
	s21 =	rddreg [dreg:$0x9];
	[sflag:s16] =	ssyncadd.s32 $0xFFFFFF80  }
0x52: {  	[tilespmem:s28], [sflag:$0x12] =	stream.linear.gather [hbm4b:s21+s3], $0x80, $0x38;
	[tilespmem:$0x1D400] =	vst v63  }
0x53: {  	_ =	swait.ge [sflag:s16], $0x80  }
0x54: {  	[sflag:s16] =	ssyncset.done $0x0  }
0x55: {  	s21 =	simm.s32 $0x380;
	s13 =	rddreg [dreg:$0xb];
	[sflag:s16] =	ssyncadd.s32 $0xFFFFFF80  }
0x56: {  	[tilespmem:s21], [sflag:$0x12] =	stream.linear.gather [hbm4b:s13+s3], $0x80, $0x38;
	[tilespmem:$0x1D400] =	vst v63  }
0x57: {  	_ =	swait.ge [sflag:s16], $0x80  }
0x58: {  	[sflag:s16] =	ssyncset.done $0x0  }
0x59: {  	[sflag:s16] =	ssyncadd.s32 $0xFFFFFF80  }
0x5a: {  	[tilespmem:s23], [sflag:$0x1] =	stream.indirect.gather [hbm4b:s4+s22], $0x80, s3, s22, $0xb8;
	[tilespmem:$0x1D400] =	vst v63  }
0x5b: {  	s21 =	simm.s32 $0x80  }
0x5c: {  	[tilespmem:s24], [sflag:$0x2] =	stream.indirect.gather [hbm4b:s4+s22], $0x80, s21, s22, $0xb8;
	[tilespmem:$0x1D400] =	vst v63  }
0x5d: {  	_ = 	snop  }
0x5e: {  	[tilespmem:s25], [sflag:$0x3] =	stream.indirect.gather [hbm4b:s4+s22], $0x80, s18, s22, $0xb8;
	[tilespmem:$0x1D400] =	vst v63  }
0x5f: {  	_ = 	snop  }
0x60: {  	[tilespmem:s26], [sflag:$0x4] =	stream.indirect.gather [hbm4b:s4+s22], $0x80, s28, s22, $0xb8;
	[tilespmem:$0x1D400] =	vst v63  }
0x61: {  	s13 =	simm.s32 $0x0;
	s21 =	simm.s32 $0x180;
	s28 =	simm.s32 $0x200  }
.LBB2_2:
0x62: {  	p0 =	sne.s32 s28, $0x3E00;
	[tilespmem:s13+$0x8470] =	vst v0  }
0x63: {  	[tilespmem:s13+$0x8400] =	vst v0  }
0x64: {  	[tilespmem:s13+$0x8410] =	vst v0  }
.Ltmp2:
0x65: {  	[tilespmem:s13+$0x8420] =	vst v0;
	(pc) =	sbr.rel @p0 .LBB2_2-.Ltmp2, $4  }
0x66: {  	[tilespmem:s13+$0x8430] =	vst v0  }
0x67: {  	[tilespmem:s13+$0x8440] =	vst v0  }
0x68: {  	[tilespmem:s13+$0x8450] =	vst v0  }
0x69: {  	[tilespmem:s13+$0x8460] =	vst v0;
	s13 =	sshra.s32 s28, $0x2;
	s28 =	sadd.s32 $0x200, s28  }
0x6a: {  	[tilespmem:s13+$0x8470] =	vst v0  }
0x6b: {  	[tilespmem:s13+$0x8400] =	vst v0  }
0x6c: {  	[tilespmem:s13+$0x8410] =	vst v0  }
0x6d: {  	[tilespmem:s13+$0x8420] =	vst v0  }
0x6e: {  	[tilespmem:s13+$0x8430] =	vst v0  }
0x6f: {  	[tilespmem:s13+$0x8440] =	vst v0  }
0x70: {  	[tilespmem:s13+$0x8450] =	vst v0  }
0x71: {  	[tilespmem:s13+$0x8460] =	vst v0;
	s16 =	simm.s32 $0x8400;
	s18 =	rddreg [dreg:$0xd]  }
0x72: {  	[spmem:s20] =	stream.linear.scatter [tilespmem:s16], [sflag:$0x11], $0x1000, $0x38;
	[tilespmem:$0x1D400] =	vst v63  }
0x73: {  	s20 =	rddreg [dreg:$0xc]  }
0x74: {  	[spmem:s20] =	stream.linear.scatter [tilespmem:s16], [sflag:$0x11], $0x1000, $0x38;
	[tilespmem:$0x1D400] =	vst v63  }
0x75: {  	s20 =	rddreg [dreg:$0xe]  }
0x76: {  	[spmem:s18] =	stream.linear.scatter [tilespmem:s16], [sflag:$0x11], $0x1000, $0x38;
	[tilespmem:$0x1D400] =	vst v63  }
0x77: {  	s18 =	rddreg [dreg:$0xf]  }
0x78: {  	[spmem:s20] =	stream.linear.scatter [tilespmem:s16], [sflag:$0x11], $0x1000, $0x38;
	[tilespmem:$0x1D400] =	vst v63  }
0x79: {  	s20 =	rddreg [dreg:$0x10]  }
0x7a: {  	[spmem:s18] =	stream.linear.scatter [tilespmem:s16], [sflag:$0x11], $0x1000, $0x38;
	[tilespmem:$0x1D400] =	vst v63  }
0x7b: {  	s18 =	rddreg [dreg:$0x11]  }
0x7c: {  	[spmem:s20] =	stream.linear.scatter [tilespmem:s16], [sflag:$0x11], $0x1000, $0x38;
	[tilespmem:$0x1D400] =	vst v63  }
0x7d: {  	s20 =	rddreg [dreg:$0x12]  }
0x7e: {  	[spmem:s18] =	stream.linear.scatter [tilespmem:s16], [sflag:$0x11], $0x1000, $0x38;
	[tilespmem:$0x1D400] =	vst v63  }
0x7f: {  	s18 =	rddreg [dreg:$0x15]  }
0x80: {  	[spmem:s20] =	stream.linear.scatter [tilespmem:s16], [sflag:$0x11], $0x1000, $0x38;
	[tilespmem:$0x1D400] =	vst v63  }
0x81: {  	s20 =	rddreg [dreg:$0x16]  }
0x82: {  	[spmem:s18] =	stream.linear.scatter [tilespmem:s16], [sflag:$0x11], $0x1000, $0x38;
	[tilespmem:$0x1D400] =	vst v63  }
0x83: {  	s18 =	rddreg [dreg:$0x17]  }
0x84: {  	[spmem:s20] =	stream.linear.scatter [tilespmem:s16], [sflag:$0x11], $0x1000, $0x38;
	[tilespmem:$0x1D400] =	vst v63  }
0x85: {  	s20 =	rddreg [dreg:$0x18]  }
0x86: {  	[spmem:s18] =	stream.linear.scatter [tilespmem:s16], [sflag:$0x11], $0x1000, $0x38;
	[tilespmem:$0x1D400] =	vst v63  }
0x87: {  	s18 =	rddreg [dreg:$0x19]  }
0x88: {  	[spmem:s20] =	stream.linear.scatter [tilespmem:s16], [sflag:$0x11], $0x1000, $0x38;
	[tilespmem:$0x1D400] =	vst v63  }
0x89: {  	s20 =	rddreg [dreg:$0x1a]  }
0x8a: {  	[spmem:s18] =	stream.linear.scatter [tilespmem:s16], [sflag:$0x11], $0x1000, $0x38;
	[tilespmem:$0x1D400] =	vst v63  }
0x8b: {  	s18 =	rddreg [dreg:$0x1b]  }
0x8c: {  	[spmem:s20] =	stream.linear.scatter [tilespmem:s16], [sflag:$0x11], $0x1000, $0x38;
	[tilespmem:$0x1D400] =	vst v63  }
0x8d: {  	s20 =	rddreg [dreg:$0x1c]  }
0x8e: {  	[spmem:s18] =	stream.linear.scatter [tilespmem:s16], [sflag:$0x11], $0x1000, $0x38;
	[tilespmem:$0x1D400] =	vst v63  }
0x8f: {  	s18 =	rddreg [dreg:$0x1d]  }
0x90: {  	[spmem:s20] =	stream.linear.scatter [tilespmem:s16], [sflag:$0x11], $0x1000, $0x38;
	[tilespmem:$0x1D400] =	vst v63  }
0x91: {  	s20 =	rddreg [dreg:$0x1e]  }
0x92: {  	[spmem:s18] =	stream.linear.scatter [tilespmem:s16], [sflag:$0x11], $0x1000, $0x38;
	[tilespmem:$0x1D400] =	vst v63  }
0x93: {  	s18 =	rddreg [dreg:$0x1f]  }
0x94: {  	[spmem:s20] =	stream.linear.scatter [tilespmem:s16], [sflag:$0x11], $0x1000, $0x38;
	[tilespmem:$0x1D400] =	vst v63  }
0x95: {  	s20 =	sld [smem:$0x7FD]  }
0x96: {  	[spmem:s18] =	stream.linear.scatter [tilespmem:s16], [sflag:$0x11], $0x1000, $0x38;
	[tilespmem:$0x1D400] =	vst v63  }
0x97: {  	_ = 	snop  }
0x98: {  	[spmem:s20] =	stream.linear.scatter [tilespmem:s16], [sflag:$0x11], $0x1000, $0x38;
	[tilespmem:$0x1D400] =	vst v63  }
0x99: {  	_ =	swait.ge [sflag:s29], $0x1000  }
0x9a: {  	[sflag:s29] =	ssyncset.done $0x0  }
0x9b: {  	[sflag:s29] =	ssyncadd.s32 $0xFFFFF000  }
0x9c: {  	_ =	swait.ge [sflag:s29], $0x1000  }
0x9d: {  	[sflag:s29] =	ssyncset.done $0x0  }
0x9e: {  	[sflag:s29] =	ssyncadd.s32 $0xFFFFF000  }
0x9f: {  	_ =	swait.ge [sflag:s29], $0x1000  }
0xa0: {  	[sflag:s29] =	ssyncset.done $0x0  }
0xa1: {  	[sflag:s29] =	ssyncadd.s32 $0xFFFFF000  }
0xa2: {  	_ =	swait.ge [sflag:s29], $0x1000  }
0xa3: {  	[sflag:s29] =	ssyncset.done $0x0  }
0xa4: {  	[sflag:s29] =	ssyncadd.s32 $0xFFFFF000  }
0xa5: {  	_ =	swait.ge [sflag:s29], $0x1000  }
0xa6: {  	[sflag:s29] =	ssyncset.done $0x0  }
0xa7: {  	[sflag:s29] =	ssyncadd.s32 $0xFFFFF000  }
0xa8: {  	_ =	swait.ge [sflag:s29], $0x1000  }
0xa9: {  	[sflag:s29] =	ssyncset.done $0x0  }
0xaa: {  	[sflag:s29] =	ssyncadd.s32 $0xFFFFF000  }
0xab: {  	_ =	swait.ge [sflag:s29], $0x1000  }
0xac: {  	[sflag:s29] =	ssyncset.done $0x0  }
0xad: {  	[sflag:s29] =	ssyncadd.s32 $0xFFFFF000  }
0xae: {  	_ =	swait.ge [sflag:s29], $0x1000  }
0xaf: {  	[sflag:s29] =	ssyncset.done $0x0  }
0xb0: {  	[sflag:s29] =	ssyncadd.s32 $0xFFFFF000  }
0xb1: {  	_ =	swait.ge [sflag:s29], $0x1000  }
0xb2: {  	[sflag:s29] =	ssyncset.done $0x0  }
0xb3: {  	[sflag:s29] =	ssyncadd.s32 $0xFFFFF000  }
0xb4: {  	_ =	swait.ge [sflag:s29], $0x1000  }
0xb5: {  	[sflag:s29] =	ssyncset.done $0x0  }
0xb6: {  	[sflag:s29] =	ssyncadd.s32 $0xFFFFF000  }
0xb7: {  	_ =	swait.ge [sflag:s29], $0x1000  }
0xb8: {  	[sflag:s29] =	ssyncset.done $0x0  }
0xb9: {  	[sflag:s29] =	ssyncadd.s32 $0xFFFFF000  }
0xba: {  	_ =	swait.ge [sflag:s29], $0x1000  }
0xbb: {  	[sflag:s29] =	ssyncset.done $0x0  }
0xbc: {  	[sflag:s29] =	ssyncadd.s32 $0xFFFFF000  }
0xbd: {  	_ =	swait.ge [sflag:s29], $0x1000  }
0xbe: {  	[sflag:s29] =	ssyncset.done $0x0  }
0xbf: {  	[sflag:s29] =	ssyncadd.s32 $0xFFFFF000  }
0xc0: {  	_ =	swait.ge [sflag:s29], $0x1000  }
0xc1: {  	[sflag:s29] =	ssyncset.done $0x0  }
0xc2: {  	[sflag:s29] =	ssyncadd.s32 $0xFFFFF000  }
0xc3: {  	_ =	swait.ge [sflag:s29], $0x1000  }
0xc4: {  	[sflag:s29] =	ssyncset.done $0x0  }
0xc5: {  	[sflag:s29] =	ssyncadd.s32 $0xFFFFF000  }
0xc6: {  	_ =	swait.ge [sflag:s29], $0x1000  }
0xc7: {  	[sflag:s29] =	ssyncset.done $0x0  }
0xc8: {  	[sflag:s29] =	ssyncadd.s32 $0xFFFFF000  }
0xc9: {  	_ =	swait.ge [sflag:s29], $0x1000  }
0xca: {  	[sflag:s29] =	ssyncset.done $0x0  }
0xcb: {  	[sflag:s29] =	ssyncadd.s32 $0xFFFFF000  }
0xcc: {  	_ =	swait.ge [sflag:s29], $0x1000  }
0xcd: {  	[sflag:s29] =	ssyncset.done $0x0  }
0xce: {  	[sflag:s29] =	ssyncadd.s32 $0xFFFFF000  }
0xcf: {  	_ =	swait.ge [sflag:s29], $0x1000  }
0xd0: {  	[sflag:s29] =	ssyncset.done $0x0  }
0xd1: {  	[sflag:s29] =	ssyncadd.s32 $0xFFFFF000  }
.Ltmp3:
0xd2: {  	_ =	swait.ge [sflag:s29], $0x1000;
	(pc) =	sbr.rel .LBB2_4-.Ltmp3, $4  }
0xd3: {  	[sflag:s29] =	ssyncset.done $0x0  }
0xd4: {  	[sflag:s29] =	ssyncadd.s32 $0xFFFFF000  }
0xd5: {  	[bflag:$0x0] =	sbarrier.arrive $0xFFFF  }
0xd6: {  	s28 =	simm.s32 $0x0;
	s18 =	simm.s32 $0x380;
	s20 =	simm.s32 $0x4  }
.LBB2_8:
0xd7: {  	_ =	swait.ge [sflag:s31], $0x2000  }
0xd8: {  	[sflag:s31] =	ssyncset.done $0x0  }
0xd9: {  	s13 =	simm.s32 $0xE;
	[sflag:s31] =	ssyncadd.s32 $0xFFFFE000  }
0xda: {  	_ =	swait.ge [sflag:s13], $0x80  }
0xdb: {  	[sflag:s13] =	ssyncset.done $0x0  }
0xdc: {  	s16 =	simm.s32 $0x5;
	[sflag:s13] =	ssyncadd.s32 $0xFFFFFF80  }
0xdd: {  	_ =	swait.ge [sflag:s16], $0x2000  }
0xde: {  	[sflag:s16] =	ssyncset.done $0x0  }
0xdf: {  	[sflag:s16] =	ssyncadd.s32 $0xFFFFE000  }
0xe0: {  	[spmem:s2] =	stream.indirect.scatter.add.f32 [tilespmem:s24], [sflag:$0x6], $0x80, s17, s22, $0xb8;
	[tilespmem:$0x1D400] =	vst v63  }
0xe1: {  	_ =	swait.ge [sflag:s1], $0x2000  }
0xe2: {  	[sflag:s1] =	ssyncset.done $0x0  }
0xe3: {  	s16 =	simm.s32 $0xF;
	[sflag:s1] =	ssyncadd.s32 $0xFFFFE000  }
0xe4: {  	_ =	swait.ge [sflag:s16], $0x80  }
0xe5: {  	[sflag:s16] =	ssyncset.done $0x0  }
0xe6: {  	[sflag:s16] =	ssyncadd.s32 $0xFFFFFF80;
	s16 =	simm.s32 $0x6  }
0xe7: {  	_ =	swait.ge [sflag:s16], $0x2000  }
0xe8: {  	[sflag:s16] =	ssyncset.done $0x0  }
0xe9: {  	[sflag:s16] =	ssyncadd.s32 $0xFFFFE000  }
0xea: {  	[spmem:s2] =	stream.indirect.scatter.add.f32 [tilespmem:s25], [sflag:$0x7], $0x80, s19, s22, $0xb8;
	[tilespmem:$0x1D400] =	vst v63  }
0xeb: {  	_ =	swait.ge [sflag:s9], $0x2000  }
0xec: {  	[sflag:s9] =	ssyncset.done $0x0  }
0xed: {  	s16 =	simm.s32 $0x10;
	[sflag:s9] =	ssyncadd.s32 $0xFFFFE000  }
0xee: {  	_ =	swait.ge [sflag:s16], $0x80  }
0xef: {  	[sflag:s16] =	ssyncset.done $0x0  }
0xf0: {  	[sflag:s16] =	ssyncadd.s32 $0xFFFFFF80;
	s16 =	simm.s32 $0x7  }
0xf1: {  	_ =	swait.ge [sflag:s16], $0x2000  }
0xf2: {  	[sflag:s16] =	ssyncset.done $0x0  }
0xf3: {  	[sflag:s16] =	ssyncadd.s32 $0xFFFFE000  }
0xf4: {  	[spmem:s2] =	stream.indirect.scatter.add.f32 [tilespmem:s26], [sflag:$0x8], $0x80, s18, s22, $0xb8;
	[tilespmem:$0x1D400] =	vst v63  }
.LBB2_9:
0xf5: {  	s28 =	sadd.s32 $0x200, s28  }
0xf6: {  	p0 =	sne.s32 s28, $0x5000  }
.Ltmp4:
0xf7: {  	_ = 	snop;
	(pc) =	sbr.rel @!p0 .LBB2_10-.Ltmp4, $2  }
0xf8: {  	_ =	sdelay $0x2  }
0xf9: {  	s20 =	sadd.s32 $0x4, s20  }
.LBB2_4:
0xfa: {  	p0 =	sne.s32 s28, $0x0  }
.Ltmp5:
0xfb: {  	_ = 	snop;
	(pc) =	sbr.rel @!p0 .LBB2_5-.Ltmp5, $4  }
0xfc: {  	_ = 	snop  }
0xfd: {  	_ =	swait.ge [sflag:s30], $0x2000  }
0xfe: {  	[sflag:s30] =	ssyncset.done $0x0  }
0xff: {  	[sflag:s30] =	ssyncadd.s32 $0xFFFFE000  }
0x100: {  	_ =	swait.ge [sflag:s12], $0x80;
	s13 =	sand.u32 $0x7C00, s28  }
0x101: {  	s16 =	sand.u32 $0x200, s28;
	[sflag:s12] =	ssyncset.done $0x0;
	s13 =	sadd.s32 s6, s13  }
0x102: {  	[sflag:s12] =	ssyncadd.s32 $0xFFFFFF80;
	s13 =	sor.u32 s13, s16  }
0x103: {  	_ =	swait.ge [sflag:s11], $0x2000;
	s13 =	sor.u32 $0x180, s13  }
0x104: {  	[sflag:s11] =	ssyncset.done $0x0;
	s13 =	sshrl.u32 s13, $0x3  }
0x105: {  	[sflag:s11] =	ssyncadd.s32 $0xFFFFE000;
	s13 =	sadd.s32 s7, s13  }
0x106: {  	[tilespmem:s18], [sflag:$0x10] =	stream.linear.gather [hbm4b:s13+s3], $0x80, $0x38;
	[tilespmem:$0x1D400] =	vst v63  }
0x107: {  	p1 =	sne.s32 s28, $0x4E00;
	_ =	swait.ge [sflag:s15], $0x80  }
.Ltmp6:
0x108: {  	[sflag:s15] =	ssyncset.done $0x0;
	(pc) =	sbr.rel @p1 .LBB2_6-.Ltmp6, $4  }
.Ltmp7:
0x109: {  	[sflag:s15] =	ssyncadd.s32 $0xFFFFFF80;
	(pc) =	sbr.rel @!p1 .LBB2_8-.Ltmp7, $4  }
0x10a: {  	[tilespmem:s26], [sflag:$0x4] =	stream.indirect.gather [hbm4b:s4+s22], $0x80, s21, s22, $0xb8;
	[tilespmem:$0x1D400] =	vst v63  }
0x10b: {  	s13 =	smov.u32 s20  }
0x10c: {  	[spmem:s2] =	stream.indirect.scatter.add.f32 [tilespmem:s23], [sflag:$0x5], $0x80, s14, s22, $0xb8;
	[tilespmem:$0x1D400] =	vst v63  }
0x10d: {  	_ = 	snop  }
.LBB2_5:
0x10e: {  	[spmem:s2] =	stream.indirect.scatter.add.f32 [tilespmem:s23], [sflag:$0x5], $0x80, s14, s22, $0xb8;
	[tilespmem:$0x1D400] =	vst v63  }
0x10f: {  	s13 =	simm.s32 $0x4  }
.LBB2_6:
0x110: {  	s13 =	sshll.u32 s13, $0x7  }
0x111: {  	s16 =	sand.u32 $0xFC00, s13  }
0x112: {  	s13 =	sand.u32 $0x200, s13;
	s16 =	sadd.s32 s6, s16  }
0x113: {  	s13 =	sor.u32 s13, s16  }
0x114: {  	s13 =	sshrl.u32 s13, $0x3  }
0x115: {  	s18 =	sadd.s32 s5, s13  }
0x116: {  	[tilespmem:s3], [sflag:$0x9] =	stream.linear.gather [hbm4b:s18+s3], $0x80, $0x38;
	[tilespmem:$0x1D400] =	vst v63  }
0x117: {  	_ =	swait.ge [sflag:s31], $0x2000  }
0x118: {  	[sflag:s31] =	ssyncset.done $0x0  }
0x119: {  	s16 =	simm.s32 @p0 $0xE;
	[sflag:s31] =	ssyncadd.s32 $0xFFFFE000  }
0x11a: {  	_ =	swait.ge @p0 [sflag:s16], $0x80  }
0x11b: {  	[sflag:s16] =	ssyncset.done @p0 $0x0  }
0x11c: {  	[sflag:s16] =	ssyncadd.s32 @p0 $0xFFFFFF80;
	s16 =	simm.s32 @p0 $0x5  }
0x11d: {  	_ =	swait.ge @p0 [sflag:s16], $0x2000  }
0x11e: {  	[sflag:s16] =	ssyncset.done @p0 $0x0  }
0x11f: {  	[sflag:s16] =	ssyncadd.s32 @p0 $0xFFFFE000;
	s16 =	simm.s32 @!p0 $0x5  }
0x120: {  	_ =	swait.ge @!p0 [sflag:s16], $0x2000  }
0x121: {  	[sflag:s16] =	ssyncset.done @!p0 $0x0  }
0x122: {  	s13 =	sadd.s32 s7, s13;
	[sflag:s16] =	ssyncadd.s32 @!p0 $0xFFFFE000  }
0x123: {  	[tilespmem:s14], [sflag:$0xD] =	stream.linear.gather [hbm4b:s13+s3], $0x80, $0x38;
	[tilespmem:$0x1D400] =	vst v63  }
0x124: {  	s13 =	sadd.s32 $0x280, s28  }
0x125: {  	_ =	swait.ge [sflag:s0], $0x80;
	s18 =	sand.u32 $0xFC00, s13  }
0x126: {  	s13 =	sand.u32 $0x280, s13;
	[sflag:s0] =	ssyncset.done $0x0;
	s16 =	sadd.s32 s6, s18  }
0x127: {  	[sflag:s0] =	ssyncadd.s32 $0xFFFFFF80;
	s13 =	sor.u32 s13, s16  }
0x128: {  	[tilespmem:s23], [sflag:$0x1] =	stream.indirect.gather [hbm4b:s4+s22], $0x80, s3, s22, $0xb8;
	[tilespmem:$0x1D400] =	vst v63  }
0x129: {  	s13 =	sshrl.u32 s13, $0x3  }
0x12a: {  	[spmem:s2] =	stream.indirect.scatter.add.f32 [tilespmem:s24], [sflag:$0x6], $0x80, s17, s22, $0xb8;
	[tilespmem:$0x1D400] =	vst v63  }
0x12b: {  	s18 =	simm.s32 $0x80;
	s16 =	sadd.s32 s5, s13  }
0x12c: {  	[tilespmem:s18], [sflag:$0xA] =	stream.linear.gather [hbm4b:s16+s3], $0x80, $0x38;
	[tilespmem:$0x1D400] =	vst v63  }
0x12d: {  	_ =	swait.ge [sflag:s1], $0x2000  }
0x12e: {  	[sflag:s1] =	ssyncset.done $0x0  }
0x12f: {  	s16 =	simm.s32 @p0 $0xF;
	[sflag:s1] =	ssyncadd.s32 $0xFFFFE000  }
0x130: {  	_ =	swait.ge @p0 [sflag:s16], $0x80  }
0x131: {  	[sflag:s16] =	ssyncset.done @p0 $0x0  }
0x132: {  	[sflag:s16] =	ssyncadd.s32 @p0 $0xFFFFFF80;
	s16 =	simm.s32 @p0 $0x6  }
0x133: {  	_ =	swait.ge @p0 [sflag:s16], $0x2000  }
0x134: {  	[sflag:s16] =	ssyncset.done @p0 $0x0  }
0x135: {  	[sflag:s16] =	ssyncadd.s32 @p0 $0xFFFFE000;
	s16 =	simm.s32 @!p0 $0x6  }
0x136: {  	_ =	swait.ge @!p0 [sflag:s16], $0x2000  }
0x137: {  	[sflag:s16] =	ssyncset.done @!p0 $0x0  }
0x138: {  	s13 =	sadd.s32 s7, s13;
	[sflag:s16] =	ssyncadd.s32 @!p0 $0xFFFFE000  }
0x139: {  	[tilespmem:s17], [sflag:$0xE] =	stream.linear.gather [hbm4b:s13+s3], $0x80, $0x38;
	[tilespmem:$0x1D400] =	vst v63  }
0x13a: {  	_ =	swait.ge [sflag:s8], $0x80  }
0x13b: {  	[sflag:s8] =	ssyncset.done $0x0  }
0x13c: {  	s13 =	sadd.s32 $0x300, s28;
	[sflag:s8] =	ssyncadd.s32 $0xFFFFFF80  }
0x13d: {  	[tilespmem:s24], [sflag:$0x2] =	stream.indirect.gather [hbm4b:s4+s22], $0x80, s18, s22, $0xb8;
	[tilespmem:$0x1D400] =	vst v63  }
0x13e: {  	s18 =	sand.u32 $0xFC00, s13  }
0x13f: {  	s13 =	sand.u32 $0x300, s13;
	s16 =	sadd.s32 s6, s18  }
0x140: {  	[spmem:s2] =	stream.indirect.scatter.add.f32 [tilespmem:s25], [sflag:$0x7], $0x80, s19, s22, $0xb8;
	[tilespmem:$0x1D400] =	vst v63  }
0x141: {  	s13 =	sor.u32 s13, s16  }
0x142: {  	s13 =	sshrl.u32 s13, $0x3  }
0x143: {  	s18 =	simm.s32 $0x100;
	s16 =	sadd.s32 s5, s13  }
0x144: {  	[tilespmem:s18], [sflag:$0xB] =	stream.linear.gather [hbm4b:s16+s3], $0x80, $0x38;
	[tilespmem:$0x1D400] =	vst v63  }
0x145: {  	_ =	swait.ge [sflag:s9], $0x2000  }
0x146: {  	[sflag:s9] =	ssyncset.done $0x0  }
0x147: {  	s16 =	simm.s32 @p0 $0x10;
	[sflag:s9] =	ssyncadd.s32 $0xFFFFE000  }
0x148: {  	_ =	swait.ge @p0 [sflag:s16], $0x80  }
0x149: {  	[sflag:s16] =	ssyncset.done @p0 $0x0  }
0x14a: {  	[sflag:s16] =	ssyncadd.s32 @p0 $0xFFFFFF80;
	s16 =	simm.s32 @p0 $0x7  }
0x14b: {  	_ =	swait.ge @p0 [sflag:s16], $0x2000  }
0x14c: {  	[sflag:s16] =	ssyncset.done @p0 $0x0  }
0x14d: {  	[sflag:s16] =	ssyncadd.s32 @p0 $0xFFFFE000;
	s16 =	simm.s32 @!p0 $0x7  }
0x14e: {  	_ =	swait.ge @!p0 [sflag:s16], $0x2000  }
0x14f: {  	[sflag:s16] =	ssyncset.done @!p0 $0x0  }
0x150: {  	s13 =	sadd.s32 s7, s13;
	[sflag:s16] =	ssyncadd.s32 @!p0 $0xFFFFE000  }
0x151: {  	[tilespmem:s19], [sflag:$0xF] =	stream.linear.gather [hbm4b:s13+s3], $0x80, $0x38;
	[tilespmem:$0x1D400] =	vst v63  }
0x152: {  	s13 =	sadd.s32 $0x380, s28;
	_ =	swait.ge [sflag:s10], $0x80  }
0x153: {  	s16 =	sand.u32 $0xFC00, s13;
	[sflag:s10] =	ssyncset.done $0x0  }
0x154: {  	s13 =	sand.u32 $0x380, s13;
	s16 =	sadd.s32 s6, s16;
	[sflag:s10] =	ssyncadd.s32 $0xFFFFFF80  }
0x155: {  	[tilespmem:s25], [sflag:$0x3] =	stream.indirect.gather [hbm4b:s4+s22], $0x80, s18, s22, $0xb8;
	[tilespmem:$0x1D400] =	vst v63  }
.Ltmp8:
0x156: {  	s13 =	sor.u32 s13, s16;
	(pc) =	sbr.rel .LBB2_9-.Ltmp8, $4  }
0x157: {  	s18 =	simm.s32 $0x380;
	s13 =	sshrl.u32 s13, $0x3  }
0x158: {  	[spmem:s2] =	stream.indirect.scatter.add.f32 [tilespmem:s26], [sflag:$0x8], $0x80, s18, s22, $0xb8;
	[tilespmem:$0x1D400] =	vst v63  }
0x159: {  	s13 =	sadd.s32 s5, s13  }
0x15a: {  	[tilespmem:s21], [sflag:$0xC] =	stream.linear.gather [hbm4b:s13+s3], $0x80, $0x38;
	[tilespmem:$0x1D400] =	vst v63  }
.LBB2_11:
0x15b: {  	_ =	sfence.sel $0x180000  }
0x15c: {  	[bflag:$0x0] =	sbarrier.arrive $0xFFFF  }
0x15d: {  	_ =	strace $0x9000004A  }
0x15e: {  	s0 =	stileid.u32;
	[bflag:$0x2] =	sbarrier.arrive $0xFFFF  }
0x15f: {  	p0 =	sne.s32 s0, $0x0;
	s0 =	rddreg [dreg:$0x2]  }
0x160: {  	s0 =	sadd.s32 @!p0 $0x100000, s0  }
0x161: {  	[sflag:s0] =	ssyncadd.tile.s32 @!p0 $0x1;
	_ =	shalt  }
.Lfunc_end2:
_tile_overlayer_lowered:
.L_overlay_start_2:
0x162: {  	(tag) =	ssettag $0x2  }
0x163: {  	s0 =	rddreg [dreg:$0x0];
	s2 =	stileid.u32  }
0x164: {  	s1 =	rddreg [dreg:$0x1];
	p0 =	sne.s32 s2, $0x0  }
0x165: {  	s3 =	rddreg [dreg:$0x2];
	[bflag:$0x3] =	sbarrier.arrive $0xFFFF;
	s2 =	simm.s32 @!p0 $0x1C12  }
0x166: {  	[timem:s3], [sflag:s2] =	dma.local @!p0 [hbm:s0], s1  }
0x167: {  	s0 =	simm.s32 @!p0 $0x12  }
0x168: {  	_ =	swait.ge @!p0 [sflag:s0], s1  }
0x169: {  	s1 =	ssub.s32 @!p0 $0x0, s1;
	[sflag:s0] =	ssyncset.done @!p0 $0x0  }
0x16a: {  	[sflag:s0] =	ssyncadd.s32 @!p0 s1  }
0x16b: {  	[bflag:$0x3] =	sbarrier.arrive $0xFFFF  }
0x16c: {  	_ =	shalt  }

// kernel: kernel.7.cloned.1.call-start
scs
__scs_entry_jumppad:
0x0: {  	(pc) =	sbr.rel $0x88, $3  }
0x1: {  	(tag) =	ssettag $0x0;
	lr =	simm.s32 $0x1  }
0x2: {  	[smem:$0x3F9B] =	sst lr;
	_ =	strace $0xD0000000  }
0x3: {  	_ = 	snop  }
0x4: {  	_ = 	snop  }
0x5: {  	_ = 	snop  }
0x6: {  	_ = 	snop  }
0x7: {  	_ = 	snop  }
__scs_overlays_trampoline_lowered:
0x8: {  	[smem:$0x3FAA] =	sst s0  }
0x9: {  	[smem:$0x3FAB] =	sst s1  }
0xa: {  	[smem:$0x3FAC] =	sst s2  }
0xb: {  	[smem:$0x3FAD] =	sst s3  }
0xc: {  	[smem:$0x3FAE] =	sst s4  }
0xd: {  	[smem:$0x3FAF] =	sst s5  }
0xe: {  	[smem:$0x3FB0] =	sst s6  }
0xf: {  	[smem:$0x3FB1] =	sst s7  }
0x10: {  	[smem:$0x3FB2] =	sst s8  }
0x11: {  	[smem:$0x3FB3] =	sst s9;
	s0 =	simm.s32 @!p0 $0x0  }
0x12: {  	s1 =	sld [smem:$0x3F99];
	s0 =	simm.s32 @p0 $0x1  }
0x13: {  	[smem:$0x3FB4] =	sst s0;
	s0 =	simm.s32 @!p1 $0x0  }
0x14: {  	s2 =	sld [smem:$0x3F98];
	s0 =	simm.s32 @p1 $0x1  }
0x15: {  	[smem:$0x3FB5] =	sst s0;
	s0 =	simm.s32 @!p2 $0x0  }
0x16: {  	s3 =	sld [smem:$0x3FDB];
	s0 =	simm.s32 @p2 $0x1  }
0x17: {  	s4 =	simm.s32 $0x1BF5;
	[smem:$0x3FB7] =	sst s0  }
0x18: {  	s0 =	sld [smem:$0x3F9A];
	_ =	swait.ge [sflag:s4], $0x0  }
0x19: {  	s7 =	sld [smem:$0x3F9B]  }
0x1a: {  	s8 =	sadd.s32 $0xFFFFE003, lr  }
0x1b: {  	s9 =	sadd.s32 $0xFFFFFEF7, lr;
	s5 =	simm.s32 $0xFFFFFFFF;
	p2 =	slt.u32 s8, $0xFFFFF086  }
0x1c: {  	p1 =	slt.u32 s9, $0xF7A;
	s5 =	simm.s32 @!p2 $0x0  }
0x1d: {  	s5 =	simm.s32 @p1 $0x1;
	p0 =	seq.s32 s7, s2  }
0x1e: {  	s7 =	smul.u32 @!p0 $0xF7A, s2;
	p2 =	seq.s32 @!p0 s5, $0x0  }
0x1f: {  	s9 =	smul.u32 $0xF7A, s1;
	s8 =	simm.s32 @!p0 $0x1BF5;
	p2 =	por !p2, p0  }
0x20: {  	[sflag:s8] =	ssyncset.s32 @!p0 $0xFFFFF086;
	s6 =	sadd.s32 @!p0 s3, s7;
	s7 =	simm.s32 @!p0 $0x108  }
0x21: {  	s3 =	sadd.s32 s3, s9;
	s6 =	sadd.s32 @!p0 $0x88, s6;
	s7 =	simm.s32 @p2 $0x1082  }
0x22: {  	[simem:s7], [sflag:s8] =	dma.local @!p0 [hbm:s6], $0xF7A  }
0x23: {  	s9 =	sor.u32 $0xD0000000, s2;
	s6 =	simm.s32 $0x108;
	_ =	swait.ge @!p0 [sflag:s8], $0x0  }
0x24: {  	s3 =	sadd.s32 $0x88, s3;
	s6 =	simm.s32 @!p1 $0x1082;
	[sflag:s4] =	ssyncset.s32 $0xFFFFF086  }
0x25: {  	[simem:s6], [sflag:s4] =	dma.local [hbm:s3], $0xF7A  }
0x26: {  	[smem:$0x3F9B] =	sst s1;
	(tag) =	ssettag s2;
	_ =	strace s9  }
0x27: {  	s1 =	sld [smem:$0x3FAB]  }
0x28: {  	s2 =	sld [smem:$0x3FAC]  }
0x29: {  	s4 =	sld [smem:$0x3FAE]  }
0x2a: {  	p0 =	seq.s32 s5, $0x0;
	s5 =	sld [smem:$0x3FAF]  }
0x2b: {  	s6 =	sld [smem:$0x3FB0]  }
0x2c: {  	s7 =	sld [smem:$0x3FB1]  }
0x2d: {  	s3 =	simm.s32 $0x108;
	s8 =	sld [smem:$0x3FB2]  }
0x2e: {  	s3 =	simm.s32 @!p0 $0x1082;
	s9 =	sld [smem:$0x3FB3]  }
0x2f: {  	lr =	sadd.s32 s0, s3;
	s0 =	sld [smem:$0x3FAA]  }
0x30: {  	s3 =	sld [smem:$0x3FAD]  }
0x31: {  	[smem:$0x3FB6] =	sst s10  }
0x32: {  	s10 =	sld [smem:$0x3FB4];
	_ =	sdelay $0x3  }
0x33: {  	p0 =	seq.s32 s10, $0x1;
	s10 =	sld [smem:$0x3FB6];
	_ =	sdelay $0x3  }
0x34: {  	[smem:$0x3FB6] =	sst s10  }
0x35: {  	s10 =	sld [smem:$0x3FB5];
	_ =	sdelay $0x3  }
0x36: {  	p1 =	seq.s32 s10, $0x1;
	s10 =	sld [smem:$0x3FB6];
	_ =	sdelay $0x3  }
0x37: {  	[smem:$0x3FB6] =	sst s10  }
0x38: {  	s10 =	sld [smem:$0x3FB7]  }
0x39: {  	_ = 	snop;
	(pc) =	sbr.ind lr, $3  }
0x3a: {  	_ = 	snop  }
0x3b: {  	_ = 	snop  }
0x3c: {  	p2 =	seq.s32 s10, $0x1;
	s10 =	sld [smem:$0x3FB6]  }
0x3d: {  	_ =	shalt  }
0x3e: {  	_ =	shalt  }
0x3f: {  	_ =	shalt  }
0x40: {  	_ =	shalt  }
0x41: {  	_ =	shalt  }
0x42: {  	_ =	shalt  }
0x43: {  	_ =	shalt  }
0x44: {  	_ =	shalt  }
0x45: {  	_ =	shalt  }
0x46: {  	_ =	shalt  }
0x47: {  	_ =	shalt  }
0x48: {  	_ =	shalt  }
0x49: {  	_ =	shalt  }
0x4a: {  	_ =	shalt  }
0x4b: {  	_ =	shalt  }
0x4c: {  	_ =	shalt  }
0x4d: {  	_ =	shalt  }
0x4e: {  	_ =	shalt  }
0x4f: {  	_ =	shalt  }
0x50: {  	_ =	shalt  }
0x51: {  	_ =	shalt  }
0x52: {  	_ =	shalt  }
0x53: {  	_ =	shalt  }
0x54: {  	_ =	shalt  }
0x55: {  	_ =	shalt  }
0x56: {  	_ =	shalt  }
0x57: {  	_ =	shalt  }
0x58: {  	_ =	shalt  }
0x59: {  	_ =	shalt  }
0x5a: {  	_ =	shalt  }
0x5b: {  	_ =	shalt  }
0x5c: {  	_ =	shalt  }
0x5d: {  	_ =	shalt  }
0x5e: {  	_ =	shalt  }
0x5f: {  	_ =	shalt  }
0x60: {  	_ =	shalt  }
0x61: {  	_ =	shalt  }
0x62: {  	_ =	shalt  }
0x63: {  	_ =	shalt  }
0x64: {  	_ =	shalt  }
0x65: {  	_ =	shalt  }
0x66: {  	_ =	shalt  }
0x67: {  	_ =	shalt  }
0x68: {  	_ =	shalt  }
0x69: {  	_ =	shalt  }
0x6a: {  	_ =	shalt  }
0x6b: {  	_ =	shalt  }
0x6c: {  	_ =	shalt  }
0x6d: {  	_ =	shalt  }
0x6e: {  	_ =	shalt  }
0x6f: {  	_ =	shalt  }
0x70: {  	_ =	shalt  }
0x71: {  	_ =	shalt  }
0x72: {  	_ =	shalt  }
0x73: {  	_ =	shalt  }
0x74: {  	_ =	shalt  }
0x75: {  	_ =	shalt  }
0x76: {  	_ =	shalt  }
0x77: {  	_ =	shalt  }
0x78: {  	_ =	shalt  }
0x79: {  	_ =	shalt  }
0x7a: {  	_ =	shalt  }
0x7b: {  	_ =	shalt  }
0x7c: {  	_ =	shalt  }
0x7d: {  	_ =	shalt  }
0x7e: {  	_ =	shalt  }
0x7f: {  	_ =	shalt  }
0x80: {  	_ =	shalt  }
0x81: {  	_ =	shalt  }
0x82: {  	_ =	shalt  }
0x83: {  	_ =	shalt  }
0x84: {  	_ =	shalt  }
0x85: {  	_ =	shalt  }
0x86: {  	_ =	shalt  }
0x87: {  	_ =	shalt  }
.Lfunc_end0:
.L_simem_size_0:
called_computation_lowered:
.L_overlay_start_0:
0x88: {  	s2 =	sld [smem:$0x3FD9]  }
0x89: {  	s3 =	sld [smem:$0x3FFE];
	_ =	sdelay $0x1  }
0x8a: {  	s1 =	srdreg.scid  }
0x8b: {  	s0 =	sand.u32 $0x1, s1  }
0x8c: {  	s16 =	sshll.u32 s0, $0xA;
	s2 =	sadd.s32 s3, s2  }
0x8d: {  	s2 =	sadd.s32 s2, s16  }
0x8e: {  	[smem:$0x3FC2] =	sst s2  }
0x8f: {  	_ = 	snop  }
0x90: {  	(tm) =	ssettm $0x1  }
0x91: {  	s17 =	sld [smem:$0x3FFB];
	_ =	sdelay $0x3  }
0x92: {  	_ =	strace s17  }
0x93: {  	s2 =	sld [smem:$0x3FFC];
	_ =	sdelay $0x3  }
0x94: {  	_ =	strace s2  }
0x95: {  	s2 =	sld [smem:$0x3FFD];
	_ =	sdelay $0x3  }
0x96: {  	_ =	strace s2  }
0x97: {  	_ =	strace $0x8FFFFFFF  }
0x98: {  	s18 =	sld [smem:$0x3FDB];
	_ =	sdelay $0x1  }
0x99: {  	s19 =	simm.s32 $_scs_section_size  }
0x9a: {  	s4 =	simm.s32 $_size__tile_overlayer_lowered;
	s5 =	simm.s32 $_tile_overlayer_lowered  }
0x9b: {  	s22 =	simm.s32 $0x1BFF;
	s21 =	sshll.u32 s5, $0x1;
	s2 =	sadd.s32 s19, s18  }
0x9c: {  	s6 =	simm.s32 $0x0;
	s20 =	sshll.u32 s4, $0x1;
	s4 =	sadd.s32 s21, s2  }
0x9d: {  	[timem:s6], [sflag:s22] =	dma.local [hbm:s4], s20  }
0x9e: {  	_ =	swait.ge [sflag:s22], s20  }
0x9f: {  	s3 =	ssub.s32 $0x0, s20;
	[sflag:s22] =	ssyncset.done $0x0  }
0xa0: {  	[sflag:s22] =	ssyncadd.s32 s3;
	_ =	sdelay $0x1  }
0xa1: {  	s23 =	simm.s32 $0x1B8B  }
0xa2: {  	_ =	swait.ge [sflag:s23], $0x1  }
0xa3: {  	[sflag:s23] =	ssyncset.done $0x0  }
0xa4: {  	s25 =	simm.s32 $0x1B8E;
	s24 =	sld [smem:$0x3FFE];
	[sflag:s23] =	ssyncadd.s32 $0xFFFFFFFF  }
0xa5: {  	s26 =	simm.s32 $execute0_lowered;
	[smem:$0x3FD2] =	sst s25  }
0xa6: {  	s4 =	sshll.u32 s26, $0x1;
	_ =	strace $0x80000046;
	[dreg:$0x1] =	wrdreg $0xFFFFFFFF  }
0xa7: {  	s28 =	simm.s32 $_size_execute0_lowered;
	s2 =	sadd.s32 s2, s4;
	[dreg:$0x0] =	wrdreg $0x0  }
0xa8: {  	s4 =	sshll.u32 s28, $0x1;
	[dreg:$0x2] =	wrdreg s2  }
0xa9: {  	[dreg:$0x3] =	wrdreg s4  }
0xaa: {  	[dreg:$0x4] =	wrdreg $0xC0  }
0xab: {  	_ =	task [dreg:s6], $0x5FFFF  }
0xac: {  	[dreg:$0x1] =	wrdreg $0xFFFFFFFF  }
0xad: {  	[dreg:$0x0] =	wrdreg $0x60  }
0xae: {  	[dreg:$0x2] =	wrdreg s24  }
0xaf: {  	[dreg:$0x3] =	wrdreg $0x140000  }
0xb0: {  	[dreg:$0x4] =	wrdreg $0x168000  }
0xb1: {  	[dreg:$0x5] =	wrdreg $0x9  }
0xb2: {  	_ =	task.clear_ibuf [dreg:s6], $0x6FFFF;
	_ =	strace $0x90000046  }
0xb3: {  	s29 =	simm.s32 $0x9;
	_ =	strace $0x80000048  }
0xb4: {  	_ =	swait.ge [sflag:s29], $0x1  }
0xb5: {  	[sflag:s29] =	ssyncadd.s32 $0xFFFFFFFF  }
0xb6: {  	_ =	strace $0x90000048  }
0xb7: {  	_ =	sfence  }
0xb8: {  	s30 =	sld [smem:$0x0];
	_ =	sdelay $0x2  }
0xb9: {  	s31 =	sshll.u32 s1, $0xD;
	s1 =	sshrl.u32 s1, $0x2  }
0xba: {  	s3 =	sand.u32 $0x4000, s31;
	s1 =	sadd.s32 s1, s30  }
0xbb: {  	s0 =	sor.u32 s3, s0;
	s1 =	sshll.u32 s1, $0x11  }
0xbc: {  	s0 =	sor.u32 s1, s0  }
0xbd: {  	s0 =	sadd.s32 $0x8F2B, s0  }
0xbe: {  	[sflag:s0] =	ssyncadd.remote.s32 $0x1  }
0xbf: {  	_ =	sfence.sel $0xFFFF  }
0xc0: {  	[dreg:$0x0] =	wrdreg $0xFFFFFFFF;
	(pc) =	sbr.abs _section_cstart, $3  }
0xc1: {  	[dreg:$0x1] =	wrdreg $0xFFFFFFFF  }
0xc2: {  	_ =	task.clear_ibuf [dreg:s6], $0x2FFFF;
	_ =	strace $0x9FFFFFFF  }
0xc3: {  	(tm) =	ssettm $0x7FFFFFFF  }
tec
execute0_lowered:
.L_overlay_start_1:
0x0: {  	(tag) =	ssettag $0x1  }
0x1: {  	s0 =	rddreg [dreg:$0x0]  }
0x2: {  	s1 =	srdreg.scid;
	s2 =	rddreg [dreg:$0x1]  }
0x3: {  	s14 =	stileid.u32;
	s15 =	rddreg [dreg:$0x2];
	s16 =	simm.s32 $0x1  }
0x4: {  	s17 =	simm.s32 $0x4E80;
	s18 =	simm.s32 $0x80;
	s19 =	simm.s32 $0x400  }
0x5: {  	s20 =	simm.s32 $0x4;
	s21 =	simm.s32 $0x1400;
	s22 =	simm.s32 $0x14000  }
0x6: {  	s28 =	simm.s32 $0x3;
	s29 =	simm.s32 $0x11800;
	s30 =	simm.s32 $0x0  }
0x7: {  	s1 =	sand.u32 $0x1, s1;
	s3 =	sshll.u32 s14, $0x1;
	s4 =	smul.u32 $0x280, s14  }
0x8: {  	s6 =	sshrl.u32 s14, $0x2;
	s10 =	sadd.s32 $0x2000, s0;
	s24 =	smul.u32 $0x9C4, s14  }
0x9: {  	s12 =	sshrl.u32 s14, $0x3;
	s26 =	smul.u32 $0x5000, s14;
	s31 =	sshll.u32 s14, $0x7  }
0xa: {  	s5 =	sor.u32 s1, s3;
	s3 =	simm.s32 $0x0;
	s6 =	smul.u32 $0x14000, s6  }
0xb: {  	s23 =	ssub.s32 $0x2, s1;
	s12 =	smul.u32 $0x50000, s12;
	p0 =	sne.s32 s1, $0x0  }
0xc: {  	s7 =	smul.u32 $0x4E2, s5;
	[smem:$0x7FF] =	sst s3;
	s5 =	sshll.u32 s5, $0x7  }
0xd: {  	s9 =	sshrl.u32 s4, $0x3;
	s25 =	sshrl.u32 s23, $0x1;
	_ =	strace $0x80000047  }
0xe: {  	s5 =	sand.u32 $0x380, s5;
	s11 =	sadd.s32 s9, s0;
	s13 =	ssub.s32 s23, s25  }
0xf: {  	s12 =	sshrl.u32 s12, $0x2;
	s9 =	sshrl.u32 s26, $0x2;
	s23 =	simm.s32 $0x7680  }
0x10: {  	s25 =	simm.s32 $0xA100;
	s26 =	simm.s32 $0x2;
	s8 =	sadd.s32 s7, s0  }
0x11: {  	s5 =	sor.u32 s6, s5;
	s12 =	sadd.s32 s12, s2;
	s7 =	sadd.s32 s10, s7  }
0x12: {  	s9 =	sadd.s32 s9, s2;
	s11 =	sadd.s32 $0x15C00, s11;
	s13 =	smax.u32 s13, $0x1  }
0x13: {  	s5 =	sshrl.u32 s5, $0x3;
	s6 =	sadd.s32 $0xBE00, s8;
	s8 =	sand.u32 $0x380, s31  }
0x14: {  	s0 =	sadd.s32 s5, s0;
	s5 =	sadd.s32 s10, s24;
	s8 =	sadd.s32 s8, s12  }
0x15: {  	v0 =	vimm.f32 $0.0e+00;
	v1 =	vimm.f32 $1.000000000e+00;
	s10 =	sadd.s32 s4, s15;
	s24 =	simm.s32 $0x9E80;
	s12 =	sadd.s32 $0x16200, s0  }
.LBB2_1:
0x16: {  	[tilespmem:s3], [sflag:$0x1] =	stream.linear.gather [hbm4b:s5+s3], $0x4E20, $0x38;
	[tilespmem:$0x16A80] =	vst v63  }
0x17: {  	s0 =	simm.s32 $0xC900  }
0x18: {  	[tilespmem:s0], [sflag:$0x2] =	stream.linear.gather [hbm4b:s6+s3], $0x2710, $0x38;
	[tilespmem:$0x16A80] =	vst v63  }
0x19: {  	s31 =	simm.s32 $0xF080;
	s1 =	simm.s32 $0x0;
	s0 =	simm.s32 $0x40  }
0x1a: {  	[tilespmem:s31], [sflag:$0x3] =	stream.linear.gather [hbm4b:s7+s3], $0x2710, $0x38;
	[tilespmem:$0x16A80] =	vst v63  }
.LBB2_2:
0x1b: {  	p1 =	sne.s32 s0, $0x9FC0;
	[tilespmem:s1+$0x4E80] =	vst v0;
	s2 =	smov.u32 s0;
	s0 =	sadd.s32 $0x40, s0  }
.Ltmp0:
0x1c: {  	[tilespmem:s1+$0x11800] =	vst v0;
	(pc) =	sbr.rel @p1 .LBB2_2-.Ltmp0, $2  }
0x1d: {  	_ =	sdelay $0x2  }
0x1e: {  	s1 =	sshra.s32 s2, $0x2  }
0x1f: {  	[tilespmem:s1+$0x4E80] =	vst v0  }
0x20: {  	[tilespmem:s1+$0x11800] =	vst v0  }
0x21: {  	_ =	swait.ge [sflag:s16], $0x4E20  }
0x22: {  	[sflag:s16] =	ssyncset.done $0x0  }
0x23: {  	s0 =	simm.s32 $0xFFFFFFF8;
	s1 =	simm.s32 $0x40;
	[sflag:s16] =	ssyncadd.s32 $0xFFFFB1E0  }
.LBB2_4:
0x24: {  	v2 =	vld [tilespmem:s1+$0xFFFFFFC0];
	_ =	sdelay $0x7  }
0x25: {  	[tilespmem:v2+s17+$0x0] =	vst.idx.add.f32.msk $0xffff, v1  }
0x26: {  	v2 =	vld [tilespmem:s1+$0xFFFFFFD0];
	_ =	sdelay $0x7  }
0x27: {  	[tilespmem:v2+s17+$0x0] =	vst.idx.add.f32.msk $0xffff, v1  }
0x28: {  	v2 =	vld [tilespmem:s1+$0xFFFFFFE0];
	_ =	sdelay $0x7  }
0x29: {  	[tilespmem:v2+s17+$0x0] =	vst.idx.add.f32.msk $0xffff, v1  }
0x2a: {  	v2 =	vld [tilespmem:s1+$0xFFFFFFF0];
	_ =	sdelay $0x7  }
0x2b: {  	[tilespmem:v2+s17+$0x0] =	vst.idx.add.f32.msk $0xffff, v1  }
0x2c: {  	v2 =	vld [tilespmem:s1+$0x0];
	_ =	sdelay $0x7  }
0x2d: {  	[tilespmem:v2+s17+$0x0] =	vst.idx.add.f32.msk $0xffff, v1  }
0x2e: {  	v2 =	vld [tilespmem:s1+$0x10];
	_ =	sdelay $0x7  }
0x2f: {  	[tilespmem:v2+s17+$0x0] =	vst.idx.add.f32.msk $0xffff, v1  }
0x30: {  	v2 =	vld [tilespmem:s1+$0x20];
	_ =	sdelay $0x7  }
0x31: {  	[tilespmem:v2+s17+$0x0] =	vst.idx.add.f32.msk $0xffff, v1  }
0x32: {  	v2 =	vld [tilespmem:s1+$0x30];
	_ =	sdelay $0x1  }
0x33: {  	s0 =	sadd.s32 $0x8, s0  }
0x34: {  	p1 =	slt.u32 s0, $0x4D8  }
.Ltmp1:
0x35: {  	_ = 	snop;
	(pc) =	sbr.rel @p1 .LBB2_4-.Ltmp1, $2  }
0x36: {  	_ =	sdelay $0x2  }
0x37: {  	s1 =	sadd.s32 $0x80, s1;
	[tilespmem:v2+s17+$0x0] =	vst.idx.add.f32.msk $0xffff, v1  }
0x38: {  	v2 =	vld [tilespmem:$0x4E00];
	_ =	sdelay $0x7  }
0x39: {  	[tilespmem:v2+s17+$0x0] =	vst.idx.add.f32.msk $0xffff, v1  }
0x3a: {  	v2 =	vld [tilespmem:$0x4E10];
	_ =	sdelay $0x7  }
0x3b: {  	[tilespmem:v2+s17+$0x0] =	vst.idx.add.f32.msk $0xffff, v1  }
0x3c: {  	[spmem:s8] =	stream.strided.scatter [tilespmem:s17], [sflag:$0x4], $0x2800, s19, s18, $0x38;
	[tilespmem:$0x16A80] =	vst v63  }
0x3d: {  	_ =	swait.ge [sflag:s20], $0x2800  }
0x3e: {  	[sflag:s20] =	ssyncset.done $0x0  }
0x3f: {  	[sflag:s20] =	ssyncadd.s32 $0xFFFFD800  }
0x40: {  	[bflag:$0x0] =	sbarrier.arrive $0xFFFF  }
0x41: {  	[tilespmem:s23], [sflag:$0x4] =	stream.strided.gather [spmem:s9], $0x2800, s22, s21, $0x38;
	[tilespmem:$0x16A80] =	vst v63  }
0x42: {  	s0 =	simm.s32 $0x0;
	_ =	swait.ge [sflag:s20], $0x2800  }
0x43: {  	s1 =	sand.u32 $0x70, s0;
	s0 =	sand.u32 $0x1C00, s0;
	[sflag:s20] =	ssyncset.done $0x0  }
0x44: {  	s0 =	sor.u32 s1, s0;
	[sflag:s20] =	ssyncadd.s32 $0xFFFFD800  }
0x45: {  	v2 =	vld [tilespmem:s0+$0x7700]  }
0x46: {  	v3 =	vld [tilespmem:s0+$0x7680];
	_ =	sdelay $0x1  }
0x47: {  	v4 =	vld [tilespmem:s0+$0x7780];
	_ =	sdelay $0x1  }
0x48: {  	v5 =	vld [tilespmem:s0+$0x7800]  }
0x49: {  	v2 =	vadd.f32 v2, v3  }
0x4a: {  	v3 =	vld [tilespmem:s0+$0x7880]  }
0x4b: {  	v2 =	vadd.f32 v4, v2  }
0x4c: {  	v55 =	vld [tilespmem:s0+$0x7900]  }
0x4d: {  	v2 =	vadd.f32 v5, v2  }
0x4e: {  	v56 =	vld [tilespmem:s0+$0x7980]  }
0x4f: {  	v2 =	vadd.f32 v3, v2  }
0x50: {  	v3 =	vld [tilespmem:s0+$0x7A00]  }
0x51: {  	v2 =	vadd.f32 v55, v2  }
0x52: {  	v57 =	vld [tilespmem:s0+$0x8A80]  }
0x53: {  	v2 =	vadd.f32 v56, v2  }
0x54: {  	v58 =	vld [tilespmem:s0+$0x8B00]  }
0x55: {  	v2 =	vadd.f32 v3, v2  }
0x56: {  	v3 =	vld [tilespmem:s0+$0x8B80]  }
0x57: {  	v2 =	vadd.f32 v57, v2  }
0x58: {  	v59 =	vld [tilespmem:s0+$0x8C00]  }
0x59: {  	v2 =	vadd.f32 v58, v2  }
0x5a: {  	v60 =	vld [tilespmem:s0+$0x8C80]  }
0x5b: {  	v2 =	vadd.f32 v3, v2  }
0x5c: {  	v3 =	vld [tilespmem:s0+$0x8D00]  }
0x5d: {  	v2 =	vadd.f32 v59, v2  }
0x5e: {  	v61 =	vld [tilespmem:s0+$0x8D80]  }
0x5f: {  	v2 =	vadd.f32 v60, v2  }
0x60: {  	v62 =	vld [tilespmem:s0+$0x8E00]  }
0x61: {  	v2 =	vadd.f32 v3, v2;
	_ =	sdelay $0x1  }
0x62: {  	v2 =	vadd.f32 v61, v2;
	_ =	sdelay $0x1  }
0x63: {  	v2 =	vadd.f32 v62, v2;
	_ =	sdelay $0x1  }
0x64: {  	v2 =	vadd.f32 $1.000000000e+00, v2;
	_ =	sdelay $0x1  }
0x65: {  	v3 =	vshra.s32 v2, $0x1;
	v2 =	vmul.f32 $5.000000000e-01, v2  }
0x66: {  	v3 =	vsub.s32 $0x5F3759DF, v3  }
0x67: {  	v63 =	vmul.f32 v3, v2;
	_ =	sdelay $0x1  }
0x68: {  	v4 =	vmul.f32 v3, v63;
	_ =	sdelay $0x1  }
0x69: {  	v4 =	vsub.f32 $1.500000000e+00, v4;
	_ =	sdelay $0x1  }
0x6a: {  	v3 =	vmul.f32 v3, v4;
	_ =	sdelay $0x1  }
0x6b: {  	v4 =	vmul.f32 v3, v2;
	_ =	sdelay $0x1  }
0x6c: {  	v4 =	vmul.f32 v4, v3;
	_ =	sdelay $0x1  }
0x6d: {  	v4 =	vsub.f32 $1.500000000e+00, v4;
	_ =	sdelay $0x1  }
0x6e: {  	v3 =	vmul.f32 v4, v3;
	_ =	sdelay $0x1  }
0x6f: {  	v2 =	vmul.f32 v3, v2;
	_ =	sdelay $0x1  }
0x70: {  	v2 =	vmul.f32 v2, v3;
	_ =	sdelay $0x1  }
0x71: {  	v2 =	vsub.f32 $1.500000000e+00, v2;
	_ =	sdelay $0x1  }
0x72: {  	s15 =	sadd.s32 $0x0, s4;
	v2 =	vmul.f32 v2, v3  }
0x73: {  	p1 =	slt.u32 s15, $0x2710;
	s1 =	simm.s32 $0x10;
	s0 =	simm.s32 $0x80  }
0x74: {  	s31 =	simm.s32 $0x9E80;
	s2 =	sand.u32 $0x70, s1;
	s14 =	sand.u32 $0x1C00, s0;
	v2 =	vpsel !p1, $0x0, v2  }
0x75: {  	s14 =	sor.u32 s2, s14;
	s2 =	simm.s32 $0x20;
	[tilespmem:s31+$0x0] =	vst v2  }
.LBB2_6:
0x76: {  	p1 =	sne.s32 s2, $0x270;
	v2 =	vld [tilespmem:s14+$0x7700]  }
0x77: {  	v3 =	vld [tilespmem:s14+$0x7680];
	_ =	sdelay $0x1  }
0x78: {  	v4 =	vld [tilespmem:s14+$0x7780];
	_ =	sdelay $0x1  }
0x79: {  	v5 =	vld [tilespmem:s14+$0x7800]  }
0x7a: {  	v2 =	vadd.f32 v2, v3  }
0x7b: {  	v3 =	vld [tilespmem:s14+$0x7880]  }
0x7c: {  	v2 =	vadd.f32 v4, v2  }
0x7d: {  	v4 =	vld [tilespmem:s14+$0x7900]  }
0x7e: {  	v2 =	vadd.f32 v5, v2  }
0x7f: {  	v5 =	vld [tilespmem:s14+$0x7980]  }
0x80: {  	v2 =	vadd.f32 v3, v2  }
0x81: {  	v3 =	vld [tilespmem:s14+$0x7A00]  }
0x82: {  	v2 =	vadd.f32 v4, v2  }
0x83: {  	v4 =	vld [tilespmem:s14+$0x8A80]  }
0x84: {  	v2 =	vadd.f32 v5, v2  }
0x85: {  	v5 =	vld [tilespmem:s14+$0x8B00]  }
0x86: {  	v2 =	vadd.f32 v3, v2  }
0x87: {  	v3 =	vld [tilespmem:s14+$0x8B80]  }
0x88: {  	v2 =	vadd.f32 v4, v2  }
0x89: {  	v4 =	vld [tilespmem:s14+$0x8C00]  }
0x8a: {  	v2 =	vadd.f32 v5, v2  }
0x8b: {  	v5 =	vld [tilespmem:s14+$0x8C80]  }
0x8c: {  	v2 =	vadd.f32 v3, v2  }
0x8d: {  	v3 =	vld [tilespmem:s14+$0x8D00]  }
0x8e: {  	v2 =	vadd.f32 v4, v2  }
0x8f: {  	v4 =	vld [tilespmem:s14+$0x8D80]  }
0x90: {  	v2 =	vadd.f32 v5, v2  }
0x91: {  	v5 =	vld [tilespmem:s14+$0x8E00]  }
0x92: {  	v2 =	vadd.f32 v3, v2;
	_ =	sdelay $0x1  }
0x93: {  	v2 =	vadd.f32 v4, v2;
	_ =	sdelay $0x1  }
0x94: {  	v2 =	vadd.f32 v5, v2;
	_ =	sdelay $0x1  }
0x95: {  	v2 =	vadd.f32 $1.000000000e+00, v2;
	_ =	sdelay $0x1  }
0x96: {  	v3 =	vshra.s32 v2, $0x1;
	v2 =	vmul.f32 $5.000000000e-01, v2  }
0x97: {  	v3 =	vsub.s32 $0x5F3759DF, v3  }
0x98: {  	v4 =	vmul.f32 v3, v2;
	_ =	sdelay $0x1  }
0x99: {  	v4 =	vmul.f32 v3, v4;
	_ =	sdelay $0x1  }
0x9a: {  	v4 =	vsub.f32 $1.500000000e+00, v4;
	_ =	sdelay $0x1  }
0x9b: {  	v3 =	vmul.f32 v3, v4;
	_ =	sdelay $0x1  }
0x9c: {  	v4 =	vmul.f32 v3, v2;
	_ =	sdelay $0x1  }
0x9d: {  	v4 =	vmul.f32 v4, v3;
	_ =	sdelay $0x1  }
0x9e: {  	v4 =	vsub.f32 $1.500000000e+00, v4;
	_ =	sdelay $0x1  }
0x9f: {  	v3 =	vmul.f32 v4, v3;
	_ =	sdelay $0x1  }
0xa0: {  	v2 =	vmul.f32 v3, v2;
	_ =	sdelay $0x1  }
0xa1: {  	v2 =	vmul.f32 v2, v3;
	_ =	sdelay $0x1  }
0xa2: {  	v2 =	vsub.f32 $1.500000000e+00, v2  }
.Ltmp2:
0xa3: {  	(pc) =	sbr.rel @p1 .LBB2_6-.Ltmp2, $4  }
0xa4: {  	s14 =	sadd.s32 s1, s4;
	s1 =	smov.u32 s2;
	v2 =	vmul.f32 v2, v3  }
0xa5: {  	s0 =	sadd.s32 $0x80, s0;
	p2 =	slt.u32 s14, $0x2710  }
0xa6: {  	s31 =	sadd.s32 $0x10, s31;
	s15 =	sand.u32 $0x1C00, s0;
	s14 =	sand.u32 $0x70, s2;
	v2 =	vpsel !p2, $0x0, v2  }
0xa7: {  	s2 =	sadd.s32 $0x10, s2;
	s14 =	sor.u32 s14, s15;
	[tilespmem:s31+$0x0] =	vst v2  }
0xa8: {  	v2 =	vld [tilespmem:s14+$0x7700]  }
0xa9: {  	v3 =	vld [tilespmem:s14+$0x7680];
	_ =	sdelay $0x1  }
0xaa: {  	v4 =	vld [tilespmem:s14+$0x7780];
	_ =	sdelay $0x1  }
0xab: {  	v5 =	vld [tilespmem:s14+$0x7800]  }
0xac: {  	v2 =	vadd.f32 v2, v3  }
0xad: {  	v3 =	vld [tilespmem:s14+$0x7880]  }
0xae: {  	v2 =	vadd.f32 v4, v2  }
0xaf: {  	v55 =	vld [tilespmem:s14+$0x7900]  }
0xb0: {  	v2 =	vadd.f32 v5, v2  }
0xb1: {  	v56 =	vld [tilespmem:s14+$0x7980]  }
0xb2: {  	v2 =	vadd.f32 v3, v2  }
0xb3: {  	v3 =	vld [tilespmem:s14+$0x7A00]  }
0xb4: {  	v2 =	vadd.f32 v55, v2  }
0xb5: {  	v57 =	vld [tilespmem:s14+$0x8A80]  }
0xb6: {  	v2 =	vadd.f32 v56, v2  }
0xb7: {  	v58 =	vld [tilespmem:s14+$0x8B00]  }
0xb8: {  	v2 =	vadd.f32 v3, v2  }
0xb9: {  	v3 =	vld [tilespmem:s14+$0x8B80]  }
0xba: {  	v2 =	vadd.f32 v57, v2  }
0xbb: {  	v59 =	vld [tilespmem:s14+$0x8C00]  }
0xbc: {  	v2 =	vadd.f32 v58, v2  }
0xbd: {  	v60 =	vld [tilespmem:s14+$0x8C80]  }
0xbe: {  	v2 =	vadd.f32 v3, v2  }
0xbf: {  	v3 =	vld [tilespmem:s14+$0x8D00]  }
0xc0: {  	v2 =	vadd.f32 v59, v2  }
0xc1: {  	v61 =	vld [tilespmem:s14+$0x8D80]  }
0xc2: {  	v2 =	vadd.f32 v60, v2  }
0xc3: {  	v62 =	vld [tilespmem:s14+$0x8E00]  }
0xc4: {  	v2 =	vadd.f32 v3, v2;
	_ =	sdelay $0x1  }
0xc5: {  	v2 =	vadd.f32 v61, v2;
	_ =	sdelay $0x1  }
0xc6: {  	v2 =	vadd.f32 v62, v2;
	_ =	sdelay $0x1  }
0xc7: {  	v2 =	vadd.f32 $1.000000000e+00, v2;
	_ =	sdelay $0x1  }
0xc8: {  	v3 =	vshra.s32 v2, $0x1;
	v2 =	vmul.f32 $5.000000000e-01, v2  }
0xc9: {  	v3 =	vsub.s32 $0x5F3759DF, v3  }
0xca: {  	v63 =	vmul.f32 v3, v2;
	_ =	sdelay $0x1  }
0xcb: {  	v4 =	vmul.f32 v3, v63;
	_ =	sdelay $0x1  }
0xcc: {  	v4 =	vsub.f32 $1.500000000e+00, v4;
	_ =	sdelay $0x1  }
0xcd: {  	v3 =	vmul.f32 v3, v4;
	_ =	sdelay $0x1  }
0xce: {  	v4 =	vmul.f32 v3, v2;
	_ =	sdelay $0x1  }
0xcf: {  	v4 =	vmul.f32 v4, v3;
	_ =	sdelay $0x1  }
0xd0: {  	v4 =	vsub.f32 $1.500000000e+00, v4;
	_ =	sdelay $0x1  }
0xd1: {  	v3 =	vmul.f32 v4, v3;
	_ =	sdelay $0x1  }
0xd2: {  	v2 =	vmul.f32 v3, v2;
	_ =	sdelay $0x1  }
0xd3: {  	v2 =	vmul.f32 v2, v3;
	_ =	sdelay $0x1  }
0xd4: {  	v2 =	vsub.f32 $1.500000000e+00, v2;
	_ =	sdelay $0x1  }
0xd5: {  	s0 =	sadd.s32 s1, s4;
	v2 =	vmul.f32 v2, v3  }
0xd6: {  	p1 =	slt.u32 s0, $0x2710  }
0xd7: {  	s15 =	sadd.s32 $0x10, s31;
	v2 =	vpsel !p1, $0x0, v2  }
0xd8: {  	[tilespmem:s15+$0x0] =	vst v2  }
0xd9: {  	[spmem:s10] =	stream.linear.scatter [tilespmem:s24], [sflag:$0x4], $0x280, $0x38;
	[tilespmem:$0x16A80] =	vst v63  }
0xda: {  	_ =	swait.ge [sflag:s20], $0x280  }
0xdb: {  	[sflag:s20] =	ssyncset.done $0x0  }
0xdc: {  	s1 =	simm.s32 @!p0 $0x9E80;
	s0 =	simm.s32 @!p0 $0x0;
	[sflag:s20] =	ssyncadd.s32 $0xFFFFFD80  }
0xdd: {  	[hbm4b:s11+s0] =	stream.linear.scatter @!p0 [tilespmem:s1], [sflag:$0x4], $0x280, $0x38;
	[tilespmem:$0x16A80] =	vst v63  }
0xde: {  	s0 =	simm.s32 @!p0 $0x4  }
0xdf: {  	_ =	swait.ge @!p0 [sflag:s0], $0x280  }
0xe0: {  	[sflag:s0] =	ssyncset.done @!p0 $0x0  }
0xe1: {  	[sflag:s0] =	ssyncadd.s32 @!p0 $0xFFFFFD80  }
0xe2: {  	[bflag:$0x0] =	sbarrier.arrive $0xFFFF  }
0xe3: {  	s31 =	rddreg [dreg:$0x2]  }
0xe4: {  	[tilespmem:s25], [sflag:$0x4] =	stream.linear.gather [spmem:s31], $0x2800, $0x38;
	[tilespmem:$0x16A80] =	vst v63  }
0xe5: {  	_ =	swait.ge [sflag:s20], $0x2800  }
0xe6: {  	[sflag:s20] =	ssyncset.done $0x0  }
0xe7: {  	[sflag:s20] =	ssyncadd.s32 $0xFFFFD800  }
0xe8: {  	_ =	swait.ge [sflag:s26], $0x2710  }
0xe9: {  	[sflag:s26] =	ssyncset.done $0x0  }
0xea: {  	[sflag:s26] =	ssyncadd.s32 $0xFFFFD8F0  }
0xeb: {  	_ =	swait.ge [sflag:s28], $0x2710  }
0xec: {  	s2 =	simm.s32 $0xF0C0;
	[sflag:s28] =	ssyncset.done $0x0  }
0xed: {  	s1 =	simm.s32 $0xC940;
	s0 =	simm.s32 $0xFFFFFFF8;
	[sflag:s28] =	ssyncadd.s32 $0xFFFFD8F0  }
.LBB2_8:
0xee: {  	v2 =	vld [tilespmem:s2+$0xFFFFFFC0];
	_ =	sdelay $0x4  }
0xef: {  	v3 =	vld [tilespmem:s1+$0xFFFFFFC0];
	_ =	sdelay $0x2  }
0xf0: {  	v2 =	vld.idx.msk [tilespmem:v2+s25+$0x0], $0xffff;
	_ =	sdelay $0x4  }
0xf1: {  	[tilespmem:v3+s29+$0x0] =	vst.idx.add.f32.msk $0xffff, v2  }
0xf2: {  	v2 =	vld [tilespmem:s2+$0xFFFFFFD0];
	_ =	sdelay $0x4  }
0xf3: {  	v3 =	vld [tilespmem:s1+$0xFFFFFFD0];
	_ =	sdelay $0x2  }
0xf4: {  	v2 =	vld.idx.msk [tilespmem:v2+s25+$0x0], $0xffff;
	_ =	sdelay $0x4  }
0xf5: {  	[tilespmem:v3+s29+$0x0] =	vst.idx.add.f32.msk $0xffff, v2  }
0xf6: {  	v2 =	vld [tilespmem:s2+$0xFFFFFFE0];
	_ =	sdelay $0x4  }
0xf7: {  	v3 =	vld [tilespmem:s1+$0xFFFFFFE0];
	_ =	sdelay $0x2  }
0xf8: {  	v2 =	vld.idx.msk [tilespmem:v2+s25+$0x0], $0xffff;
	_ =	sdelay $0x4  }
0xf9: {  	[tilespmem:v3+s29+$0x0] =	vst.idx.add.f32.msk $0xffff, v2  }
0xfa: {  	v2 =	vld [tilespmem:s2+$0xFFFFFFF0];
	_ =	sdelay $0x4  }
0xfb: {  	v3 =	vld [tilespmem:s1+$0xFFFFFFF0];
	_ =	sdelay $0x2  }
0xfc: {  	v2 =	vld.idx.msk [tilespmem:v2+s25+$0x0], $0xffff;
	_ =	sdelay $0x4  }
0xfd: {  	[tilespmem:v3+s29+$0x0] =	vst.idx.add.f32.msk $0xffff, v2  }
0xfe: {  	v2 =	vld [tilespmem:s2+$0x0];
	_ =	sdelay $0x4  }
0xff: {  	v3 =	vld [tilespmem:s1+$0x0];
	_ =	sdelay $0x2  }
0x100: {  	v2 =	vld.idx.msk [tilespmem:v2+s25+$0x0], $0xffff;
	_ =	sdelay $0x4  }
0x101: {  	[tilespmem:v3+s29+$0x0] =	vst.idx.add.f32.msk $0xffff, v2  }
0x102: {  	v2 =	vld [tilespmem:s2+$0x10];
	_ =	sdelay $0x4  }
0x103: {  	v3 =	vld [tilespmem:s1+$0x10];
	_ =	sdelay $0x2  }
0x104: {  	v2 =	vld.idx.msk [tilespmem:v2+s25+$0x0], $0xffff;
	_ =	sdelay $0x4  }
0x105: {  	[tilespmem:v3+s29+$0x0] =	vst.idx.add.f32.msk $0xffff, v2  }
0x106: {  	v2 =	vld [tilespmem:s2+$0x20];
	_ =	sdelay $0x4  }
0x107: {  	v3 =	vld [tilespmem:s1+$0x20];
	_ =	sdelay $0x2  }
0x108: {  	v2 =	vld.idx.msk [tilespmem:v2+s25+$0x0], $0xffff;
	_ =	sdelay $0x4  }
0x109: {  	[tilespmem:v3+s29+$0x0] =	vst.idx.add.f32.msk $0xffff, v2  }
0x10a: {  	v2 =	vld [tilespmem:s2+$0x30];
	_ =	sdelay $0x4  }
0x10b: {  	v3 =	vld [tilespmem:s1+$0x30];
	_ =	sdelay $0x1  }
0x10c: {  	s0 =	sadd.s32 $0x8, s0  }
0x10d: {  	p1 =	slt.u32 s0, $0x268;
	v2 =	vld.idx.msk [tilespmem:v2+s25+$0x0], $0xffff  }
.Ltmp3:
0x10e: {  	_ = 	snop;
	(pc) =	sbr.rel @p1 .LBB2_8-.Ltmp3, $2  }
0x10f: {  	_ =	sdelay $0x2  }
0x110: {  	s1 =	sadd.s32 $0x80, s1;
	s2 =	sadd.s32 $0x80, s2;
	[tilespmem:v3+s29+$0x0] =	vst.idx.add.f32.msk $0xffff, v2  }
0x111: {  	v2 =	vld [tilespmem:$0x11780];
	_ =	sdelay $0x4  }
0x112: {  	v3 =	vld [tilespmem:$0xF000];
	_ =	sdelay $0x2  }
0x113: {  	v2 =	vld.idx.msk [tilespmem:v2+s25+$0x0], $0xffff;
	_ =	sdelay $0x2  }
0x114: {  	s30 =	sadd.s32 $0x1, s30  }
0x115: {  	p1 =	sne.s32 s30, s13  }
.Ltmp4:
0x116: {  	[tilespmem:v3+s29+$0x0] =	vst.idx.add.f32.msk $0xffff, v2;
	(pc) =	sbr.rel @p1 .LBB2_1-.Ltmp4, $4  }
0x117: {  	[hbm4b:s12+s18] =	stream.strided.scatter [tilespmem:s29], [sflag:$0x4], $0x2800, s19, s18, $0x38;
	[tilespmem:$0x16A80] =	vst v63  }
0x118: {  	_ =	swait.ge [sflag:s20], $0x2800  }
0x119: {  	[sflag:s20] =	ssyncset.done $0x0  }
0x11a: {  	[sflag:s20] =	ssyncadd.s32 $0xFFFFD800  }
0x11b: {  	_ =	sfence.sel $0x180000  }
0x11c: {  	[bflag:$0x0] =	sbarrier.arrive $0xFFFF  }
0x11d: {  	_ =	strace $0x90000047  }
0x11e: {  	s0 =	stileid.u32;
	[bflag:$0x2] =	sbarrier.arrive $0xFFFF  }
0x11f: {  	p0 =	sne.s32 s0, $0x0;
	s0 =	rddreg [dreg:$0x3]  }
0x120: {  	s0 =	sadd.s32 @!p0 $0x100000, s0  }
0x121: {  	[sflag:s0] =	ssyncadd.tile.s32 @!p0 $0x1;
	_ =	shalt  }
.Lfunc_end2:
_tile_overlayer_lowered:
.L_overlay_start_2:
0x122: {  	(tag) =	ssettag $0x2  }
0x123: {  	s0 =	rddreg [dreg:$0x0];
	s2 =	stileid.u32  }
0x124: {  	s1 =	rddreg [dreg:$0x1];
	p0 =	sne.s32 s2, $0x0  }
0x125: {  	s3 =	rddreg [dreg:$0x2];
	[bflag:$0x3] =	sbarrier.arrive $0xFFFF;
	s2 =	simm.s32 @!p0 $0x1C04  }
0x126: {  	[timem:s3], [sflag:s2] =	dma.local @!p0 [hbm:s0], s1  }
0x127: {  	s0 =	simm.s32 @!p0 $0x4  }
0x128: {  	_ =	swait.ge @!p0 [sflag:s0], s1  }
0x129: {  	s1 =	ssub.s32 @!p0 $0x0, s1;
	[sflag:s0] =	ssyncset.done @!p0 $0x0  }
0x12a: {  	[sflag:s0] =	ssyncadd.s32 @!p0 s1  }
0x12b: {  	[bflag:$0x3] =	sbarrier.arrive $0xFFFF  }
0x12c: {  	_ =	shalt  }

</sc_bundles>
